<compile_context>
chip_gen: v7x
topology: tpu7x:2x2x1
jax: 0.10.2.dev20260603
libtpu: 0.0.44.dev20260713+nightly
codegen_flags: <defaults>
</compile_context>

<pallas_src>
import functools
import math

import jax
import jax.numpy as jnp
from jax import lax
from jax.experimental import pallas as pl
from jax.experimental.pallas import tpu as pltpu
from jax.experimental.pallas import tpu_sc as plsc

N = 10000
E = 320000
D = 128
NC = 2
NS = 16
NW = NC * NS
EPW = E // NW
K = 128
CH = 80
EPAD = CH * K
NP = 10240
SH = NP // NS

_mesh = plsc.VectorSubcoreMesh(core_axis_name="c", subcore_axis_name="s")


@functools.partial(
    pl.kernel,
    mesh=_mesh,
    out_type=jax.ShapeDtypeStruct((NC * NP,), jnp.float32),
    scratch_types=[
        pltpu.VMEM((CH, K), jnp.int32),
        pltpu.VMEM((K,), jnp.float32),
        pltpu.VMEM_SHARED((NP,), jnp.float32),
    ],
    compiler_params=pltpu.CompilerParams(use_tc_tiling_on_sc=False),
)
def _deg_kernel(dst3, ones_hbm, zeros_hbm, out, dst_v, ones_v, deg_sh):
    c = lax.axis_index("c")
    s = lax.axis_index("s")
    w = c * NS + s
    pltpu.sync_copy(dst3.at[w], dst_v)
    pltpu.sync_copy(ones_hbm, ones_v)
    pltpu.sync_copy(zeros_hbm.at[pl.ds(s * SH, SH)],
                    deg_sh.at[pl.ds(s * SH, SH)])
    plsc.subcore_barrier()

    def body(j, carry):
        pltpu.sync_copy(ones_v, deg_sh.at[dst_v.at[j]], add=True)
        return carry

    lax.fori_loop(0, CH, body, 0)
    plsc.subcore_barrier()
    pltpu.sync_copy(deg_sh.at[pl.ds(s * SH, SH)],
                    out.at[pl.ds(c * NP + s * SH, SH)])


GRP = 32
DH = D // NC
CH2 = 160
NGRP2 = CH2 // GRP
EPT = CH2 * K
NG = N + 8
SH2 = 624
G_TAIL = NG - NS * SH2
O_TAIL = N - NS * SH2


@functools.partial(
    pl.kernel,
    mesh=_mesh,
    out_type=jax.ShapeDtypeStruct((NC, N, DH), jnp.float32),
    scratch_types=[
        pltpu.VMEM((GRP, K), jnp.int32),
        pltpu.VMEM((GRP, K), jnp.int32),
        pltpu.VMEM((K, DH), jnp.float32),
        pltpu.VMEM((K, DH), jnp.float32),
        pltpu.VMEM((K, DH), jnp.float32),
        pltpu.VMEM((K, DH), jnp.float32),
        pltpu.VMEM_SHARED((NG, DH), jnp.float32),
        pltpu.VMEM_SHARED((N, DH), jnp.float32),
        pltpu.SemaphoreType.DMA,
        pltpu.SemaphoreType.DMA,
        pltpu.SemaphoreType.DMA,
        pltpu.SemaphoreType.DMA,
    ],
    compiler_params=pltpu.CompilerParams(use_tc_tiling_on_sc=False),
)
def _edge_kernel(src3, dst3, gflat, zeros_hbm, out,
                 src_gv, dst_gv, rows0, rows1, rows2, rows3, g_sh, out_sh,
                 sem0, sem1, sem2, sem3):
    c = lax.axis_index("c")
    s = lax.axis_index("s")
    a_g = pltpu.async_copy(gflat.at[pl.ds(c * NG + s * SH2, SH2)],
                           g_sh.at[pl.ds(s * SH2, SH2)], sem0)
    a_z = pltpu.async_copy(zeros_hbm.at[pl.ds(s * SH2, SH2)],
                           out_sh.at[pl.ds(s * SH2, SH2)], sem1)

    @pl.when(s == 0)
    def _tails():
        t_g = pltpu.async_copy(gflat.at[pl.ds(c * NG + NS * SH2, G_TAIL)],
                               g_sh.at[pl.ds(NS * SH2, G_TAIL)], sem2)
        t_z = pltpu.async_copy(zeros_hbm.at[pl.ds(NS * SH2, O_TAIL)],
                               out_sh.at[pl.ds(NS * SH2, O_TAIL)], sem3)
        t_g.wait()
        t_z.wait()

    a_g.wait()
    a_z.wait()
    plsc.subcore_barrier()

    rows = (rows0, rows1, rows2, rows3)
    sems = (sem0, sem1, sem2, sem3)
    NB = 4

    def group(g, carry):
        i_s = pltpu.async_copy(src3.at[s, pl.ds(g * GRP, GRP)], src_gv, sem0)
        i_d = pltpu.async_copy(dst3.at[s, pl.ds(g * GRP, GRP)], dst_gv, sem1)
        i_s.wait()
        i_d.wait()
        handles = [
            pltpu.async_copy(g_sh.at[src_gv.at[b]], rows[b], sems[b])
            for b in range(NB)
        ]
        for b in range(GRP):
            p = b % NB
            handles[p].wait()
            pltpu.sync_copy(rows[p], out_sh.at[dst_gv.at[b]], add=True)
            if b + NB < GRP:
                handles[p] = pltpu.async_copy(
                    g_sh.at[src_gv.at[b + NB]], rows[p], sems[p])
        return carry

    lax.fori_loop(0, NGRP2, group, 0)
    plsc.subcore_barrier()
    pltpu.sync_copy(out_sh.at[pl.ds(s * SH2, SH2)],
                    out.at[c, pl.ds(s * SH2, SH2)])

    @pl.when(s == 0)
    def _wb_tail():
        pltpu.sync_copy(out_sh.at[pl.ds(NS * SH2, O_TAIL)],
                        out.at[c, pl.ds(NS * SH2, O_TAIL)])


def _scale_body(x_ref, w_ref, deg2_ref, gs_ref, dinv_ref):
    deg = deg2_ref[0, :N] + deg2_ref[1, :N] + 1.0
    dinv = lax.rsqrt(deg)
    h = jnp.dot(x_ref[...], w_ref[...], preferred_element_type=jnp.float32)
    hs = h * dinv
    gs_ref[0, :N] = hs[:, :DH]
    gs_ref[0, N:] = jnp.zeros((NG - N, DH), jnp.float32)
    gs_ref[1, :N] = hs[:, DH:]
    gs_ref[1, N:] = jnp.zeros((NG - N, DH), jnp.float32)
    dinv_ref[...] = dinv


_scale = pl.pallas_call(
    _scale_body,
    out_shape=(jax.ShapeDtypeStruct((NC, NG, DH), jnp.float32),
               jax.ShapeDtypeStruct((N, 1), jnp.float32)),
)


def _post_body(raw_ref, gs_ref, dinv_ref, x_ref, b_ref, gam_ref, bet_ref,
               o_ref):
    t = jnp.concatenate([raw_ref[0] + gs_ref[0, :N],
                         raw_ref[1] + gs_ref[1, :N]], axis=1)
    o = t * dinv_ref[...] + b_ref[...]
    mean = jnp.mean(o, axis=0, keepdims=True)
    cen = o - mean
    var = jnp.mean(cen * cen, axis=0, keepdims=True)
    o = cen * lax.rsqrt(var + 1e-5) * gam_ref[...] + bet_ref[...]
    o = 0.5 * o * (1.0 + lax.erf(o * (1.0 / math.sqrt(2.0))))
    o_ref[...] = o + x_ref[...]


_post = pl.pallas_call(
    _post_body,
    out_shape=jax.ShapeDtypeStruct((N, D), jnp.float32),
)


def kernel(x, edge_index, W, b, gamma, beta):
    dst2 = edge_index[1].reshape(NW, EPW)
    dst3 = jnp.pad(dst2, ((0, 0), (0, EPAD - EPW)),
                   constant_values=N).reshape(NW, CH, K)
    ones1 = jnp.ones((K,), jnp.float32)
    zeros1 = jnp.zeros((NP,), jnp.float32)
    deg_raw = _deg_kernel(dst3, ones1, zeros1)
    gsplit, dinv = _scale(x, W, deg_raw.reshape(NC, NP, 1))
    src2e = edge_index[0].reshape(NS, E // NS)
    dst2e = edge_index[1].reshape(NS, E // NS)
    src3e = jnp.pad(src2e, ((0, 0), (0, EPT - E // NS)),
                    constant_values=N).reshape(NS, CH2, K)
    dst3e = jnp.pad(dst2e, ((0, 0), (0, EPT - E // NS))).reshape(NS, CH2, K)
    zerosH = jnp.zeros((N, DH), jnp.float32)
    raw = _edge_kernel(src3e, dst3e, gsplit.reshape(NC * NG, DH), zerosH)
    return _post(raw, gsplit, dinv, x, b.reshape(1, D), gamma.reshape(1, D),
                 beta.reshape(1, D))

# --- scband reference (transcript-rebuilt; emitter-appended) ---
"""Pipeline reference for scband-graph-conv-block-v2-47321949667568 (READ-ONLY COPY).

The authoritative reference and input builder live on the scoring server;
editing this copy changes nothing except your own understanding.
"""

import jax, jax.numpy as jnp
import numpy as np

N_NODES = 10000
N_EDGES = 320000
D = 128


def setup_inputs(seed: int = 0) -> dict:
    key = jax.random.key(seed)
    k1, k2, k3, k4 = jax.random.split(key, 4)
    x = jax.random.normal(k1, (N_NODES, D), dtype=jnp.float32)
    edge_index = jax.random.randint(k2, (2, N_EDGES), 0, N_NODES, dtype=jnp.int32)
    # GCNConv learned params (glorot-ish init)
    W = jax.random.normal(k3, (D, D), dtype=jnp.float32) * (1.0 / np.sqrt(D))
    b = jnp.zeros((D,), dtype=jnp.float32)
    # BatchNorm params
    gamma = jnp.ones((D,), dtype=jnp.float32)
    beta = jnp.zeros((D,), dtype=jnp.float32)
    return {"x": x, "edge_index": edge_index, "W": W, "b": b, "gamma": gamma, "beta": beta}


def reference(x, edge_index, W, b, gamma, beta):
    N = x.shape[0]
    src = edge_index[0]
    dst = edge_index[1]
    # GCNConv: add self-loops
    loop = jnp.arange(N, dtype=src.dtype)
    src = jnp.concatenate([src, loop])
    dst = jnp.concatenate([dst, loop])
    # symmetric normalization D^{-1/2} (A+I) D^{-1/2}
    deg = jnp.zeros((N,), dtype=x.dtype).at[dst].add(1.0)
    deg_inv_sqrt = jnp.where(deg > 0, jax.lax.rsqrt(jnp.maximum(deg, 1e-12)), 0.0)
    norm = deg_inv_sqrt[src] * deg_inv_sqrt[dst]
    # linear transform then propagate (gather + scatter-add)
    h = x @ W
    msg = jnp.take(h, src, axis=0) * norm[:, None]
    out = jnp.zeros_like(h).at[dst].add(msg)
    out = out + b
    # BatchNorm1d (training-mode batch statistics over nodes)
    mean = jnp.mean(out, axis=0)
    var = jnp.var(out, axis=0)
    out = (out - mean) / jnp.sqrt(var + 1e-5) * gamma + beta
    # GELU (exact, matching torch nn.GELU default)
    out = jax.nn.gelu(out, approximate=False)
    # dropout=0.0 -> no-op; residual since in_channels == out_channels
    out = out + x
    return out

if __name__ == "__main__":
    import jax
    _d = setup_inputs()
    print(jax.jit(kernel)(*tuple(_d.values())))

</pallas_src>

<mosaic_0001>
#map = affine_map<(d0, d1) -> (0, 0, 0)>
#map1 = affine_map<(d0, d1) -> (0)>
module attributes {stable_mosaic.version = 14 : i64} {
  func.func @_deg_kernel(%arg0: i32, %arg1: i32, %arg2: memref<32x80x128xi32, #tpu.memory_space<hbm>>, %arg3: memref<128xf32, #tpu.memory_space<hbm>>, %arg4: memref<10240xf32, #tpu.memory_space<hbm>>, %arg5: memref<20480xf32, #tpu.memory_space<hbm>>, %arg6: memref<80x128xi32, #tpu.memory_space<vmem>>, %arg7: memref<128xf32, #tpu.memory_space<vmem>>, %arg8: memref<10240xf32, #tpu.memory_space<vmem_shared>>) attributes {dimension_semantics = [#tpu.dimension_semantics<core_parallel>, #tpu.dimension_semantics<subcore_parallel>], iteration_bounds = array<i64: 2, 16>, scalar_prefetch = 0 : i64, scratch_operands = 3 : i64, tpu.core_type = #tpu.core_type<sc_vector_subcore>, window_params = [{transform_indices = #map}, {transform_indices = #map1}, {transform_indices = #map1}, {transform_indices = #map1}]} {
    %mul3A = arith.constant 16 : i32
    %mul3A_0 = arith.muli %arg0, %mul3A : i32
    %add3A = arith.addi %mul3A_0, %arg1 : i32
    "tpu.region"() ({
      %run_scoped3A = tpu.sem_alloc : memref<!tpu.dma_semaphore, #tpu.memory_space<semaphore_mem>>
      %dma_start3A = arith.constant 0 : i32
      %dma_start3A_18 = arith.constant 0 : i32
      %dma_start3A_19 = tpu.memref_slice %arg2[%add3A, %dma_start3A, %dma_start3A_18] : memref<32x80x128xi32, #tpu.memory_space<hbm>> -> memref<1x80x128xi32, #tpu.memory_space<hbm>>
      %dma_start3A_20 = tpu.memref_squeeze %dma_start3A_19 : memref<1x80x128xi32, #tpu.memory_space<hbm>> -> memref<80x128xi32, #tpu.memory_space<hbm>>
      %dma_start3A_21 = arith.constant 0 : i32
      %dma_start3A_22 = arith.constant 0 : i32
      %dma_start3A_23 = tpu.memref_slice %arg2[%add3A, %dma_start3A_21, %dma_start3A_22] : memref<32x80x128xi32, #tpu.memory_space<hbm>> -> memref<1x80x128xi32, #tpu.memory_space<hbm>>
      %dma_start3A_24 = tpu.memref_squeeze %dma_start3A_23 : memref<1x80x128xi32, #tpu.memory_space<hbm>> -> memref<80x128xi32, #tpu.memory_space<hbm>>
      tpu.enqueue_dma source(%dma_start3A_24 : memref<80x128xi32, #tpu.memory_space<hbm>>) target(%arg6 : memref<80x128xi32, #tpu.memory_space<vmem>>) target_semaphore(%run_scoped3A : memref<!tpu.dma_semaphore, #tpu.memory_space<semaphore_mem>>)
      %dma_wait3A = arith.constant 0 : i32
      %dma_wait3A_25 = arith.constant 0 : i32
      %dma_wait3A_26 = tpu.memref_slice %arg2[%add3A, %dma_wait3A, %dma_wait3A_25] : memref<32x80x128xi32, #tpu.memory_space<hbm>> -> memref<1x80x128xi32, #tpu.memory_space<hbm>>
      %dma_wait3A_27 = tpu.memref_squeeze %dma_wait3A_26 : memref<1x80x128xi32, #tpu.memory_space<hbm>> -> memref<80x128xi32, #tpu.memory_space<hbm>>
      %dma_wait3A_28 = arith.constant 0 : i32
      %dma_wait3A_29 = arith.constant 0 : i32
      %dma_wait3A_30 = tpu.memref_slice %arg2[%add3A, %dma_wait3A_28, %dma_wait3A_29] : memref<32x80x128xi32, #tpu.memory_space<hbm>> -> memref<1x80x128xi32, #tpu.memory_space<hbm>>
      %dma_wait3A_31 = tpu.memref_squeeze %dma_wait3A_30 : memref<1x80x128xi32, #tpu.memory_space<hbm>> -> memref<80x128xi32, #tpu.memory_space<hbm>>
      tpu.wait_dma2 semaphore(%run_scoped3A : memref<!tpu.dma_semaphore, #tpu.memory_space<semaphore_mem>>) src(%dma_wait3A_31 : memref<80x128xi32, #tpu.memory_space<hbm>>) dst(%arg6 : memref<80x128xi32, #tpu.memory_space<vmem>>)
      tpu.yield
    }) : () -> ()
    "tpu.region"() ({
      %run_scoped3A = tpu.sem_alloc : memref<!tpu.dma_semaphore, #tpu.memory_space<semaphore_mem>>
      tpu.enqueue_dma source(%arg3 : memref<128xf32, #tpu.memory_space<hbm>>) target(%arg7 : memref<128xf32, #tpu.memory_space<vmem>>) target_semaphore(%run_scoped3A : memref<!tpu.dma_semaphore, #tpu.memory_space<semaphore_mem>>)
      tpu.wait_dma2 semaphore(%run_scoped3A : memref<!tpu.dma_semaphore, #tpu.memory_space<semaphore_mem>>) src(%arg3 : memref<128xf32, #tpu.memory_space<hbm>>) dst(%arg7 : memref<128xf32, #tpu.memory_space<vmem>>)
      tpu.yield
    }) : () -> ()
    %mul3A_1 = arith.constant 640 : i32
    %mul3A_2 = arith.muli %arg1, %mul3A_1 : i32
    %mul3A_3 = arith.constant 640 : i32
    %mul3A_4 = arith.muli %arg1, %mul3A_3 : i32
    "tpu.region"() ({
      %run_scoped3A = tpu.sem_alloc : memref<!tpu.dma_semaphore, #tpu.memory_space<semaphore_mem>>
      %dma_start3A = tpu.memref_slice %arg8[%mul3A_4] : memref<10240xf32, #tpu.memory_space<vmem_shared>> -> memref<640xf32, #tpu.memory_space<vmem_shared>>
      %dma_start3A_18 = tpu.memref_slice %arg4[%mul3A_2] : memref<10240xf32, #tpu.memory_space<hbm>> -> memref<640xf32, #tpu.memory_space<hbm>>
      tpu.enqueue_dma source(%dma_start3A_18 : memref<640xf32, #tpu.memory_space<hbm>>) target(%dma_start3A : memref<640xf32, #tpu.memory_space<vmem_shared>>) target_semaphore(%run_scoped3A : memref<!tpu.dma_semaphore, #tpu.memory_space<semaphore_mem>>)
      %dma_wait3A = tpu.memref_slice %arg8[%mul3A_4] : memref<10240xf32, #tpu.memory_space<vmem_shared>> -> memref<640xf32, #tpu.memory_space<vmem_shared>>
      %dma_wait3A_19 = tpu.memref_slice %arg4[%mul3A_2] : memref<10240xf32, #tpu.memory_space<hbm>> -> memref<640xf32, #tpu.memory_space<hbm>>
      tpu.wait_dma2 semaphore(%run_scoped3A : memref<!tpu.dma_semaphore, #tpu.memory_space<semaphore_mem>>) src(%dma_wait3A_19 : memref<640xf32, #tpu.memory_space<hbm>>) dst(%dma_wait3A : memref<640xf32, #tpu.memory_space<vmem_shared>>)
      tpu.yield
    }) : () -> ()
    %barrier3A = arith.constant 0 : index
    tpu.barrier barrier_id(%barrier3A)
    %scan3A = arith.constant 0 : i32
    %scan3A_5 = arith.constant 0 : i32
    %scan3A_6 = arith.constant 80 : i32
    %scan3A_7 = arith.addi %scan3A_5, %scan3A_6 : i32
    %scan3A_8 = arith.constant 1 : i32
    scf.for %scan3A_18 = %scan3A_5 to %scan3A_7 step %scan3A_8  : i32 {
      "tpu.region"() ({
        %run_scoped3A = tpu.sem_alloc : memref<!tpu.dma_semaphore, #tpu.memory_space<semaphore_mem>>
        %dma_start3A = arith.constant 0 : i32
        %dma_start3A_19 = tpu.memref_slice %arg6[%scan3A_18, %dma_start3A] : memref<80x128xi32, #tpu.memory_space<vmem>> -> memref<1x128xi32, #tpu.memory_space<vmem>>
        %dma_start3A_20 = tpu.memref_squeeze %dma_start3A_19 : memref<1x128xi32, #tpu.memory_space<vmem>> -> memref<128xi32, #tpu.memory_space<vmem>>
        %dma_start3A_21 = arith.constant 0 : i32
        %dma_start3A_22 = tpu.memref_slice %arg8[%dma_start3A_21] : memref<10240xf32, #tpu.memory_space<vmem_shared>> -> memref<10240xf32, #tpu.memory_space<vmem_shared>>
        tpu.enqueue_indirect_dma source(%arg7 : memref<128xf32, #tpu.memory_space<vmem>>) target(%dma_start3A_22 : memref<10240xf32, #tpu.memory_space<vmem_shared>>) offsets(%dma_start3A_20 : memref<128xi32, #tpu.memory_space<vmem>>) semaphore(%run_scoped3A : memref<!tpu.dma_semaphore, #tpu.memory_space<semaphore_mem>>) {add = true}
        %dma_wait3A = arith.constant 0 : i32
        %dma_wait3A_23 = tpu.memref_slice %arg6[%scan3A_18, %dma_wait3A] : memref<80x128xi32, #tpu.memory_space<vmem>> -> memref<1x128xi32, #tpu.memory_space<vmem>>
        %dma_wait3A_24 = tpu.memref_squeeze %dma_wait3A_23 : memref<1x128xi32, #tpu.memory_space<vmem>> -> memref<128xi32, #tpu.memory_space<vmem>>
        %dma_wait3A_25 = arith.constant 0 : i32
        %dma_wait3A_26 = tpu.memref_slice %arg8[%dma_wait3A_25] : memref<10240xf32, #tpu.memory_space<vmem_shared>> -> memref<10240xf32, #tpu.memory_space<vmem_shared>>
        tpu.wait_indirect_dma semaphore(%run_scoped3A : memref<!tpu.dma_semaphore, #tpu.memory_space<semaphore_mem>>) src(%arg7 : memref<128xf32, #tpu.memory_space<vmem>>) dst(%dma_wait3A_26 : memref<10240xf32, #tpu.memory_space<vmem_shared>>)
        tpu.yield
      }) : () -> ()
    }
    %scan3A_9 = arith.constant 80 : i32
    %barrier3A_10 = arith.constant 0 : index
    tpu.barrier barrier_id(%barrier3A_10)
    %mul3A_11 = arith.constant 640 : i32
    %mul3A_12 = arith.muli %arg1, %mul3A_11 : i32
    %mul3A_13 = arith.constant 10240 : i32
    %mul3A_14 = arith.muli %arg0, %mul3A_13 : i32
    %mul3A_15 = arith.constant 640 : i32
    %mul3A_16 = arith.muli %arg1, %mul3A_15 : i32
    %add3A_17 = arith.addi %mul3A_14, %mul3A_16 : i32
    "tpu.region"() ({
      %run_scoped3A = tpu.sem_alloc : memref<!tpu.dma_semaphore, #tpu.memory_space<semaphore_mem>>
      %dma_start3A = tpu.memref_slice %arg5[%add3A_17] : memref<20480xf32, #tpu.memory_space<hbm>> -> memref<640xf32, #tpu.memory_space<hbm>>
      %dma_start3A_18 = tpu.memref_slice %arg8[%mul3A_12] : memref<10240xf32, #tpu.memory_space<vmem_shared>> -> memref<640xf32, #tpu.memory_space<vmem_shared>>
      tpu.enqueue_dma source(%dma_start3A_18 : memref<640xf32, #tpu.memory_space<vmem_shared>>) target(%dma_start3A : memref<640xf32, #tpu.memory_space<hbm>>) target_semaphore(%run_scoped3A : memref<!tpu.dma_semaphore, #tpu.memory_space<semaphore_mem>>)
      %dma_wait3A = tpu.memref_slice %arg5[%add3A_17] : memref<20480xf32, #tpu.memory_space<hbm>> -> memref<640xf32, #tpu.memory_space<hbm>>
      %dma_wait3A_19 = tpu.memref_slice %arg8[%mul3A_12] : memref<10240xf32, #tpu.memory_space<vmem_shared>> -> memref<640xf32, #tpu.memory_space<vmem_shared>>
      tpu.wait_dma2 semaphore(%run_scoped3A : memref<!tpu.dma_semaphore, #tpu.memory_space<semaphore_mem>>) src(%dma_wait3A_19 : memref<640xf32, #tpu.memory_space<vmem_shared>>) dst(%dma_wait3A : memref<640xf32, #tpu.memory_space<hbm>>)
      tpu.yield
    }) : () -> ()
    return
  }
}

#map = affine_map<(d0, d1) -> (0, 0, 0)>
#map1 = affine_map<(d0, d1) -> (0, 0)>
module attributes {stable_mosaic.version = 14 : i64} {
  func.func @_edge_kernel(%arg0: i32, %arg1: i32, %arg2: memref<16x160x128xi32, #tpu.memory_space<hbm>>, %arg3: memref<16x160x128xi32, #tpu.memory_space<hbm>>, %arg4: memref<20016x64xf32, #tpu.memory_space<hbm>>, %arg5: memref<10000x64xf32, #tpu.memory_space<hbm>>, %arg6: memref<2x10000x64xf32, #tpu.memory_space<hbm>>, %arg7: memref<32x128xi32, #tpu.memory_space<vmem>>, %arg8: memref<32x128xi32, #tpu.memory_space<vmem>>, %arg9: memref<128x64xf32, #tpu.memory_space<vmem>>, %arg10: memref<128x64xf32, #tpu.memory_space<vmem>>, %arg11: memref<128x64xf32, #tpu.memory_space<vmem>>, %arg12: memref<128x64xf32, #tpu.memory_space<vmem>>, %arg13: memref<10008x64xf32, #tpu.memory_space<vmem_shared>>, %arg14: memref<10000x64xf32, #tpu.memory_space<vmem_shared>>, %arg15: memref<!tpu.dma_semaphore, #tpu.memory_space<semaphore_mem>>, %arg16: memref<!tpu.dma_semaphore, #tpu.memory_space<semaphore_mem>>, %arg17: memref<!tpu.dma_semaphore, #tpu.memory_space<semaphore_mem>>, %arg18: memref<!tpu.dma_semaphore, #tpu.memory_space<semaphore_mem>>) attributes {dimension_semantics = [#tpu.dimension_semantics<core_parallel>, #tpu.dimension_semantics<subcore_parallel>], iteration_bounds = array<i64: 2, 16>, scalar_prefetch = 0 : i64, scratch_operands = 12 : i64, tpu.core_type = #tpu.core_type<sc_vector_subcore>, window_params = [{transform_indices = #map}, {transform_indices = #map}, {transform_indices = #map1}, {transform_indices = #map1}, {transform_indices = #map}]} {
    %mul3A = arith.constant 10008 : i32
    %mul3A_0 = arith.muli %arg0, %mul3A : i32
    %mul3A_1 = arith.constant 624 : i32
    %mul3A_2 = arith.muli %arg1, %mul3A_1 : i32
    %add3A = arith.addi %mul3A_0, %mul3A_2 : i32
    %mul3A_3 = arith.constant 624 : i32
    %mul3A_4 = arith.muli %arg1, %mul3A_3 : i32
    %dma_start3A = arith.constant 0 : i32
    %dma_start3A_5 = tpu.memref_slice %arg13[%mul3A_4, %dma_start3A] : memref<10008x64xf32, #tpu.memory_space<vmem_shared>> -> memref<624x64xf32, #tpu.memory_space<vmem_shared>>
    %dma_start3A_6 = arith.constant 0 : i32
    %dma_start3A_7 = tpu.memref_slice %arg4[%add3A, %dma_start3A_6] : memref<20016x64xf32, #tpu.memory_space<hbm>> -> memref<624x64xf32, #tpu.memory_space<hbm>>
    tpu.enqueue_dma source(%dma_start3A_7 : memref<624x64xf32, #tpu.memory_space<hbm>>) target(%dma_start3A_5 : memref<624x64xf32, #tpu.memory_space<vmem_shared>>) target_semaphore(%arg15 : memref<!tpu.dma_semaphore, #tpu.memory_space<semaphore_mem>>)
    %mul3A_8 = arith.constant 624 : i32
    %mul3A_9 = arith.muli %arg1, %mul3A_8 : i32
    %mul3A_10 = arith.constant 624 : i32
    %mul3A_11 = arith.muli %arg1, %mul3A_10 : i32
    %dma_start3A_12 = arith.constant 0 : i32
    %dma_start3A_13 = tpu.memref_slice %arg14[%mul3A_11, %dma_start3A_12] : memref<10000x64xf32, #tpu.memory_space<vmem_shared>> -> memref<624x64xf32, #tpu.memory_space<vmem_shared>>
    %dma_start3A_14 = arith.constant 0 : i32
    %dma_start3A_15 = tpu.memref_slice %arg5[%mul3A_9, %dma_start3A_14] : memref<10000x64xf32, #tpu.memory_space<hbm>> -> memref<624x64xf32, #tpu.memory_space<hbm>>
    tpu.enqueue_dma source(%dma_start3A_15 : memref<624x64xf32, #tpu.memory_space<hbm>>) target(%dma_start3A_13 : memref<624x64xf32, #tpu.memory_space<vmem_shared>>) target_semaphore(%arg16 : memref<!tpu.dma_semaphore, #tpu.memory_space<semaphore_mem>>)
    %eq3A = arith.constant 0 : i32
    %eq3A_16 = arith.cmpi eq, %arg1, %eq3A : i32
    %convert_element_type3A = arith.extui %eq3A_16 : i1 to i32
    %cond3A = arith.constant 0 : i32
    %cond3A_17 = arith.cmpi ne, %convert_element_type3A, %cond3A : i32
    scf.if %cond3A_17 {
      %mul3A_40 = arith.constant 10008 : i32
      %mul3A_41 = arith.muli %arg0, %mul3A_40 : i32
      %add3A_42 = arith.constant 9984 : i32
      %add3A_43 = arith.addi %mul3A_41, %add3A_42 : i32
      %dma_start3A_44 = arith.constant 9984 : i32
      %dma_start3A_45 = arith.constant 0 : i32
      %dma_start3A_46 = tpu.memref_slice %arg13[%dma_start3A_44, %dma_start3A_45] : memref<10008x64xf32, #tpu.memory_space<vmem_shared>> -> memref<24x64xf32, #tpu.memory_space<vmem_shared>>
      %dma_start3A_47 = arith.constant 0 : i32
      %dma_start3A_48 = tpu.memref_slice %arg4[%add3A_43, %dma_start3A_47] : memref<20016x64xf32, #tpu.memory_space<hbm>> -> memref<24x64xf32, #tpu.memory_space<hbm>>
      tpu.enqueue_dma source(%dma_start3A_48 : memref<24x64xf32, #tpu.memory_space<hbm>>) target(%dma_start3A_46 : memref<24x64xf32, #tpu.memory_space<vmem_shared>>) target_semaphore(%arg17 : memref<!tpu.dma_semaphore, #tpu.memory_space<semaphore_mem>>)
      %dma_start3A_49 = arith.constant 9984 : i32
      %dma_start3A_50 = arith.constant 0 : i32
      %dma_start3A_51 = tpu.memref_slice %arg14[%dma_start3A_49, %dma_start3A_50] : memref<10000x64xf32, #tpu.memory_space<vmem_shared>> -> memref<16x64xf32, #tpu.memory_space<vmem_shared>>
      %dma_start3A_52 = arith.constant 9984 : i32
      %dma_start3A_53 = arith.constant 0 : i32
      %dma_start3A_54 = tpu.memref_slice %arg5[%dma_start3A_52, %dma_start3A_53] : memref<10000x64xf32, #tpu.memory_space<hbm>> -> memref<16x64xf32, #tpu.memory_space<hbm>>
      tpu.enqueue_dma source(%dma_start3A_54 : memref<16x64xf32, #tpu.memory_space<hbm>>) target(%dma_start3A_51 : memref<16x64xf32, #tpu.memory_space<vmem_shared>>) target_semaphore(%arg18 : memref<!tpu.dma_semaphore, #tpu.memory_space<semaphore_mem>>)
      %dma_wait3A_55 = arith.constant 9984 : i32
      %dma_wait3A_56 = arith.constant 0 : i32
      %dma_wait3A_57 = tpu.memref_slice %arg13[%dma_wait3A_55, %dma_wait3A_56] : memref<10008x64xf32, #tpu.memory_space<vmem_shared>> -> memref<24x64xf32, #tpu.memory_space<vmem_shared>>
      %dma_wait3A_58 = arith.constant 0 : i32
      %dma_wait3A_59 = tpu.memref_slice %arg4[%add3A_43, %dma_wait3A_58] : memref<20016x64xf32, #tpu.memory_space<hbm>> -> memref<24x64xf32, #tpu.memory_space<hbm>>
      tpu.wait_dma2 semaphore(%arg17 : memref<!tpu.dma_semaphore, #tpu.memory_space<semaphore_mem>>) src(%dma_wait3A_59 : memref<24x64xf32, #tpu.memory_space<hbm>>) dst(%dma_wait3A_57 : memref<24x64xf32, #tpu.memory_space<vmem_shared>>)
      %dma_wait3A_60 = arith.constant 9984 : i32
      %dma_wait3A_61 = arith.constant 0 : i32
      %dma_wait3A_62 = tpu.memref_slice %arg14[%dma_wait3A_60, %dma_wait3A_61] : memref<10000x64xf32, #tpu.memory_space<vmem_shared>> -> memref<16x64xf32, #tpu.memory_space<vmem_shared>>
      %dma_wait3A_63 = arith.constant 9984 : i32
      %dma_wait3A_64 = arith.constant 0 : i32
      %dma_wait3A_65 = tpu.memref_slice %arg5[%dma_wait3A_63, %dma_wait3A_64] : memref<10000x64xf32, #tpu.memory_space<hbm>> -> memref<16x64xf32, #tpu.memory_space<hbm>>
      tpu.wait_dma2 semaphore(%arg18 : memref<!tpu.dma_semaphore, #tpu.memory_space<semaphore_mem>>) src(%dma_wait3A_65 : memref<16x64xf32, #tpu.memory_space<hbm>>) dst(%dma_wait3A_62 : memref<16x64xf32, #tpu.memory_space<vmem_shared>>)
    } else {
    }
    %dma_wait3A = arith.constant 0 : i32
    %dma_wait3A_18 = tpu.memref_slice %arg13[%mul3A_4, %dma_wait3A] : memref<10008x64xf32, #tpu.memory_space<vmem_shared>> -> memref<624x64xf32, #tpu.memory_space<vmem_shared>>
    %dma_wait3A_19 = arith.constant 0 : i32
    %dma_wait3A_20 = tpu.memref_slice %arg4[%add3A, %dma_wait3A_19] : memref<20016x64xf32, #tpu.memory_space<hbm>> -> memref<624x64xf32, #tpu.memory_space<hbm>>
    tpu.wait_dma2 semaphore(%arg15 : memref<!tpu.dma_semaphore, #tpu.memory_space<semaphore_mem>>) src(%dma_wait3A_20 : memref<624x64xf32, #tpu.memory_space<hbm>>) dst(%dma_wait3A_18 : memref<624x64xf32, #tpu.memory_space<vmem_shared>>)
    %dma_wait3A_21 = arith.constant 0 : i32
    %dma_wait3A_22 = tpu.memref_slice %arg14[%mul3A_11, %dma_wait3A_21] : memref<10000x64xf32, #tpu.memory_space<vmem_shared>> -> memref<624x64xf32, #tpu.memory_space<vmem_shared>>
    %dma_wait3A_23 = arith.constant 0 : i32
    %dma_wait3A_24 = tpu.memref_slice %arg5[%mul3A_9, %dma_wait3A_23] : memref<10000x64xf32, #tpu.memory_space<hbm>> -> memref<624x64xf32, #tpu.memory_space<hbm>>
    tpu.wait_dma2 semaphore(%arg16 : memref<!tpu.dma_semaphore, #tpu.memory_space<semaphore_mem>>) src(%dma_wait3A_24 : memref<624x64xf32, #tpu.memory_space<hbm>>) dst(%dma_wait3A_22 : memref<624x64xf32, #tpu.memory_space<vmem_shared>>)
    %barrier3A = arith.constant 0 : index
    tpu.barrier barrier_id(%barrier3A)
    %scan3A = arith.constant 0 : i32
    %scan3A_25 = arith.constant 0 : i32
    %scan3A_26 = arith.constant 5 : i32
    %scan3A_27 = arith.addi %scan3A_25, %scan3A_26 : i32
    %scan3A_28 = arith.constant 1 : i32
    scf.for %scan3A_40 = %scan3A_25 to %scan3A_27 step %scan3A_28  : i32 {
      %mul3A_41 = arith.constant 32 : i32
      %mul3A_42 = arith.muli %scan3A_40, %mul3A_41 : i32
      %dma_start3A_43 = arith.constant 0 : i32
      %dma_start3A_44 = tpu.memref_slice %arg2[%arg1, %mul3A_42, %dma_start3A_43] : memref<16x160x128xi32, #tpu.memory_space<hbm>> -> memref<1x32x128xi32, #tpu.memory_space<hbm>>
      %dma_start3A_45 = tpu.memref_squeeze %dma_start3A_44 : memref<1x32x128xi32, #tpu.memory_space<hbm>> -> memref<32x128xi32, #tpu.memory_space<hbm>>
      %dma_start3A_46 = arith.constant 0 : i32
      %dma_start3A_47 = tpu.memref_slice %arg2[%arg1, %mul3A_42, %dma_start3A_46] : memref<16x160x128xi32, #tpu.memory_space<hbm>> -> memref<1x32x128xi32, #tpu.memory_space<hbm>>
      %dma_start3A_48 = tpu.memref_squeeze %dma_start3A_47 : memref<1x32x128xi32, #tpu.memory_space<hbm>> -> memref<32x128xi32, #tpu.memory_space<hbm>>
      tpu.enqueue_dma source(%dma_start3A_48 : memref<32x128xi32, #tpu.memory_space<hbm>>) target(%arg7 : memref<32x128xi32, #tpu.memory_space<vmem>>) target_semaphore(%arg15 : memref<!tpu.dma_semaphore, #tpu.memory_space<semaphore_mem>>)
      %mul3A_49 = arith.constant 32 : i32
      %mul3A_50 = arith.muli %scan3A_40, %mul3A_49 : i32
      %dma_start3A_51 = arith.constant 0 : i32
      %dma_start3A_52 = tpu.memref_slice %arg3[%arg1, %mul3A_50, %dma_start3A_51] : memref<16x160x128xi32, #tpu.memory_space<hbm>> -> memref<1x32x128xi32, #tpu.memory_space<hbm>>
      %dma_start3A_53 = tpu.memref_squeeze %dma_start3A_52 : memref<1x32x128xi32, #tpu.memory_space<hbm>> -> memref<32x128xi32, #tpu.memory_space<hbm>>
      %dma_start3A_54 = arith.constant 0 : i32
      %dma_start3A_55 = tpu.memref_slice %arg3[%arg1, %mul3A_50, %dma_start3A_54] : memref<16x160x128xi32, #tpu.memory_space<hbm>> -> memref<1x32x128xi32, #tpu.memory_space<hbm>>
      %dma_start3A_56 = tpu.memref_squeeze %dma_start3A_55 : memref<1x32x128xi32, #tpu.memory_space<hbm>> -> memref<32x128xi32, #tpu.memory_space<hbm>>
      tpu.enqueue_dma source(%dma_start3A_56 : memref<32x128xi32, #tpu.memory_space<hbm>>) target(%arg8 : memref<32x128xi32, #tpu.memory_space<vmem>>) target_semaphore(%arg16 : memref<!tpu.dma_semaphore, #tpu.memory_space<semaphore_mem>>)
      %dma_wait3A_57 = arith.constant 0 : i32
      %dma_wait3A_58 = tpu.memref_slice %arg2[%arg1, %mul3A_42, %dma_wait3A_57] : memref<16x160x128xi32, #tpu.memory_space<hbm>> -> memref<1x32x128xi32, #tpu.memory_space<hbm>>
      %dma_wait3A_59 = tpu.memref_squeeze %dma_wait3A_58 : memref<1x32x128xi32, #tpu.memory_space<hbm>> -> memref<32x128xi32, #tpu.memory_space<hbm>>
      %dma_wait3A_60 = arith.constant 0 : i32
      %dma_wait3A_61 = tpu.memref_slice %arg2[%arg1, %mul3A_42, %dma_wait3A_60] : memref<16x160x128xi32, #tpu.memory_space<hbm>> -> memref<1x32x128xi32, #tpu.memory_space<hbm>>
      %dma_wait3A_62 = tpu.memref_squeeze %dma_wait3A_61 : memref<1x32x128xi32, #tpu.memory_space<hbm>> -> memref<32x128xi32, #tpu.memory_space<hbm>>
      tpu.wait_dma2 semaphore(%arg15 : memref<!tpu.dma_semaphore, #tpu.memory_space<semaphore_mem>>) src(%dma_wait3A_62 : memref<32x128xi32, #tpu.memory_space<hbm>>) dst(%arg7 : memref<32x128xi32, #tpu.memory_space<vmem>>)
      %dma_wait3A_63 = arith.constant 0 : i32
      %dma_wait3A_64 = tpu.memref_slice %arg3[%arg1, %mul3A_50, %dma_wait3A_63] : memref<16x160x128xi32, #tpu.memory_space<hbm>> -> memref<1x32x128xi32, #tpu.memory_space<hbm>>
      %dma_wait3A_65 = tpu.memref_squeeze %dma_wait3A_64 : memref<1x32x128xi32, #tpu.memory_space<hbm>> -> memref<32x128xi32, #tpu.memory_space<hbm>>
      %dma_wait3A_66 = arith.constant 0 : i32
      %dma_wait3A_67 = tpu.memref_slice %arg3[%arg1, %mul3A_50, %dma_wait3A_66] : memref<16x160x128xi32, #tpu.memory_space<hbm>> -> memref<1x32x128xi32, #tpu.memory_space<hbm>>
      %dma_wait3A_68 = tpu.memref_squeeze %dma_wait3A_67 : memref<1x32x128xi32, #tpu.memory_space<hbm>> -> memref<32x128xi32, #tpu.memory_space<hbm>>
      tpu.wait_dma2 semaphore(%arg16 : memref<!tpu.dma_semaphore, #tpu.memory_space<semaphore_mem>>) src(%dma_wait3A_68 : memref<32x128xi32, #tpu.memory_space<hbm>>) dst(%arg8 : memref<32x128xi32, #tpu.memory_space<vmem>>)
      %dma_start3A_69 = arith.constant 0 : i32
      %dma_start3A_70 = arith.constant 0 : i32
      %dma_start3A_71 = tpu.memref_slice %arg7[%dma_start3A_69, %dma_start3A_70] : memref<32x128xi32, #tpu.memory_space<vmem>> -> memref<1x128xi32, #tpu.memory_space<vmem>>
      %dma_start3A_72 = tpu.memref_squeeze %dma_start3A_71 : memref<1x128xi32, #tpu.memory_space<vmem>> -> memref<128xi32, #tpu.memory_space<vmem>>
      %dma_start3A_73 = arith.constant 0 : i32
      %dma_start3A_74 = arith.constant 0 : i32
      %dma_start3A_75 = tpu.memref_slice %arg13[%dma_start3A_73, %dma_start3A_74] : memref<10008x64xf32, #tpu.memory_space<vmem_shared>> -> memref<10008x64xf32, #tpu.memory_space<vmem_shared>>
      tpu.enqueue_indirect_dma source(%dma_start3A_75 : memref<10008x64xf32, #tpu.memory_space<vmem_shared>>) target(%arg9 : memref<128x64xf32, #tpu.memory_space<vmem>>) offsets(%dma_start3A_72 : memref<128xi32, #tpu.memory_space<vmem>>) semaphore(%arg15 : memref<!tpu.dma_semaphore, #tpu.memory_space<semaphore_mem>>)
      %dma_start3A_76 = arith.constant 1 : i32
      %dma_start3A_77 = arith.constant 0 : i32
      %dma_start3A_78 = tpu.memref_slice %arg7[%dma_start3A_76, %dma_start3A_77] : memref<32x128xi32, #tpu.memory_space<vmem>> -> memref<1x128xi32, #tpu.memory_space<vmem>>
      %dma_start3A_79 = tpu.memref_squeeze %dma_start3A_78 : memref<1x128xi32, #tpu.memory_space<vmem>> -> memref<128xi32, #tpu.memory_space<vmem>>
      %dma_start3A_80 = arith.constant 0 : i32
      %dma_start3A_81 = arith.constant 0 : i32
      %dma_start3A_82 = tpu.memref_slice %arg13[%dma_start3A_80, %dma_start3A_81] : memref<10008x64xf32, #tpu.memory_space<vmem_shared>> -> memref<10008x64xf32, #tpu.memory_space<vmem_shared>>
      tpu.enqueue_indirect_dma source(%dma_start3A_82 : memref<10008x64xf32, #tpu.memory_space<vmem_shared>>) target(%arg10 : memref<128x64xf32, #tpu.memory_space<vmem>>) offsets(%dma_start3A_79 : memref<128xi32, #tpu.memory_space<vmem>>) semaphore(%arg16 : memref<!tpu.dma_semaphore, #tpu.memory_space<semaphore_mem>>)
      %dma_start3A_83 = arith.constant 2 : i32
      %dma_start3A_84 = arith.constant 0 : i32
      %dma_start3A_85 = tpu.memref_slice %arg7[%dma_start3A_83, %dma_start3A_84] : memref<32x128xi32, #tpu.memory_space<vmem>> -> memref<1x128xi32, #tpu.memory_space<vmem>>
      %dma_start3A_86 = tpu.memref_squeeze %dma_start3A_85 : memref<1x128xi32, #tpu.memory_space<vmem>> -> memref<128xi32, #tpu.memory_space<vmem>>
      %dma_start3A_87 = arith.constant 0 : i32
      %dma_start3A_88 = arith.constant 0 : i32
      %dma_start3A_89 = tpu.memref_slice %arg13[%dma_start3A_87, %dma_start3A_88] : memref<10008x64xf32, #tpu.memory_space<vmem_shared>> -> memref<10008x64xf32, #tpu.memory_space<vmem_shared>>
      tpu.enqueue_indirect_dma source(%dma_start3A_89 : memref<10008x64xf32, #tpu.memory_space<vmem_shared>>) target(%arg11 : memref<128x64xf32, #tpu.memory_space<vmem>>) offsets(%dma_start3A_86 : memref<128xi32, #tpu.memory_space<vmem>>) semaphore(%arg17 : memref<!tpu.dma_semaphore, #tpu.memory_space<semaphore_mem>>)
      %dma_start3A_90 = arith.constant 3 : i32
      %dma_start3A_91 = arith.constant 0 : i32
      %dma_start3A_92 = tpu.memref_slice %arg7[%dma_start3A_90, %dma_start3A_91] : memref<32x128xi32, #tpu.memory_space<vmem>> -> memref<1x128xi32, #tpu.memory_space<vmem>>
      %dma_start3A_93 = tpu.memref_squeeze %dma_start3A_92 : memref<1x128xi32, #tpu.memory_space<vmem>> -> memref<128xi32, #tpu.memory_space<vmem>>
      %dma_start3A_94 = arith.constant 0 : i32
      %dma_start3A_95 = arith.constant 0 : i32
      %dma_start3A_96 = tpu.memref_slice %arg13[%dma_start3A_94, %dma_start3A_95] : memref<10008x64xf32, #tpu.memory_space<vmem_shared>> -> memref<10008x64xf32, #tpu.memory_space<vmem_shared>>
      tpu.enqueue_indirect_dma source(%dma_start3A_96 : memref<10008x64xf32, #tpu.memory_space<vmem_shared>>) target(%arg12 : memref<128x64xf32, #tpu.memory_space<vmem>>) offsets(%dma_start3A_93 : memref<128xi32, #tpu.memory_space<vmem>>) semaphore(%arg18 : memref<!tpu.dma_semaphore, #tpu.memory_space<semaphore_mem>>)
      %dma_wait3A_97 = arith.constant 0 : i32
      %dma_wait3A_98 = arith.constant 0 : i32
      %dma_wait3A_99 = tpu.memref_slice %arg7[%dma_wait3A_97, %dma_wait3A_98] : memref<32x128xi32, #tpu.memory_space<vmem>> -> memref<1x128xi32, #tpu.memory_space<vmem>>
      %dma_wait3A_100 = tpu.memref_squeeze %dma_wait3A_99 : memref<1x128xi32, #tpu.memory_space<vmem>> -> memref<128xi32, #tpu.memory_space<vmem>>
      %dma_wait3A_101 = arith.constant 0 : i32
      %dma_wait3A_102 = arith.constant 0 : i32
      %dma_wait3A_103 = tpu.memref_slice %arg13[%dma_wait3A_101, %dma_wait3A_102] : memref<10008x64xf32, #tpu.memory_space<vmem_shared>> -> memref<10008x64xf32, #tpu.memory_space<vmem_shared>>
      tpu.wait_indirect_dma semaphore(%arg15 : memref<!tpu.dma_semaphore, #tpu.memory_space<semaphore_mem>>) src(%dma_wait3A_103 : memref<10008x64xf32, #tpu.memory_space<vmem_shared>>) dst(%arg9 : memref<128x64xf32, #tpu.memory_space<vmem>>)
      %run_scoped3A = arith.constant 0 : i32
      "tpu.region"() ({
        %run_scoped3A_548 = tpu.sem_alloc : memref<!tpu.dma_semaphore, #tpu.memory_space<semaphore_mem>>
        %dma_start3A_549 = arith.constant 0 : i32
        %dma_start3A_550 = tpu.memref_slice %arg8[%run_scoped3A, %dma_start3A_549] : memref<32x128xi32, #tpu.memory_space<vmem>> -> memref<1x128xi32, #tpu.memory_space<vmem>>
        %dma_start3A_551 = tpu.memref_squeeze %dma_start3A_550 : memref<1x128xi32, #tpu.memory_space<vmem>> -> memref<128xi32, #tpu.memory_space<vmem>>
        %dma_start3A_552 = arith.constant 0 : i32
        %dma_start3A_553 = arith.constant 0 : i32
        %dma_start3A_554 = tpu.memref_slice %arg14[%dma_start3A_552, %dma_start3A_553] : memref<10000x64xf32, #tpu.memory_space<vmem_shared>> -> memref<10000x64xf32, #tpu.memory_space<vmem_shared>>
        tpu.enqueue_indirect_dma source(%arg9 : memref<128x64xf32, #tpu.memory_space<vmem>>) target(%dma_start3A_554 : memref<10000x64xf32, #tpu.memory_space<vmem_shared>>) offsets(%dma_start3A_551 : memref<128xi32, #tpu.memory_space<vmem>>) semaphore(%run_scoped3A_548 : memref<!tpu.dma_semaphore, #tpu.memory_space<semaphore_mem>>) {add = true}
        %dma_wait3A_555 = arith.constant 0 : i32
        %dma_wait3A_556 = tpu.memref_slice %arg8[%run_scoped3A, %dma_wait3A_555] : memref<32x128xi32, #tpu.memory_space<vmem>> -> memref<1x128xi32, #tpu.memory_space<vmem>>
        %dma_wait3A_557 = tpu.memref_squeeze %dma_wait3A_556 : memref<1x128xi32, #tpu.memory_space<vmem>> -> memref<128xi32, #tpu.memory_space<vmem>>
        %dma_wait3A_558 = arith.constant 0 : i32
        %dma_wait3A_559 = arith.constant 0 : i32
        %dma_wait3A_560 = tpu.memref_slice %arg14[%dma_wait3A_558, %dma_wait3A_559] : memref<10000x64xf32, #tpu.memory_space<vmem_shared>> -> memref<10000x64xf32, #tpu.memory_space<vmem_shared>>
        tpu.wait_indirect_dma semaphore(%run_scoped3A_548 : memref<!tpu.dma_semaphore, #tpu.memory_space<semaphore_mem>>) src(%arg9 : memref<128x64xf32, #tpu.memory_space<vmem>>) dst(%dma_wait3A_560 : memref<10000x64xf32, #tpu.memory_space<vmem_shared>>)
        tpu.yield
      }) : () -> ()
      %dma_start3A_104 = arith.constant 4 : i32
      %dma_start3A_105 = arith.constant 0 : i32
      %dma_start3A_106 = tpu.memref_slice %arg7[%dma_start3A_104, %dma_start3A_105] : memref<32x128xi32, #tpu.memory_space<vmem>> -> memref<1x128xi32, #tpu.memory_space<vmem>>
      %dma_start3A_107 = tpu.memref_squeeze %dma_start3A_106 : memref<1x128xi32, #tpu.memory_space<vmem>> -> memref<128xi32, #tpu.memory_space<vmem>>
      %dma_start3A_108 = arith.constant 0 : i32
      %dma_start3A_109 = arith.constant 0 : i32
      %dma_start3A_110 = tpu.memref_slice %arg13[%dma_start3A_108, %dma_start3A_109] : memref<10008x64xf32, #tpu.memory_space<vmem_shared>> -> memref<10008x64xf32, #tpu.memory_space<vmem_shared>>
      tpu.enqueue_indirect_dma source(%dma_start3A_110 : memref<10008x64xf32, #tpu.memory_space<vmem_shared>>) target(%arg9 : memref<128x64xf32, #tpu.memory_space<vmem>>) offsets(%dma_start3A_107 : memref<128xi32, #tpu.memory_space<vmem>>) semaphore(%arg15 : memref<!tpu.dma_semaphore, #tpu.memory_space<semaphore_mem>>)
      %dma_wait3A_111 = arith.constant 1 : i32
      %dma_wait3A_112 = arith.constant 0 : i32
      %dma_wait3A_113 = tpu.memref_slice %arg7[%dma_wait3A_111, %dma_wait3A_112] : memref<32x128xi32, #tpu.memory_space<vmem>> -> memref<1x128xi32, #tpu.memory_space<vmem>>
      %dma_wait3A_114 = tpu.memref_squeeze %dma_wait3A_113 : memref<1x128xi32, #tpu.memory_space<vmem>> -> memref<128xi32, #tpu.memory_space<vmem>>
      %dma_wait3A_115 = arith.constant 0 : i32
      %dma_wait3A_116 = arith.constant 0 : i32
      %dma_wait3A_117 = tpu.memref_slice %arg13[%dma_wait3A_115, %dma_wait3A_116] : memref<10008x64xf32, #tpu.memory_space<vmem_shared>> -> memref<10008x64xf32, #tpu.memory_space<vmem_shared>>
      tpu.wait_indirect_dma semaphore(%arg16 : memref<!tpu.dma_semaphore, #tpu.memory_space<semaphore_mem>>) src(%dma_wait3A_117 : memref<10008x64xf32, #tpu.memory_space<vmem_shared>>) dst(%arg10 : memref<128x64xf32, #tpu.memory_space<vmem>>)
      %run_scoped3A_118 = arith.constant 1 : i32
      "tpu.region"() ({
        %run_scoped3A_548 = tpu.sem_alloc : memref<!tpu.dma_semaphore, #tpu.memory_space<semaphore_mem>>
        %dma_start3A_549 = arith.constant 0 : i32
        %dma_start3A_550 = tpu.memref_slice %arg8[%run_scoped3A_118, %dma_start3A_549] : memref<32x128xi32, #tpu.memory_space<vmem>> -> memref<1x128xi32, #tpu.memory_space<vmem>>
        %dma_start3A_551 = tpu.memref_squeeze %dma_start3A_550 : memref<1x128xi32, #tpu.memory_space<vmem>> -> memref<128xi32, #tpu.memory_space<vmem>>
        %dma_start3A_552 = arith.constant 0 : i32
        %dma_start3A_553 = arith.constant 0 : i32
        %dma_start3A_554 = tpu.memref_slice %arg14[%dma_start3A_552, %dma_start3A_553] : memref<10000x64xf32, #tpu.memory_space<vmem_shared>> -> memref<10000x64xf32, #tpu.memory_space<vmem_shared>>
        tpu.enqueue_indirect_dma source(%arg10 : memref<128x64xf32, #tpu.memory_space<vmem>>) target(%dma_start3A_554 : memref<10000x64xf32, #tpu.memory_space<vmem_shared>>) offsets(%dma_start3A_551 : memref<128xi32, #tpu.memory_space<vmem>>) semaphore(%run_scoped3A_548 : memref<!tpu.dma_semaphore, #tpu.memory_space<semaphore_mem>>) {add = true}
        %dma_wait3A_555 = arith.constant 0 : i32
        %dma_wait3A_556 = tpu.memref_slice %arg8[%run_scoped3A_118, %dma_wait3A_555] : memref<32x128xi32, #tpu.memory_space<vmem>> -> memref<1x128xi32, #tpu.memory_space<vmem>>
        %dma_wait3A_557 = tpu.memref_squeeze %dma_wait3A_556 : memref<1x128xi32, #tpu.memory_space<vmem>> -> memref<128xi32, #tpu.memory_space<vmem>>
        %dma_wait3A_558 = arith.constant 0 : i32
        %dma_wait3A_559 = arith.constant 0 : i32
        %dma_wait3A_560 = tpu.memref_slice %arg14[%dma_wait3A_558, %dma_wait3A_559] : memref<10000x64xf32, #tpu.memory_space<vmem_shared>> -> memref<10000x64xf32, #tpu.memory_space<vmem_shared>>
        tpu.wait_indirect_dma semaphore(%run_scoped3A_548 : memref<!tpu.dma_semaphore, #tpu.memory_space<semaphore_mem>>) src(%arg10 : memref<128x64xf32, #tpu.memory_space<vmem>>) dst(%dma_wait3A_560 : memref<10000x64xf32, #tpu.memory_space<vmem_shared>>)
        tpu.yield
      }) : () -> ()
      %dma_start3A_119 = arith.constant 5 : i32
      %dma_start3A_120 = arith.constant 0 : i32
      %dma_start3A_121 = tpu.memref_slice %arg7[%dma_start3A_119, %dma_start3A_120] : memref<32x128xi32, #tpu.memory_space<vmem>> -> memref<1x128xi32, #tpu.memory_space<vmem>>
      %dma_start3A_122 = tpu.memref_squeeze %dma_start3A_121 : memref<1x128xi32, #tpu.memory_space<vmem>> -> memref<128xi32, #tpu.memory_space<vmem>>
      %dma_start3A_123 = arith.constant 0 : i32
      %dma_start3A_124 = arith.constant 0 : i32
      %dma_start3A_125 = tpu.memref_slice %arg13[%dma_start3A_123, %dma_start3A_124] : memref<10008x64xf32, #tpu.memory_space<vmem_shared>> -> memref<10008x64xf32, #tpu.memory_space<vmem_shared>>
      tpu.enqueue_indirect_dma source(%dma_start3A_125 : memref<10008x64xf32, #tpu.memory_space<vmem_shared>>) target(%arg10 : memref<128x64xf32, #tpu.memory_space<vmem>>) offsets(%dma_start3A_122 : memref<128xi32, #tpu.memory_space<vmem>>) semaphore(%arg16 : memref<!tpu.dma_semaphore, #tpu.memory_space<semaphore_mem>>)
      %dma_wait3A_126 = arith.constant 2 : i32
      %dma_wait3A_127 = arith.constant 0 : i32
      %dma_wait3A_128 = tpu.memref_slice %arg7[%dma_wait3A_126, %dma_wait3A_127] : memref<32x128xi32, #tpu.memory_space<vmem>> -> memref<1x128xi32, #tpu.memory_space<vmem>>
      %dma_wait3A_129 = tpu.memref_squeeze %dma_wait3A_128 : memref<1x128xi32, #tpu.memory_space<vmem>> -> memref<128xi32, #tpu.memory_space<vmem>>
      %dma_wait3A_130 = arith.constant 0 : i32
      %dma_wait3A_131 = arith.constant 0 : i32
      %dma_wait3A_132 = tpu.memref_slice %arg13[%dma_wait3A_130, %dma_wait3A_131] : memref<10008x64xf32, #tpu.memory_space<vmem_shared>> -> memref<10008x64xf32, #tpu.memory_space<vmem_shared>>
      tpu.wait_indirect_dma semaphore(%arg17 : memref<!tpu.dma_semaphore, #tpu.memory_space<semaphore_mem>>) src(%dma_wait3A_132 : memref<10008x64xf32, #tpu.memory_space<vmem_shared>>) dst(%arg11 : memref<128x64xf32, #tpu.memory_space<vmem>>)
      %run_scoped3A_133 = arith.constant 2 : i32
      "tpu.region"() ({
        %run_scoped3A_548 = tpu.sem_alloc : memref<!tpu.dma_semaphore, #tpu.memory_space<semaphore_mem>>
        %dma_start3A_549 = arith.constant 0 : i32
        %dma_start3A_550 = tpu.memref_slice %arg8[%run_scoped3A_133, %dma_start3A_549] : memref<32x128xi32, #tpu.memory_space<vmem>> -> memref<1x128xi32, #tpu.memory_space<vmem>>
        %dma_start3A_551 = tpu.memref_squeeze %dma_start3A_550 : memref<1x128xi32, #tpu.memory_space<vmem>> -> memref<128xi32, #tpu.memory_space<vmem>>
        %dma_start3A_552 = arith.constant 0 : i32
        %dma_start3A_553 = arith.constant 0 : i32
        %dma_start3A_554 = tpu.memref_slice %arg14[%dma_start3A_552, %dma_start3A_553] : memref<10000x64xf32, #tpu.memory_space<vmem_shared>> -> memref<10000x64xf32, #tpu.memory_space<vmem_shared>>
        tpu.enqueue_indirect_dma source(%arg11 : memref<128x64xf32, #tpu.memory_space<vmem>>) target(%dma_start3A_554 : memref<10000x64xf32, #tpu.memory_space<vmem_shared>>) offsets(%dma_start3A_551 : memref<128xi32, #tpu.memory_space<vmem>>) semaphore(%run_scoped3A_548 : memref<!tpu.dma_semaphore, #tpu.memory_space<semaphore_mem>>) {add = true}
        %dma_wait3A_555 = arith.constant 0 : i32
        %dma_wait3A_556 = tpu.memref_slice %arg8[%run_scoped3A_133, %dma_wait3A_555] : memref<32x128xi32, #tpu.memory_space<vmem>> -> memref<1x128xi32, #tpu.memory_space<vmem>>
        %dma_wait3A_557 = tpu.memref_squeeze %dma_wait3A_556 : memref<1x128xi32, #tpu.memory_space<vmem>> -> memref<128xi32, #tpu.memory_space<vmem>>
        %dma_wait3A_558 = arith.constant 0 : i32
        %dma_wait3A_559 = arith.constant 0 : i32
        %dma_wait3A_560 = tpu.memref_slice %arg14[%dma_wait3A_558, %dma_wait3A_559] : memref<10000x64xf32, #tpu.memory_space<vmem_shared>> -> memref<10000x64xf32, #tpu.memory_space<vmem_shared>>
        tpu.wait_indirect_dma semaphore(%run_scoped3A_548 : memref<!tpu.dma_semaphore, #tpu.memory_space<semaphore_mem>>) src(%arg11 : memref<128x64xf32, #tpu.memory_space<vmem>>) dst(%dma_wait3A_560 : memref<10000x64xf32, #tpu.memory_space<vmem_shared>>)
        tpu.yield
      }) : () -> ()
      %dma_start3A_134 = arith.constant 6 : i32
      %dma_start3A_135 = arith.constant 0 : i32
      %dma_start3A_136 = tpu.memref_slice %arg7[%dma_start3A_134, %dma_start3A_135] : memref<32x128xi32, #tpu.memory_space<vmem>> -> memref<1x128xi32, #tpu.memory_space<vmem>>
      %dma_start3A_137 = tpu.memref_squeeze %dma_start3A_136 : memref<1x128xi32, #tpu.memory_space<vmem>> -> memref<128xi32, #tpu.memory_space<vmem>>
      %dma_start3A_138 = arith.constant 0 : i32
      %dma_start3A_139 = arith.constant 0 : i32
      %dma_start3A_140 = tpu.memref_slice %arg13[%dma_start3A_138, %dma_start3A_139] : memref<10008x64xf32, #tpu.memory_space<vmem_shared>> -> memref<10008x64xf32, #tpu.memory_space<vmem_shared>>
      tpu.enqueue_indirect_dma source(%dma_start3A_140 : memref<10008x64xf32, #tpu.memory_space<vmem_shared>>) target(%arg11 : memref<128x64xf32, #tpu.memory_space<vmem>>) offsets(%dma_start3A_137 : memref<128xi32, #tpu.memory_space<vmem>>) semaphore(%arg17 : memref<!tpu.dma_semaphore, #tpu.memory_space<semaphore_mem>>)
      %dma_wait3A_141 = arith.constant 3 : i32
      %dma_wait3A_142 = arith.constant 0 : i32
      %dma_wait3A_143 = tpu.memref_slice %arg7[%dma_wait3A_141, %dma_wait3A_142] : memref<32x128xi32, #tpu.memory_space<vmem>> -> memref<1x128xi32, #tpu.memory_space<vmem>>
      %dma_wait3A_144 = tpu.memref_squeeze %dma_wait3A_143 : memref<1x128xi32, #tpu.memory_space<vmem>> -> memref<128xi32, #tpu.memory_space<vmem>>
      %dma_wait3A_145 = arith.constant 0 : i32
      %dma_wait3A_146 = arith.constant 0 : i32
      %dma_wait3A_147 = tpu.memref_slice %arg13[%dma_wait3A_145, %dma_wait3A_146] : memref<10008x64xf32, #tpu.memory_space<vmem_shared>> -> memref<10008x64xf32, #tpu.memory_space<vmem_shared>>
      tpu.wait_indirect_dma semaphore(%arg18 : memref<!tpu.dma_semaphore, #tpu.memory_space<semaphore_mem>>) src(%dma_wait3A_147 : memref<10008x64xf32, #tpu.memory_space<vmem_shared>>) dst(%arg12 : memref<128x64xf32, #tpu.memory_space<vmem>>)
      %run_scoped3A_148 = arith.constant 3 : i32
      "tpu.region"() ({
        %run_scoped3A_548 = tpu.sem_alloc : memref<!tpu.dma_semaphore, #tpu.memory_space<semaphore_mem>>
        %dma_start3A_549 = arith.constant 0 : i32
        %dma_start3A_550 = tpu.memref_slice %arg8[%run_scoped3A_148, %dma_start3A_549] : memref<32x128xi32, #tpu.memory_space<vmem>> -> memref<1x128xi32, #tpu.memory_space<vmem>>
        %dma_start3A_551 = tpu.memref_squeeze %dma_start3A_550 : memref<1x128xi32, #tpu.memory_space<vmem>> -> memref<128xi32, #tpu.memory_space<vmem>>
        %dma_start3A_552 = arith.constant 0 : i32
        %dma_start3A_553 = arith.constant 0 : i32
        %dma_start3A_554 = tpu.memref_slice %arg14[%dma_start3A_552, %dma_start3A_553] : memref<10000x64xf32, #tpu.memory_space<vmem_shared>> -> memref<10000x64xf32, #tpu.memory_space<vmem_shared>>
        tpu.enqueue_indirect_dma source(%arg12 : memref<128x64xf32, #tpu.memory_space<vmem>>) target(%dma_start3A_554 : memref<10000x64xf32, #tpu.memory_space<vmem_shared>>) offsets(%dma_start3A_551 : memref<128xi32, #tpu.memory_space<vmem>>) semaphore(%run_scoped3A_548 : memref<!tpu.dma_semaphore, #tpu.memory_space<semaphore_mem>>) {add = true}
        %dma_wait3A_555 = arith.constant 0 : i32
        %dma_wait3A_556 = tpu.memref_slice %arg8[%run_scoped3A_148, %dma_wait3A_555] : memref<32x128xi32, #tpu.memory_space<vmem>> -> memref<1x128xi32, #tpu.memory_space<vmem>>
        %dma_wait3A_557 = tpu.memref_squeeze %dma_wait3A_556 : memref<1x128xi32, #tpu.memory_space<vmem>> -> memref<128xi32, #tpu.memory_space<vmem>>
        %dma_wait3A_558 = arith.constant 0 : i32
        %dma_wait3A_559 = arith.constant 0 : i32
        %dma_wait3A_560 = tpu.memref_slice %arg14[%dma_wait3A_558, %dma_wait3A_559] : memref<10000x64xf32, #tpu.memory_space<vmem_shared>> -> memref<10000x64xf32, #tpu.memory_space<vmem_shared>>
        tpu.wait_indirect_dma semaphore(%run_scoped3A_548 : memref<!tpu.dma_semaphore, #tpu.memory_space<semaphore_mem>>) src(%arg12 : memref<128x64xf32, #tpu.memory_space<vmem>>) dst(%dma_wait3A_560 : memref<10000x64xf32, #tpu.memory_space<vmem_shared>>)
        tpu.yield
      }) : () -> ()
      %dma_start3A_149 = arith.constant 7 : i32
      %dma_start3A_150 = arith.constant 0 : i32
      %dma_start3A_151 = tpu.memref_slice %arg7[%dma_start3A_149, %dma_start3A_150] : memref<32x128xi32, #tpu.memory_space<vmem>> -> memref<1x128xi32, #tpu.memory_space<vmem>>
      %dma_start3A_152 = tpu.memref_squeeze %dma_start3A_151 : memref<1x128xi32, #tpu.memory_space<vmem>> -> memref<128xi32, #tpu.memory_space<vmem>>
      %dma_start3A_153 = arith.constant 0 : i32
      %dma_start3A_154 = arith.constant 0 : i32
      %dma_start3A_155 = tpu.memref_slice %arg13[%dma_start3A_153, %dma_start3A_154] : memref<10008x64xf32, #tpu.memory_space<vmem_shared>> -> memref<10008x64xf32, #tpu.memory_space<vmem_shared>>
      tpu.enqueue_indirect_dma source(%dma_start3A_155 : memref<10008x64xf32, #tpu.memory_space<vmem_shared>>) target(%arg12 : memref<128x64xf32, #tpu.memory_space<vmem>>) offsets(%dma_start3A_152 : memref<128xi32, #tpu.memory_space<vmem>>) semaphore(%arg18 : memref<!tpu.dma_semaphore, #tpu.memory_space<semaphore_mem>>)
      %dma_wait3A_156 = arith.constant 4 : i32
      %dma_wait3A_157 = arith.constant 0 : i32
      %dma_wait3A_158 = tpu.memref_slice %arg7[%dma_wait3A_156, %dma_wait3A_157] : memref<32x128xi32, #tpu.memory_space<vmem>> -> memref<1x128xi32, #tpu.memory_space<vmem>>
      %dma_wait3A_159 = tpu.memref_squeeze %dma_wait3A_158 : memref<1x128xi32, #tpu.memory_space<vmem>> -> memref<128xi32, #tpu.memory_space<vmem>>
      %dma_wait3A_160 = arith.constant 0 : i32
      %dma_wait3A_161 = arith.constant 0 : i32
      %dma_wait3A_162 = tpu.memref_slice %arg13[%dma_wait3A_160, %dma_wait3A_161] : memref<10008x64xf32, #tpu.memory_space<vmem_shared>> -> memref<10008x64xf32, #tpu.memory_space<vmem_shared>>
      tpu.wait_indirect_dma semaphore(%arg15 : memref<!tpu.dma_semaphore, #tpu.memory_space<semaphore_mem>>) src(%dma_wait3A_162 : memref<10008x64xf32, #tpu.memory_space<vmem_shared>>) dst(%arg9 : memref<128x64xf32, #tpu.memory_space<vmem>>)
      %run_scoped3A_163 = arith.constant 4 : i32
      "tpu.region"() ({
        %run_scoped3A_548 = tpu.sem_alloc : memref<!tpu.dma_semaphore, #tpu.memory_space<semaphore_mem>>
        %dma_start3A_549 = arith.constant 0 : i32
        %dma_start3A_550 = tpu.memref_slice %arg8[%run_scoped3A_163, %dma_start3A_549] : memref<32x128xi32, #tpu.memory_space<vmem>> -> memref<1x128xi32, #tpu.memory_space<vmem>>
        %dma_start3A_551 = tpu.memref_squeeze %dma_start3A_550 : memref<1x128xi32, #tpu.memory_space<vmem>> -> memref<128xi32, #tpu.memory_space<vmem>>
        %dma_start3A_552 = arith.constant 0 : i32
        %dma_start3A_553 = arith.constant 0 : i32
        %dma_start3A_554 = tpu.memref_slice %arg14[%dma_start3A_552, %dma_start3A_553] : memref<10000x64xf32, #tpu.memory_space<vmem_shared>> -> memref<10000x64xf32, #tpu.memory_space<vmem_shared>>
        tpu.enqueue_indirect_dma source(%arg9 : memref<128x64xf32, #tpu.memory_space<vmem>>) target(%dma_start3A_554 : memref<10000x64xf32, #tpu.memory_space<vmem_shared>>) offsets(%dma_start3A_551 : memref<128xi32, #tpu.memory_space<vmem>>) semaphore(%run_scoped3A_548 : memref<!tpu.dma_semaphore, #tpu.memory_space<semaphore_mem>>) {add = true}
        %dma_wait3A_555 = arith.constant 0 : i32
        %dma_wait3A_556 = tpu.memref_slice %arg8[%run_scoped3A_163, %dma_wait3A_555] : memref<32x128xi32, #tpu.memory_space<vmem>> -> memref<1x128xi32, #tpu.memory_space<vmem>>
        %dma_wait3A_557 = tpu.memref_squeeze %dma_wait3A_556 : memref<1x128xi32, #tpu.memory_space<vmem>> -> memref<128xi32, #tpu.memory_space<vmem>>
        %dma_wait3A_558 = arith.constant 0 : i32
        %dma_wait3A_559 = arith.constant 0 : i32
        %dma_wait3A_560 = tpu.memref_slice %arg14[%dma_wait3A_558, %dma_wait3A_559] : memref<10000x64xf32, #tpu.memory_space<vmem_shared>> -> memref<10000x64xf32, #tpu.memory_space<vmem_shared>>
        tpu.wait_indirect_dma semaphore(%run_scoped3A_548 : memref<!tpu.dma_semaphore, #tpu.memory_space<semaphore_mem>>) src(%arg9 : memref<128x64xf32, #tpu.memory_space<vmem>>) dst(%dma_wait3A_560 : memref<10000x64xf32, #tpu.memory_space<vmem_shared>>)
        tpu.yield
      }) : () -> ()
      %dma_start3A_164 = arith.constant 8 : i32
      %dma_start3A_165 = arith.constant 0 : i32
      %dma_start3A_166 = tpu.memref_slice %arg7[%dma_start3A_164, %dma_start3A_165] : memref<32x128xi32, #tpu.memory_space<vmem>> -> memref<1x128xi32, #tpu.memory_space<vmem>>
      %dma_start3A_167 = tpu.memref_squeeze %dma_start3A_166 : memref<1x128xi32, #tpu.memory_space<vmem>> -> memref<128xi32, #tpu.memory_space<vmem>>
      %dma_start3A_168 = arith.constant 0 : i32
      %dma_start3A_169 = arith.constant 0 : i32
      %dma_start3A_170 = tpu.memref_slice %arg13[%dma_start3A_168, %dma_start3A_169] : memref<10008x64xf32, #tpu.memory_space<vmem_shared>> -> memref<10008x64xf32, #tpu.memory_space<vmem_shared>>
      tpu.enqueue_indirect_dma source(%dma_start3A_170 : memref<10008x64xf32, #tpu.memory_space<vmem_shared>>) target(%arg9 : memref<128x64xf32, #tpu.memory_space<vmem>>) offsets(%dma_start3A_167 : memref<128xi32, #tpu.memory_space<vmem>>) semaphore(%arg15 : memref<!tpu.dma_semaphore, #tpu.memory_space<semaphore_mem>>)
      %dma_wait3A_171 = arith.constant 5 : i32
      %dma_wait3A_172 = arith.constant 0 : i32
      %dma_wait3A_173 = tpu.memref_slice %arg7[%dma_wait3A_171, %dma_wait3A_172] : memref<32x128xi32, #tpu.memory_space<vmem>> -> memref<1x128xi32, #tpu.memory_space<vmem>>
      %dma_wait3A_174 = tpu.memref_squeeze %dma_wait3A_173 : memref<1x128xi32, #tpu.memory_space<vmem>> -> memref<128xi32, #tpu.memory_space<vmem>>
      %dma_wait3A_175 = arith.constant 0 : i32
      %dma_wait3A_176 = arith.constant 0 : i32
      %dma_wait3A_177 = tpu.memref_slice %arg13[%dma_wait3A_175, %dma_wait3A_176] : memref<10008x64xf32, #tpu.memory_space<vmem_shared>> -> memref<10008x64xf32, #tpu.memory_space<vmem_shared>>
      tpu.wait_indirect_dma semaphore(%arg16 : memref<!tpu.dma_semaphore, #tpu.memory_space<semaphore_mem>>) src(%dma_wait3A_177 : memref<10008x64xf32, #tpu.memory_space<vmem_shared>>) dst(%arg10 : memref<128x64xf32, #tpu.memory_space<vmem>>)
      %run_scoped3A_178 = arith.constant 5 : i32
      "tpu.region"() ({
        %run_scoped3A_548 = tpu.sem_alloc : memref<!tpu.dma_semaphore, #tpu.memory_space<semaphore_mem>>
        %dma_start3A_549 = arith.constant 0 : i32
        %dma_start3A_550 = tpu.memref_slice %arg8[%run_scoped3A_178, %dma_start3A_549] : memref<32x128xi32, #tpu.memory_space<vmem>> -> memref<1x128xi32, #tpu.memory_space<vmem>>
        %dma_start3A_551 = tpu.memref_squeeze %dma_start3A_550 : memref<1x128xi32, #tpu.memory_space<vmem>> -> memref<128xi32, #tpu.memory_space<vmem>>
        %dma_start3A_552 = arith.constant 0 : i32
        %dma_start3A_553 = arith.constant 0 : i32
        %dma_start3A_554 = tpu.memref_slice %arg14[%dma_start3A_552, %dma_start3A_553] : memref<10000x64xf32, #tpu.memory_space<vmem_shared>> -> memref<10000x64xf32, #tpu.memory_space<vmem_shared>>
        tpu.enqueue_indirect_dma source(%arg10 : memref<128x64xf32, #tpu.memory_space<vmem>>) target(%dma_start3A_554 : memref<10000x64xf32, #tpu.memory_space<vmem_shared>>) offsets(%dma_start3A_551 : memref<128xi32, #tpu.memory_space<vmem>>) semaphore(%run_scoped3A_548 : memref<!tpu.dma_semaphore, #tpu.memory_space<semaphore_mem>>) {add = true}
        %dma_wait3A_555 = arith.constant 0 : i32
        %dma_wait3A_556 = tpu.memref_slice %arg8[%run_scoped3A_178, %dma_wait3A_555] : memref<32x128xi32, #tpu.memory_space<vmem>> -> memref<1x128xi32, #tpu.memory_space<vmem>>
        %dma_wait3A_557 = tpu.memref_squeeze %dma_wait3A_556 : memref<1x128xi32, #tpu.memory_space<vmem>> -> memref<128xi32, #tpu.memory_space<vmem>>
        %dma_wait3A_558 = arith.constant 0 : i32
        %dma_wait3A_559 = arith.constant 0 : i32
        %dma_wait3A_560 = tpu.memref_slice %arg14[%dma_wait3A_558, %dma_wait3A_559] : memref<10000x64xf32, #tpu.memory_space<vmem_shared>> -> memref<10000x64xf32, #tpu.memory_space<vmem_shared>>
        tpu.wait_indirect_dma semaphore(%run_scoped3A_548 : memref<!tpu.dma_semaphore, #tpu.memory_space<semaphore_mem>>) src(%arg10 : memref<128x64xf32, #tpu.memory_space<vmem>>) dst(%dma_wait3A_560 : memref<10000x64xf32, #tpu.memory_space<vmem_shared>>)
        tpu.yield
      }) : () -> ()
      %dma_start3A_179 = arith.constant 9 : i32
      %dma_start3A_180 = arith.constant 0 : i32
      %dma_start3A_181 = tpu.memref_slice %arg7[%dma_start3A_179, %dma_start3A_180] : memref<32x128xi32, #tpu.memory_space<vmem>> -> memref<1x128xi32, #tpu.memory_space<vmem>>
      %dma_start3A_182 = tpu.memref_squeeze %dma_start3A_181 : memref<1x128xi32, #tpu.memory_space<vmem>> -> memref<128xi32, #tpu.memory_space<vmem>>
      %dma_start3A_183 = arith.constant 0 : i32
      %dma_start3A_184 = arith.constant 0 : i32
      %dma_start3A_185 = tpu.memref_slice %arg13[%dma_start3A_183, %dma_start3A_184] : memref<10008x64xf32, #tpu.memory_space<vmem_shared>> -> memref<10008x64xf32, #tpu.memory_space<vmem_shared>>
      tpu.enqueue_indirect_dma source(%dma_start3A_185 : memref<10008x64xf32, #tpu.memory_space<vmem_shared>>) target(%arg10 : memref<128x64xf32, #tpu.memory_space<vmem>>) offsets(%dma_start3A_182 : memref<128xi32, #tpu.memory_space<vmem>>) semaphore(%arg16 : memref<!tpu.dma_semaphore, #tpu.memory_space<semaphore_mem>>)
      %dma_wait3A_186 = arith.constant 6 : i32
      %dma_wait3A_187 = arith.constant 0 : i32
      %dma_wait3A_188 = tpu.memref_slice %arg7[%dma_wait3A_186, %dma_wait3A_187] : memref<32x128xi32, #tpu.memory_space<vmem>> -> memref<1x128xi32, #tpu.memory_space<vmem>>
      %dma_wait3A_189 = tpu.memref_squeeze %dma_wait3A_188 : memref<1x128xi32, #tpu.memory_space<vmem>> -> memref<128xi32, #tpu.memory_space<vmem>>
      %dma_wait3A_190 = arith.constant 0 : i32
      %dma_wait3A_191 = arith.constant 0 : i32
      %dma_wait3A_192 = tpu.memref_slice %arg13[%dma_wait3A_190, %dma_wait3A_191] : memref<10008x64xf32, #tpu.memory_space<vmem_shared>> -> memref<10008x64xf32, #tpu.memory_space<vmem_shared>>
      tpu.wait_indirect_dma semaphore(%arg17 : memref<!tpu.dma_semaphore, #tpu.memory_space<semaphore_mem>>) src(%dma_wait3A_192 : memref<10008x64xf32, #tpu.memory_space<vmem_shared>>) dst(%arg11 : memref<128x64xf32, #tpu.memory_space<vmem>>)
      %run_scoped3A_193 = arith.constant 6 : i32
      "tpu.region"() ({
        %run_scoped3A_548 = tpu.sem_alloc : memref<!tpu.dma_semaphore, #tpu.memory_space<semaphore_mem>>
        %dma_start3A_549 = arith.constant 0 : i32
        %dma_start3A_550 = tpu.memref_slice %arg8[%run_scoped3A_193, %dma_start3A_549] : memref<32x128xi32, #tpu.memory_space<vmem>> -> memref<1x128xi32, #tpu.memory_space<vmem>>
        %dma_start3A_551 = tpu.memref_squeeze %dma_start3A_550 : memref<1x128xi32, #tpu.memory_space<vmem>> -> memref<128xi32, #tpu.memory_space<vmem>>
        %dma_start3A_552 = arith.constant 0 : i32
        %dma_start3A_553 = arith.constant 0 : i32
        %dma_start3A_554 = tpu.memref_slice %arg14[%dma_start3A_552, %dma_start3A_553] : memref<10000x64xf32, #tpu.memory_space<vmem_shared>> -> memref<10000x64xf32, #tpu.memory_space<vmem_shared>>
        tpu.enqueue_indirect_dma source(%arg11 : memref<128x64xf32, #tpu.memory_space<vmem>>) target(%dma_start3A_554 : memref<10000x64xf32, #tpu.memory_space<vmem_shared>>) offsets(%dma_start3A_551 : memref<128xi32, #tpu.memory_space<vmem>>) semaphore(%run_scoped3A_548 : memref<!tpu.dma_semaphore, #tpu.memory_space<semaphore_mem>>) {add = true}
        %dma_wait3A_555 = arith.constant 0 : i32
        %dma_wait3A_556 = tpu.memref_slice %arg8[%run_scoped3A_193, %dma_wait3A_555] : memref<32x128xi32, #tpu.memory_space<vmem>> -> memref<1x128xi32, #tpu.memory_space<vmem>>
        %dma_wait3A_557 = tpu.memref_squeeze %dma_wait3A_556 : memref<1x128xi32, #tpu.memory_space<vmem>> -> memref<128xi32, #tpu.memory_space<vmem>>
        %dma_wait3A_558 = arith.constant 0 : i32
        %dma_wait3A_559 = arith.constant 0 : i32
        %dma_wait3A_560 = tpu.memref_slice %arg14[%dma_wait3A_558, %dma_wait3A_559] : memref<10000x64xf32, #tpu.memory_space<vmem_shared>> -> memref<10000x64xf32, #tpu.memory_space<vmem_shared>>
        tpu.wait_indirect_dma semaphore(%run_scoped3A_548 : memref<!tpu.dma_semaphore, #tpu.memory_space<semaphore_mem>>) src(%arg11 : memref<128x64xf32, #tpu.memory_space<vmem>>) dst(%dma_wait3A_560 : memref<10000x64xf32, #tpu.memory_space<vmem_shared>>)
        tpu.yield
      }) : () -> ()
      %dma_start3A_194 = arith.constant 10 : i32
      %dma_start3A_195 = arith.constant 0 : i32
      %dma_start3A_196 = tpu.memref_slice %arg7[%dma_start3A_194, %dma_start3A_195] : memref<32x128xi32, #tpu.memory_space<vmem>> -> memref<1x128xi32, #tpu.memory_space<vmem>>
      %dma_start3A_197 = tpu.memref_squeeze %dma_start3A_196 : memref<1x128xi32, #tpu.memory_space<vmem>> -> memref<128xi32, #tpu.memory_space<vmem>>
      %dma_start3A_198 = arith.constant 0 : i32
      %dma_start3A_199 = arith.constant 0 : i32
      %dma_start3A_200 = tpu.memref_slice %arg13[%dma_start3A_198, %dma_start3A_199] : memref<10008x64xf32, #tpu.memory_space<vmem_shared>> -> memref<10008x64xf32, #tpu.memory_space<vmem_shared>>
      tpu.enqueue_indirect_dma source(%dma_start3A_200 : memref<10008x64xf32, #tpu.memory_space<vmem_shared>>) target(%arg11 : memref<128x64xf32, #tpu.memory_space<vmem>>) offsets(%dma_start3A_197 : memref<128xi32, #tpu.memory_space<vmem>>) semaphore(%arg17 : memref<!tpu.dma_semaphore, #tpu.memory_space<semaphore_mem>>)
      %dma_wait3A_201 = arith.constant 7 : i32
      %dma_wait3A_202 = arith.constant 0 : i32
      %dma_wait3A_203 = tpu.memref_slice %arg7[%dma_wait3A_201, %dma_wait3A_202] : memref<32x128xi32, #tpu.memory_space<vmem>> -> memref<1x128xi32, #tpu.memory_space<vmem>>
      %dma_wait3A_204 = tpu.memref_squeeze %dma_wait3A_203 : memref<1x128xi32, #tpu.memory_space<vmem>> -> memref<128xi32, #tpu.memory_space<vmem>>
      %dma_wait3A_205 = arith.constant 0 : i32
      %dma_wait3A_206 = arith.constant 0 : i32
      %dma_wait3A_207 = tpu.memref_slice %arg13[%dma_wait3A_205, %dma_wait3A_206] : memref<10008x64xf32, #tpu.memory_space<vmem_shared>> -> memref<10008x64xf32, #tpu.memory_space<vmem_shared>>
      tpu.wait_indirect_dma semaphore(%arg18 : memref<!tpu.dma_semaphore, #tpu.memory_space<semaphore_mem>>) src(%dma_wait3A_207 : memref<10008x64xf32, #tpu.memory_space<vmem_shared>>) dst(%arg12 : memref<128x64xf32, #tpu.memory_space<vmem>>)
      %run_scoped3A_208 = arith.constant 7 : i32
      "tpu.region"() ({
        %run_scoped3A_548 = tpu.sem_alloc : memref<!tpu.dma_semaphore, #tpu.memory_space<semaphore_mem>>
        %dma_start3A_549 = arith.constant 0 : i32
        %dma_start3A_550 = tpu.memref_slice %arg8[%run_scoped3A_208, %dma_start3A_549] : memref<32x128xi32, #tpu.memory_space<vmem>> -> memref<1x128xi32, #tpu.memory_space<vmem>>
        %dma_start3A_551 = tpu.memref_squeeze %dma_start3A_550 : memref<1x128xi32, #tpu.memory_space<vmem>> -> memref<128xi32, #tpu.memory_space<vmem>>
        %dma_start3A_552 = arith.constant 0 : i32
        %dma_start3A_553 = arith.constant 0 : i32
        %dma_start3A_554 = tpu.memref_slice %arg14[%dma_start3A_552, %dma_start3A_553] : memref<10000x64xf32, #tpu.memory_space<vmem_shared>> -> memref<10000x64xf32, #tpu.memory_space<vmem_shared>>
        tpu.enqueue_indirect_dma source(%arg12 : memref<128x64xf32, #tpu.memory_space<vmem>>) target(%dma_start3A_554 : memref<10000x64xf32, #tpu.memory_space<vmem_shared>>) offsets(%dma_start3A_551 : memref<128xi32, #tpu.memory_space<vmem>>) semaphore(%run_scoped3A_548 : memref<!tpu.dma_semaphore, #tpu.memory_space<semaphore_mem>>) {add = true}
        %dma_wait3A_555 = arith.constant 0 : i32
        %dma_wait3A_556 = tpu.memref_slice %arg8[%run_scoped3A_208, %dma_wait3A_555] : memref<32x128xi32, #tpu.memory_space<vmem>> -> memref<1x128xi32, #tpu.memory_space<vmem>>
        %dma_wait3A_557 = tpu.memref_squeeze %dma_wait3A_556 : memref<1x128xi32, #tpu.memory_space<vmem>> -> memref<128xi32, #tpu.memory_space<vmem>>
        %dma_wait3A_558 = arith.constant 0 : i32
        %dma_wait3A_559 = arith.constant 0 : i32
        %dma_wait3A_560 = tpu.memref_slice %arg14[%dma_wait3A_558, %dma_wait3A_559] : memref<10000x64xf32, #tpu.memory_space<vmem_shared>> -> memref<10000x64xf32, #tpu.memory_space<vmem_shared>>
        tpu.wait_indirect_dma semaphore(%run_scoped3A_548 : memref<!tpu.dma_semaphore, #tpu.memory_space<semaphore_mem>>) src(%arg12 : memref<128x64xf32, #tpu.memory_space<vmem>>) dst(%dma_wait3A_560 : memref<10000x64xf32, #tpu.memory_space<vmem_shared>>)
        tpu.yield
      }) : () -> ()
      %dma_start3A_209 = arith.constant 11 : i32
      %dma_start3A_210 = arith.constant 0 : i32
      %dma_start3A_211 = tpu.memref_slice %arg7[%dma_start3A_209, %dma_start3A_210] : memref<32x128xi32, #tpu.memory_space<vmem>> -> memref<1x128xi32, #tpu.memory_space<vmem>>
      %dma_start3A_212 = tpu.memref_squeeze %dma_start3A_211 : memref<1x128xi32, #tpu.memory_space<vmem>> -> memref<128xi32, #tpu.memory_space<vmem>>
      %dma_start3A_213 = arith.constant 0 : i32
      %dma_start3A_214 = arith.constant 0 : i32
      %dma_start3A_215 = tpu.memref_slice %arg13[%dma_start3A_213, %dma_start3A_214] : memref<10008x64xf32, #tpu.memory_space<vmem_shared>> -> memref<10008x64xf32, #tpu.memory_space<vmem_shared>>
      tpu.enqueue_indirect_dma source(%dma_start3A_215 : memref<10008x64xf32, #tpu.memory_space<vmem_shared>>) target(%arg12 : memref<128x64xf32, #tpu.memory_space<vmem>>) offsets(%dma_start3A_212 : memref<128xi32, #tpu.memory_space<vmem>>) semaphore(%arg18 : memref<!tpu.dma_semaphore, #tpu.memory_space<semaphore_mem>>)
      %dma_wait3A_216 = arith.constant 8 : i32
      %dma_wait3A_217 = arith.constant 0 : i32
      %dma_wait3A_218 = tpu.memref_slice %arg7[%dma_wait3A_216, %dma_wait3A_217] : memref<32x128xi32, #tpu.memory_space<vmem>> -> memref<1x128xi32, #tpu.memory_space<vmem>>
      %dma_wait3A_219 = tpu.memref_squeeze %dma_wait3A_218 : memref<1x128xi32, #tpu.memory_space<vmem>> -> memref<128xi32, #tpu.memory_space<vmem>>
      %dma_wait3A_220 = arith.constant 0 : i32
      %dma_wait3A_221 = arith.constant 0 : i32
      %dma_wait3A_222 = tpu.memref_slice %arg13[%dma_wait3A_220, %dma_wait3A_221] : memref<10008x64xf32, #tpu.memory_space<vmem_shared>> -> memref<10008x64xf32, #tpu.memory_space<vmem_shared>>
      tpu.wait_indirect_dma semaphore(%arg15 : memref<!tpu.dma_semaphore, #tpu.memory_space<semaphore_mem>>) src(%dma_wait3A_222 : memref<10008x64xf32, #tpu.memory_space<vmem_shared>>) dst(%arg9 : memref<128x64xf32, #tpu.memory_space<vmem>>)
      %run_scoped3A_223 = arith.constant 8 : i32
      "tpu.region"() ({
        %run_scoped3A_548 = tpu.sem_alloc : memref<!tpu.dma_semaphore, #tpu.memory_space<semaphore_mem>>
        %dma_start3A_549 = arith.constant 0 : i32
        %dma_start3A_550 = tpu.memref_slice %arg8[%run_scoped3A_223, %dma_start3A_549] : memref<32x128xi32, #tpu.memory_space<vmem>> -> memref<1x128xi32, #tpu.memory_space<vmem>>
        %dma_start3A_551 = tpu.memref_squeeze %dma_start3A_550 : memref<1x128xi32, #tpu.memory_space<vmem>> -> memref<128xi32, #tpu.memory_space<vmem>>
        %dma_start3A_552 = arith.constant 0 : i32
        %dma_start3A_553 = arith.constant 0 : i32
        %dma_start3A_554 = tpu.memref_slice %arg14[%dma_start3A_552, %dma_start3A_553] : memref<10000x64xf32, #tpu.memory_space<vmem_shared>> -> memref<10000x64xf32, #tpu.memory_space<vmem_shared>>
        tpu.enqueue_indirect_dma source(%arg9 : memref<128x64xf32, #tpu.memory_space<vmem>>) target(%dma_start3A_554 : memref<10000x64xf32, #tpu.memory_space<vmem_shared>>) offsets(%dma_start3A_551 : memref<128xi32, #tpu.memory_space<vmem>>) semaphore(%run_scoped3A_548 : memref<!tpu.dma_semaphore, #tpu.memory_space<semaphore_mem>>) {add = true}
        %dma_wait3A_555 = arith.constant 0 : i32
        %dma_wait3A_556 = tpu.memref_slice %arg8[%run_scoped3A_223, %dma_wait3A_555] : memref<32x128xi32, #tpu.memory_space<vmem>> -> memref<1x128xi32, #tpu.memory_space<vmem>>
        %dma_wait3A_557 = tpu.memref_squeeze %dma_wait3A_556 : memref<1x128xi32, #tpu.memory_space<vmem>> -> memref<128xi32, #tpu.memory_space<vmem>>
        %dma_wait3A_558 = arith.constant 0 : i32
        %dma_wait3A_559 = arith.constant 0 : i32
        %dma_wait3A_560 = tpu.memref_slice %arg14[%dma_wait3A_558, %dma_wait3A_559] : memref<10000x64xf32, #tpu.memory_space<vmem_shared>> -> memref<10000x64xf32, #tpu.memory_space<vmem_shared>>
        tpu.wait_indirect_dma semaphore(%run_scoped3A_548 : memref<!tpu.dma_semaphore, #tpu.memory_space<semaphore_mem>>) src(%arg9 : memref<128x64xf32, #tpu.memory_space<vmem>>) dst(%dma_wait3A_560 : memref<10000x64xf32, #tpu.memory_space<vmem_shared>>)
        tpu.yield
      }) : () -> ()
      %dma_start3A_224 = arith.constant 12 : i32
      %dma_start3A_225 = arith.constant 0 : i32
      %dma_start3A_226 = tpu.memref_slice %arg7[%dma_start3A_224, %dma_start3A_225] : memref<32x128xi32, #tpu.memory_space<vmem>> -> memref<1x128xi32, #tpu.memory_space<vmem>>
      %dma_start3A_227 = tpu.memref_squeeze %dma_start3A_226 : memref<1x128xi32, #tpu.memory_space<vmem>> -> memref<128xi32, #tpu.memory_space<vmem>>
      %dma_start3A_228 = arith.constant 0 : i32
      %dma_start3A_229 = arith.constant 0 : i32
      %dma_start3A_230 = tpu.memref_slice %arg13[%dma_start3A_228, %dma_start3A_229] : memref<10008x64xf32, #tpu.memory_space<vmem_shared>> -> memref<10008x64xf32, #tpu.memory_space<vmem_shared>>
      tpu.enqueue_indirect_dma source(%dma_start3A_230 : memref<10008x64xf32, #tpu.memory_space<vmem_shared>>) target(%arg9 : memref<128x64xf32, #tpu.memory_space<vmem>>) offsets(%dma_start3A_227 : memref<128xi32, #tpu.memory_space<vmem>>) semaphore(%arg15 : memref<!tpu.dma_semaphore, #tpu.memory_space<semaphore_mem>>)
      %dma_wait3A_231 = arith.constant 9 : i32
      %dma_wait3A_232 = arith.constant 0 : i32
      %dma_wait3A_233 = tpu.memref_slice %arg7[%dma_wait3A_231, %dma_wait3A_232] : memref<32x128xi32, #tpu.memory_space<vmem>> -> memref<1x128xi32, #tpu.memory_space<vmem>>
      %dma_wait3A_234 = tpu.memref_squeeze %dma_wait3A_233 : memref<1x128xi32, #tpu.memory_space<vmem>> -> memref<128xi32, #tpu.memory_space<vmem>>
      %dma_wait3A_235 = arith.constant 0 : i32
      %dma_wait3A_236 = arith.constant 0 : i32
      %dma_wait3A_237 = tpu.memref_slice %arg13[%dma_wait3A_235, %dma_wait3A_236] : memref<10008x64xf32, #tpu.memory_space<vmem_shared>> -> memref<10008x64xf32, #tpu.memory_space<vmem_shared>>
      tpu.wait_indirect_dma semaphore(%arg16 : memref<!tpu.dma_semaphore, #tpu.memory_space<semaphore_mem>>) src(%dma_wait3A_237 : memref<10008x64xf32, #tpu.memory_space<vmem_shared>>) dst(%arg10 : memref<128x64xf32, #tpu.memory_space<vmem>>)
      %run_scoped3A_238 = arith.constant 9 : i32
      "tpu.region"() ({
        %run_scoped3A_548 = tpu.sem_alloc : memref<!tpu.dma_semaphore, #tpu.memory_space<semaphore_mem>>
        %dma_start3A_549 = arith.constant 0 : i32
        %dma_start3A_550 = tpu.memref_slice %arg8[%run_scoped3A_238, %dma_start3A_549] : memref<32x128xi32, #tpu.memory_space<vmem>> -> memref<1x128xi32, #tpu.memory_space<vmem>>
        %dma_start3A_551 = tpu.memref_squeeze %dma_start3A_550 : memref<1x128xi32, #tpu.memory_space<vmem>> -> memref<128xi32, #tpu.memory_space<vmem>>
        %dma_start3A_552 = arith.constant 0 : i32
        %dma_start3A_553 = arith.constant 0 : i32
        %dma_start3A_554 = tpu.memref_slice %arg14[%dma_start3A_552, %dma_start3A_553] : memref<10000x64xf32, #tpu.memory_space<vmem_shared>> -> memref<10000x64xf32, #tpu.memory_space<vmem_shared>>
        tpu.enqueue_indirect_dma source(%arg10 : memref<128x64xf32, #tpu.memory_space<vmem>>) target(%dma_start3A_554 : memref<10000x64xf32, #tpu.memory_space<vmem_shared>>) offsets(%dma_start3A_551 : memref<128xi32, #tpu.memory_space<vmem>>) semaphore(%run_scoped3A_548 : memref<!tpu.dma_semaphore, #tpu.memory_space<semaphore_mem>>) {add = true}
        %dma_wait3A_555 = arith.constant 0 : i32
        %dma_wait3A_556 = tpu.memref_slice %arg8[%run_scoped3A_238, %dma_wait3A_555] : memref<32x128xi32, #tpu.memory_space<vmem>> -> memref<1x128xi32, #tpu.memory_space<vmem>>
        %dma_wait3A_557 = tpu.memref_squeeze %dma_wait3A_556 : memref<1x128xi32, #tpu.memory_space<vmem>> -> memref<128xi32, #tpu.memory_space<vmem>>
        %dma_wait3A_558 = arith.constant 0 : i32
        %dma_wait3A_559 = arith.constant 0 : i32
        %dma_wait3A_560 = tpu.memref_slice %arg14[%dma_wait3A_558, %dma_wait3A_559] : memref<10000x64xf32, #tpu.memory_space<vmem_shared>> -> memref<10000x64xf32, #tpu.memory_space<vmem_shared>>
        tpu.wait_indirect_dma semaphore(%run_scoped3A_548 : memref<!tpu.dma_semaphore, #tpu.memory_space<semaphore_mem>>) src(%arg10 : memref<128x64xf32, #tpu.memory_space<vmem>>) dst(%dma_wait3A_560 : memref<10000x64xf32, #tpu.memory_space<vmem_shared>>)
        tpu.yield
      }) : () -> ()
      %dma_start3A_239 = arith.constant 13 : i32
      %dma_start3A_240 = arith.constant 0 : i32
      %dma_start3A_241 = tpu.memref_slice %arg7[%dma_start3A_239, %dma_start3A_240] : memref<32x128xi32, #tpu.memory_space<vmem>> -> memref<1x128xi32, #tpu.memory_space<vmem>>
      %dma_start3A_242 = tpu.memref_squeeze %dma_start3A_241 : memref<1x128xi32, #tpu.memory_space<vmem>> -> memref<128xi32, #tpu.memory_space<vmem>>
      %dma_start3A_243 = arith.constant 0 : i32
      %dma_start3A_244 = arith.constant 0 : i32
      %dma_start3A_245 = tpu.memref_slice %arg13[%dma_start3A_243, %dma_start3A_244] : memref<10008x64xf32, #tpu.memory_space<vmem_shared>> -> memref<10008x64xf32, #tpu.memory_space<vmem_shared>>
      tpu.enqueue_indirect_dma source(%dma_start3A_245 : memref<10008x64xf32, #tpu.memory_space<vmem_shared>>) target(%arg10 : memref<128x64xf32, #tpu.memory_space<vmem>>) offsets(%dma_start3A_242 : memref<128xi32, #tpu.memory_space<vmem>>) semaphore(%arg16 : memref<!tpu.dma_semaphore, #tpu.memory_space<semaphore_mem>>)
      %dma_wait3A_246 = arith.constant 10 : i32
      %dma_wait3A_247 = arith.constant 0 : i32
      %dma_wait3A_248 = tpu.memref_slice %arg7[%dma_wait3A_246, %dma_wait3A_247] : memref<32x128xi32, #tpu.memory_space<vmem>> -> memref<1x128xi32, #tpu.memory_space<vmem>>
      %dma_wait3A_249 = tpu.memref_squeeze %dma_wait3A_248 : memref<1x128xi32, #tpu.memory_space<vmem>> -> memref<128xi32, #tpu.memory_space<vmem>>
      %dma_wait3A_250 = arith.constant 0 : i32
      %dma_wait3A_251 = arith.constant 0 : i32
      %dma_wait3A_252 = tpu.memref_slice %arg13[%dma_wait3A_250, %dma_wait3A_251] : memref<10008x64xf32, #tpu.memory_space<vmem_shared>> -> memref<10008x64xf32, #tpu.memory_space<vmem_shared>>
      tpu.wait_indirect_dma semaphore(%arg17 : memref<!tpu.dma_semaphore, #tpu.memory_space<semaphore_mem>>) src(%dma_wait3A_252 : memref<10008x64xf32, #tpu.memory_space<vmem_shared>>) dst(%arg11 : memref<128x64xf32, #tpu.memory_space<vmem>>)
      %run_scoped3A_253 = arith.constant 10 : i32
      "tpu.region"() ({
        %run_scoped3A_548 = tpu.sem_alloc : memref<!tpu.dma_semaphore, #tpu.memory_space<semaphore_mem>>
        %dma_start3A_549 = arith.constant 0 : i32
        %dma_start3A_550 = tpu.memref_slice %arg8[%run_scoped3A_253, %dma_start3A_549] : memref<32x128xi32, #tpu.memory_space<vmem>> -> memref<1x128xi32, #tpu.memory_space<vmem>>
        %dma_start3A_551 = tpu.memref_squeeze %dma_start3A_550 : memref<1x128xi32, #tpu.memory_space<vmem>> -> memref<128xi32, #tpu.memory_space<vmem>>
        %dma_start3A_552 = arith.constant 0 : i32
        %dma_start3A_553 = arith.constant 0 : i32
        %dma_start3A_554 = tpu.memref_slice %arg14[%dma_start3A_552, %dma_start3A_553] : memref<10000x64xf32, #tpu.memory_space<vmem_shared>> -> memref<10000x64xf32, #tpu.memory_space<vmem_shared>>
        tpu.enqueue_indirect_dma source(%arg11 : memref<128x64xf32, #tpu.memory_space<vmem>>) target(%dma_start3A_554 : memref<10000x64xf32, #tpu.memory_space<vmem_shared>>) offsets(%dma_start3A_551 : memref<128xi32, #tpu.memory_space<vmem>>) semaphore(%run_scoped3A_548 : memref<!tpu.dma_semaphore, #tpu.memory_space<semaphore_mem>>) {add = true}
        %dma_wait3A_555 = arith.constant 0 : i32
        %dma_wait3A_556 = tpu.memref_slice %arg8[%run_scoped3A_253, %dma_wait3A_555] : memref<32x128xi32, #tpu.memory_space<vmem>> -> memref<1x128xi32, #tpu.memory_space<vmem>>
        %dma_wait3A_557 = tpu.memref_squeeze %dma_wait3A_556 : memref<1x128xi32, #tpu.memory_space<vmem>> -> memref<128xi32, #tpu.memory_space<vmem>>
        %dma_wait3A_558 = arith.constant 0 : i32
        %dma_wait3A_559 = arith.constant 0 : i32
        %dma_wait3A_560 = tpu.memref_slice %arg14[%dma_wait3A_558, %dma_wait3A_559] : memref<10000x64xf32, #tpu.memory_space<vmem_shared>> -> memref<10000x64xf32, #tpu.memory_space<vmem_shared>>
        tpu.wait_indirect_dma semaphore(%run_scoped3A_548 : memref<!tpu.dma_semaphore, #tpu.memory_space<semaphore_mem>>) src(%arg11 : memref<128x64xf32, #tpu.memory_space<vmem>>) dst(%dma_wait3A_560 : memref<10000x64xf32, #tpu.memory_space<vmem_shared>>)
        tpu.yield
      }) : () -> ()
      %dma_start3A_254 = arith.constant 14 : i32
      %dma_start3A_255 = arith.constant 0 : i32
      %dma_start3A_256 = tpu.memref_slice %arg7[%dma_start3A_254, %dma_start3A_255] : memref<32x128xi32, #tpu.memory_space<vmem>> -> memref<1x128xi32, #tpu.memory_space<vmem>>
      %dma_start3A_257 = tpu.memref_squeeze %dma_start3A_256 : memref<1x128xi32, #tpu.memory_space<vmem>> -> memref<128xi32, #tpu.memory_space<vmem>>
      %dma_start3A_258 = arith.constant 0 : i32
      %dma_start3A_259 = arith.constant 0 : i32
      %dma_start3A_260 = tpu.memref_slice %arg13[%dma_start3A_258, %dma_start3A_259] : memref<10008x64xf32, #tpu.memory_space<vmem_shared>> -> memref<10008x64xf32, #tpu.memory_space<vmem_shared>>
      tpu.enqueue_indirect_dma source(%dma_start3A_260 : memref<10008x64xf32, #tpu.memory_space<vmem_shared>>) target(%arg11 : memref<128x64xf32, #tpu.memory_space<vmem>>) offsets(%dma_start3A_257 : memref<128xi32, #tpu.memory_space<vmem>>) semaphore(%arg17 : memref<!tpu.dma_semaphore, #tpu.memory_space<semaphore_mem>>)
      %dma_wait3A_261 = arith.constant 11 : i32
      %dma_wait3A_262 = arith.constant 0 : i32
      %dma_wait3A_263 = tpu.memref_slice %arg7[%dma_wait3A_261, %dma_wait3A_262] : memref<32x128xi32, #tpu.memory_space<vmem>> -> memref<1x128xi32, #tpu.memory_space<vmem>>
      %dma_wait3A_264 = tpu.memref_squeeze %dma_wait3A_263 : memref<1x128xi32, #tpu.memory_space<vmem>> -> memref<128xi32, #tpu.memory_space<vmem>>
      %dma_wait3A_265 = arith.constant 0 : i32
      %dma_wait3A_266 = arith.constant 0 : i32
      %dma_wait3A_267 = tpu.memref_slice %arg13[%dma_wait3A_265, %dma_wait3A_266] : memref<10008x64xf32, #tpu.memory_space<vmem_shared>> -> memref<10008x64xf32, #tpu.memory_space<vmem_shared>>
      tpu.wait_indirect_dma semaphore(%arg18 : memref<!tpu.dma_semaphore, #tpu.memory_space<semaphore_mem>>) src(%dma_wait3A_267 : memref<10008x64xf32, #tpu.memory_space<vmem_shared>>) dst(%arg12 : memref<128x64xf32, #tpu.memory_space<vmem>>)
      %run_scoped3A_268 = arith.constant 11 : i32
      "tpu.region"() ({
        %run_scoped3A_548 = tpu.sem_alloc : memref<!tpu.dma_semaphore, #tpu.memory_space<semaphore_mem>>
        %dma_start3A_549 = arith.constant 0 : i32
        %dma_start3A_550 = tpu.memref_slice %arg8[%run_scoped3A_268, %dma_start3A_549] : memref<32x128xi32, #tpu.memory_space<vmem>> -> memref<1x128xi32, #tpu.memory_space<vmem>>
        %dma_start3A_551 = tpu.memref_squeeze %dma_start3A_550 : memref<1x128xi32, #tpu.memory_space<vmem>> -> memref<128xi32, #tpu.memory_space<vmem>>
        %dma_start3A_552 = arith.constant 0 : i32
        %dma_start3A_553 = arith.constant 0 : i32
        %dma_start3A_554 = tpu.memref_slice %arg14[%dma_start3A_552, %dma_start3A_553] : memref<10000x64xf32, #tpu.memory_space<vmem_shared>> -> memref<10000x64xf32, #tpu.memory_space<vmem_shared>>
        tpu.enqueue_indirect_dma source(%arg12 : memref<128x64xf32, #tpu.memory_space<vmem>>) target(%dma_start3A_554 : memref<10000x64xf32, #tpu.memory_space<vmem_shared>>) offsets(%dma_start3A_551 : memref<128xi32, #tpu.memory_space<vmem>>) semaphore(%run_scoped3A_548 : memref<!tpu.dma_semaphore, #tpu.memory_space<semaphore_mem>>) {add = true}
        %dma_wait3A_555 = arith.constant 0 : i32
        %dma_wait3A_556 = tpu.memref_slice %arg8[%run_scoped3A_268, %dma_wait3A_555] : memref<32x128xi32, #tpu.memory_space<vmem>> -> memref<1x128xi32, #tpu.memory_space<vmem>>
        %dma_wait3A_557 = tpu.memref_squeeze %dma_wait3A_556 : memref<1x128xi32, #tpu.memory_space<vmem>> -> memref<128xi32, #tpu.memory_space<vmem>>
        %dma_wait3A_558 = arith.constant 0 : i32
        %dma_wait3A_559 = arith.constant 0 : i32
        %dma_wait3A_560 = tpu.memref_slice %arg14[%dma_wait3A_558, %dma_wait3A_559] : memref<10000x64xf32, #tpu.memory_space<vmem_shared>> -> memref<10000x64xf32, #tpu.memory_space<vmem_shared>>
        tpu.wait_indirect_dma semaphore(%run_scoped3A_548 : memref<!tpu.dma_semaphore, #tpu.memory_space<semaphore_mem>>) src(%arg12 : memref<128x64xf32, #tpu.memory_space<vmem>>) dst(%dma_wait3A_560 : memref<10000x64xf32, #tpu.memory_space<vmem_shared>>)
        tpu.yield
      }) : () -> ()
      %dma_start3A_269 = arith.constant 15 : i32
      %dma_start3A_270 = arith.constant 0 : i32
      %dma_start3A_271 = tpu.memref_slice %arg7[%dma_start3A_269, %dma_start3A_270] : memref<32x128xi32, #tpu.memory_space<vmem>> -> memref<1x128xi32, #tpu.memory_space<vmem>>
      %dma_start3A_272 = tpu.memref_squeeze %dma_start3A_271 : memref<1x128xi32, #tpu.memory_space<vmem>> -> memref<128xi32, #tpu.memory_space<vmem>>
      %dma_start3A_273 = arith.constant 0 : i32
      %dma_start3A_274 = arith.constant 0 : i32
      %dma_start3A_275 = tpu.memref_slice %arg13[%dma_start3A_273, %dma_start3A_274] : memref<10008x64xf32, #tpu.memory_space<vmem_shared>> -> memref<10008x64xf32, #tpu.memory_space<vmem_shared>>
      tpu.enqueue_indirect_dma source(%dma_start3A_275 : memref<10008x64xf32, #tpu.memory_space<vmem_shared>>) target(%arg12 : memref<128x64xf32, #tpu.memory_space<vmem>>) offsets(%dma_start3A_272 : memref<128xi32, #tpu.memory_space<vmem>>) semaphore(%arg18 : memref<!tpu.dma_semaphore, #tpu.memory_space<semaphore_mem>>)
      %dma_wait3A_276 = arith.constant 12 : i32
      %dma_wait3A_277 = arith.constant 0 : i32
      %dma_wait3A_278 = tpu.memref_slice %arg7[%dma_wait3A_276, %dma_wait3A_277] : memref<32x128xi32, #tpu.memory_space<vmem>> -> memref<1x128xi32, #tpu.memory_space<vmem>>
      %dma_wait3A_279 = tpu.memref_squeeze %dma_wait3A_278 : memref<1x128xi32, #tpu.memory_space<vmem>> -> memref<128xi32, #tpu.memory_space<vmem>>
      %dma_wait3A_280 = arith.constant 0 : i32
      %dma_wait3A_281 = arith.constant 0 : i32
      %dma_wait3A_282 = tpu.memref_slice %arg13[%dma_wait3A_280, %dma_wait3A_281] : memref<10008x64xf32, #tpu.memory_space<vmem_shared>> -> memref<10008x64xf32, #tpu.memory_space<vmem_shared>>
      tpu.wait_indirect_dma semaphore(%arg15 : memref<!tpu.dma_semaphore, #tpu.memory_space<semaphore_mem>>) src(%dma_wait3A_282 : memref<10008x64xf32, #tpu.memory_space<vmem_shared>>) dst(%arg9 : memref<128x64xf32, #tpu.memory_space<vmem>>)
      %run_scoped3A_283 = arith.constant 12 : i32
      "tpu.region"() ({
        %run_scoped3A_548 = tpu.sem_alloc : memref<!tpu.dma_semaphore, #tpu.memory_space<semaphore_mem>>
        %dma_start3A_549 = arith.constant 0 : i32
        %dma_start3A_550 = tpu.memref_slice %arg8[%run_scoped3A_283, %dma_start3A_549] : memref<32x128xi32, #tpu.memory_space<vmem>> -> memref<1x128xi32, #tpu.memory_space<vmem>>
        %dma_start3A_551 = tpu.memref_squeeze %dma_start3A_550 : memref<1x128xi32, #tpu.memory_space<vmem>> -> memref<128xi32, #tpu.memory_space<vmem>>
        %dma_start3A_552 = arith.constant 0 : i32
        %dma_start3A_553 = arith.constant 0 : i32
        %dma_start3A_554 = tpu.memref_slice %arg14[%dma_start3A_552, %dma_start3A_553] : memref<10000x64xf32, #tpu.memory_space<vmem_shared>> -> memref<10000x64xf32, #tpu.memory_space<vmem_shared>>
        tpu.enqueue_indirect_dma source(%arg9 : memref<128x64xf32, #tpu.memory_space<vmem>>) target(%dma_start3A_554 : memref<10000x64xf32, #tpu.memory_space<vmem_shared>>) offsets(%dma_start3A_551 : memref<128xi32, #tpu.memory_space<vmem>>) semaphore(%run_scoped3A_548 : memref<!tpu.dma_semaphore, #tpu.memory_space<semaphore_mem>>) {add = true}
        %dma_wait3A_555 = arith.constant 0 : i32
        %dma_wait3A_556 = tpu.memref_slice %arg8[%run_scoped3A_283, %dma_wait3A_555] : memref<32x128xi32, #tpu.memory_space<vmem>> -> memref<1x128xi32, #tpu.memory_space<vmem>>
        %dma_wait3A_557 = tpu.memref_squeeze %dma_wait3A_556 : memref<1x128xi32, #tpu.memory_space<vmem>> -> memref<128xi32, #tpu.memory_space<vmem>>
        %dma_wait3A_558 = arith.constant 0 : i32
        %dma_wait3A_559 = arith.constant 0 : i32
        %dma_wait3A_560 = tpu.memref_slice %arg14[%dma_wait3A_558, %dma_wait3A_559] : memref<10000x64xf32, #tpu.memory_space<vmem_shared>> -> memref<10000x64xf32, #tpu.memory_space<vmem_shared>>
        tpu.wait_indirect_dma semaphore(%run_scoped3A_548 : memref<!tpu.dma_semaphore, #tpu.memory_space<semaphore_mem>>) src(%arg9 : memref<128x64xf32, #tpu.memory_space<vmem>>) dst(%dma_wait3A_560 : memref<10000x64xf32, #tpu.memory_space<vmem_shared>>)
        tpu.yield
      }) : () -> ()
      %dma_start3A_284 = arith.constant 16 : i32
      %dma_start3A_285 = arith.constant 0 : i32
      %dma_start3A_286 = tpu.memref_slice %arg7[%dma_start3A_284, %dma_start3A_285] : memref<32x128xi32, #tpu.memory_space<vmem>> -> memref<1x128xi32, #tpu.memory_space<vmem>>
      %dma_start3A_287 = tpu.memref_squeeze %dma_start3A_286 : memref<1x128xi32, #tpu.memory_space<vmem>> -> memref<128xi32, #tpu.memory_space<vmem>>
      %dma_start3A_288 = arith.constant 0 : i32
      %dma_start3A_289 = arith.constant 0 : i32
      %dma_start3A_290 = tpu.memref_slice %arg13[%dma_start3A_288, %dma_start3A_289] : memref<10008x64xf32, #tpu.memory_space<vmem_shared>> -> memref<10008x64xf32, #tpu.memory_space<vmem_shared>>
      tpu.enqueue_indirect_dma source(%dma_start3A_290 : memref<10008x64xf32, #tpu.memory_space<vmem_shared>>) target(%arg9 : memref<128x64xf32, #tpu.memory_space<vmem>>) offsets(%dma_start3A_287 : memref<128xi32, #tpu.memory_space<vmem>>) semaphore(%arg15 : memref<!tpu.dma_semaphore, #tpu.memory_space<semaphore_mem>>)
      %dma_wait3A_291 = arith.constant 13 : i32
      %dma_wait3A_292 = arith.constant 0 : i32
      %dma_wait3A_293 = tpu.memref_slice %arg7[%dma_wait3A_291, %dma_wait3A_292] : memref<32x128xi32, #tpu.memory_space<vmem>> -> memref<1x128xi32, #tpu.memory_space<vmem>>
      %dma_wait3A_294 = tpu.memref_squeeze %dma_wait3A_293 : memref<1x128xi32, #tpu.memory_space<vmem>> -> memref<128xi32, #tpu.memory_space<vmem>>
      %dma_wait3A_295 = arith.constant 0 : i32
      %dma_wait3A_296 = arith.constant 0 : i32
      %dma_wait3A_297 = tpu.memref_slice %arg13[%dma_wait3A_295, %dma_wait3A_296] : memref<10008x64xf32, #tpu.memory_space<vmem_shared>> -> memref<10008x64xf32, #tpu.memory_space<vmem_shared>>
      tpu.wait_indirect_dma semaphore(%arg16 : memref<!tpu.dma_semaphore, #tpu.memory_space<semaphore_mem>>) src(%dma_wait3A_297 : memref<10008x64xf32, #tpu.memory_space<vmem_shared>>) dst(%arg10 : memref<128x64xf32, #tpu.memory_space<vmem>>)
      %run_scoped3A_298 = arith.constant 13 : i32
      "tpu.region"() ({
        %run_scoped3A_548 = tpu.sem_alloc : memref<!tpu.dma_semaphore, #tpu.memory_space<semaphore_mem>>
        %dma_start3A_549 = arith.constant 0 : i32
        %dma_start3A_550 = tpu.memref_slice %arg8[%run_scoped3A_298, %dma_start3A_549] : memref<32x128xi32, #tpu.memory_space<vmem>> -> memref<1x128xi32, #tpu.memory_space<vmem>>
        %dma_start3A_551 = tpu.memref_squeeze %dma_start3A_550 : memref<1x128xi32, #tpu.memory_space<vmem>> -> memref<128xi32, #tpu.memory_space<vmem>>
        %dma_start3A_552 = arith.constant 0 : i32
        %dma_start3A_553 = arith.constant 0 : i32
        %dma_start3A_554 = tpu.memref_slice %arg14[%dma_start3A_552, %dma_start3A_553] : memref<10000x64xf32, #tpu.memory_space<vmem_shared>> -> memref<10000x64xf32, #tpu.memory_space<vmem_shared>>
        tpu.enqueue_indirect_dma source(%arg10 : memref<128x64xf32, #tpu.memory_space<vmem>>) target(%dma_start3A_554 : memref<10000x64xf32, #tpu.memory_space<vmem_shared>>) offsets(%dma_start3A_551 : memref<128xi32, #tpu.memory_space<vmem>>) semaphore(%run_scoped3A_548 : memref<!tpu.dma_semaphore, #tpu.memory_space<semaphore_mem>>) {add = true}
        %dma_wait3A_555 = arith.constant 0 : i32
        %dma_wait3A_556 = tpu.memref_slice %arg8[%run_scoped3A_298, %dma_wait3A_555] : memref<32x128xi32, #tpu.memory_space<vmem>> -> memref<1x128xi32, #tpu.memory_space<vmem>>
        %dma_wait3A_557 = tpu.memref_squeeze %dma_wait3A_556 : memref<1x128xi32, #tpu.memory_space<vmem>> -> memref<128xi32, #tpu.memory_space<vmem>>
        %dma_wait3A_558 = arith.constant 0 : i32
        %dma_wait3A_559 = arith.constant 0 : i32
        %dma_wait3A_560 = tpu.memref_slice %arg14[%dma_wait3A_558, %dma_wait3A_559] : memref<10000x64xf32, #tpu.memory_space<vmem_shared>> -> memref<10000x64xf32, #tpu.memory_space<vmem_shared>>
        tpu.wait_indirect_dma semaphore(%run_scoped3A_548 : memref<!tpu.dma_semaphore, #tpu.memory_space<semaphore_mem>>) src(%arg10 : memref<128x64xf32, #tpu.memory_space<vmem>>) dst(%dma_wait3A_560 : memref<10000x64xf32, #tpu.memory_space<vmem_shared>>)
        tpu.yield
      }) : () -> ()
      %dma_start3A_299 = arith.constant 17 : i32
      %dma_start3A_300 = arith.constant 0 : i32
      %dma_start3A_301 = tpu.memref_slice %arg7[%dma_start3A_299, %dma_start3A_300] : memref<32x128xi32, #tpu.memory_space<vmem>> -> memref<1x128xi32, #tpu.memory_space<vmem>>
      %dma_start3A_302 = tpu.memref_squeeze %dma_start3A_301 : memref<1x128xi32, #tpu.memory_space<vmem>> -> memref<128xi32, #tpu.memory_space<vmem>>
      %dma_start3A_303 = arith.constant 0 : i32
      %dma_start3A_304 = arith.constant 0 : i32
      %dma_start3A_305 = tpu.memref_slice %arg13[%dma_start3A_303, %dma_start3A_304] : memref<10008x64xf32, #tpu.memory_space<vmem_shared>> -> memref<10008x64xf32, #tpu.memory_space<vmem_shared>>
      tpu.enqueue_indirect_dma source(%dma_start3A_305 : memref<10008x64xf32, #tpu.memory_space<vmem_shared>>) target(%arg10 : memref<128x64xf32, #tpu.memory_space<vmem>>) offsets(%dma_start3A_302 : memref<128xi32, #tpu.memory_space<vmem>>) semaphore(%arg16 : memref<!tpu.dma_semaphore, #tpu.memory_space<semaphore_mem>>)
      %dma_wait3A_306 = arith.constant 14 : i32
      %dma_wait3A_307 = arith.constant 0 : i32
      %dma_wait3A_308 = tpu.memref_slice %arg7[%dma_wait3A_306, %dma_wait3A_307] : memref<32x128xi32, #tpu.memory_space<vmem>> -> memref<1x128xi32, #tpu.memory_space<vmem>>
      %dma_wait3A_309 = tpu.memref_squeeze %dma_wait3A_308 : memref<1x128xi32, #tpu.memory_space<vmem>> -> memref<128xi32, #tpu.memory_space<vmem>>
      %dma_wait3A_310 = arith.constant 0 : i32
      %dma_wait3A_311 = arith.constant 0 : i32
      %dma_wait3A_312 = tpu.memref_slice %arg13[%dma_wait3A_310, %dma_wait3A_311] : memref<10008x64xf32, #tpu.memory_space<vmem_shared>> -> memref<10008x64xf32, #tpu.memory_space<vmem_shared>>
      tpu.wait_indirect_dma semaphore(%arg17 : memref<!tpu.dma_semaphore, #tpu.memory_space<semaphore_mem>>) src(%dma_wait3A_312 : memref<10008x64xf32, #tpu.memory_space<vmem_shared>>) dst(%arg11 : memref<128x64xf32, #tpu.memory_space<vmem>>)
      %run_scoped3A_313 = arith.constant 14 : i32
      "tpu.region"() ({
        %run_scoped3A_548 = tpu.sem_alloc : memref<!tpu.dma_semaphore, #tpu.memory_space<semaphore_mem>>
        %dma_start3A_549 = arith.constant 0 : i32
        %dma_start3A_550 = tpu.memref_slice %arg8[%run_scoped3A_313, %dma_start3A_549] : memref<32x128xi32, #tpu.memory_space<vmem>> -> memref<1x128xi32, #tpu.memory_space<vmem>>
        %dma_start3A_551 = tpu.memref_squeeze %dma_start3A_550 : memref<1x128xi32, #tpu.memory_space<vmem>> -> memref<128xi32, #tpu.memory_space<vmem>>
        %dma_start3A_552 = arith.constant 0 : i32
        %dma_start3A_553 = arith.constant 0 : i32
        %dma_start3A_554 = tpu.memref_slice %arg14[%dma_start3A_552, %dma_start3A_553] : memref<10000x64xf32, #tpu.memory_space<vmem_shared>> -> memref<10000x64xf32, #tpu.memory_space<vmem_shared>>
        tpu.enqueue_indirect_dma source(%arg11 : memref<128x64xf32, #tpu.memory_space<vmem>>) target(%dma_start3A_554 : memref<10000x64xf32, #tpu.memory_space<vmem_shared>>) offsets(%dma_start3A_551 : memref<128xi32, #tpu.memory_space<vmem>>) semaphore(%run_scoped3A_548 : memref<!tpu.dma_semaphore, #tpu.memory_space<semaphore_mem>>) {add = true}
        %dma_wait3A_555 = arith.constant 0 : i32
        %dma_wait3A_556 = tpu.memref_slice %arg8[%run_scoped3A_313, %dma_wait3A_555] : memref<32x128xi32, #tpu.memory_space<vmem>> -> memref<1x128xi32, #tpu.memory_space<vmem>>
        %dma_wait3A_557 = tpu.memref_squeeze %dma_wait3A_556 : memref<1x128xi32, #tpu.memory_space<vmem>> -> memref<128xi32, #tpu.memory_space<vmem>>
        %dma_wait3A_558 = arith.constant 0 : i32
        %dma_wait3A_559 = arith.constant 0 : i32
        %dma_wait3A_560 = tpu.memref_slice %arg14[%dma_wait3A_558, %dma_wait3A_559] : memref<10000x64xf32, #tpu.memory_space<vmem_shared>> -> memref<10000x64xf32, #tpu.memory_space<vmem_shared>>
        tpu.wait_indirect_dma semaphore(%run_scoped3A_548 : memref<!tpu.dma_semaphore, #tpu.memory_space<semaphore_mem>>) src(%arg11 : memref<128x64xf32, #tpu.memory_space<vmem>>) dst(%dma_wait3A_560 : memref<10000x64xf32, #tpu.memory_space<vmem_shared>>)
        tpu.yield
      }) : () -> ()
      %dma_start3A_314 = arith.constant 18 : i32
      %dma_start3A_315 = arith.constant 0 : i32
      %dma_start3A_316 = tpu.memref_slice %arg7[%dma_start3A_314, %dma_start3A_315] : memref<32x128xi32, #tpu.memory_space<vmem>> -> memref<1x128xi32, #tpu.memory_space<vmem>>
      %dma_start3A_317 = tpu.memref_squeeze %dma_start3A_316 : memref<1x128xi32, #tpu.memory_space<vmem>> -> memref<128xi32, #tpu.memory_space<vmem>>
      %dma_start3A_318 = arith.constant 0 : i32
      %dma_start3A_319 = arith.constant 0 : i32
      %dma_start3A_320 = tpu.memref_slice %arg13[%dma_start3A_318, %dma_start3A_319] : memref<10008x64xf32, #tpu.memory_space<vmem_shared>> -> memref<10008x64xf32, #tpu.memory_space<vmem_shared>>
      tpu.enqueue_indirect_dma source(%dma_start3A_320 : memref<10008x64xf32, #tpu.memory_space<vmem_shared>>) target(%arg11 : memref<128x64xf32, #tpu.memory_space<vmem>>) offsets(%dma_start3A_317 : memref<128xi32, #tpu.memory_space<vmem>>) semaphore(%arg17 : memref<!tpu.dma_semaphore, #tpu.memory_space<semaphore_mem>>)
      %dma_wait3A_321 = arith.constant 15 : i32
      %dma_wait3A_322 = arith.constant 0 : i32
      %dma_wait3A_323 = tpu.memref_slice %arg7[%dma_wait3A_321, %dma_wait3A_322] : memref<32x128xi32, #tpu.memory_space<vmem>> -> memref<1x128xi32, #tpu.memory_space<vmem>>
      %dma_wait3A_324 = tpu.memref_squeeze %dma_wait3A_323 : memref<1x128xi32, #tpu.memory_space<vmem>> -> memref<128xi32, #tpu.memory_space<vmem>>
      %dma_wait3A_325 = arith.constant 0 : i32
      %dma_wait3A_326 = arith.constant 0 : i32
      %dma_wait3A_327 = tpu.memref_slice %arg13[%dma_wait3A_325, %dma_wait3A_326] : memref<10008x64xf32, #tpu.memory_space<vmem_shared>> -> memref<10008x64xf32, #tpu.memory_space<vmem_shared>>
      tpu.wait_indirect_dma semaphore(%arg18 : memref<!tpu.dma_semaphore, #tpu.memory_space<semaphore_mem>>) src(%dma_wait3A_327 : memref<10008x64xf32, #tpu.memory_space<vmem_shared>>) dst(%arg12 : memref<128x64xf32, #tpu.memory_space<vmem>>)
      %run_scoped3A_328 = arith.constant 15 : i32
      "tpu.region"() ({
        %run_scoped3A_548 = tpu.sem_alloc : memref<!tpu.dma_semaphore, #tpu.memory_space<semaphore_mem>>
        %dma_start3A_549 = arith.constant 0 : i32
        %dma_start3A_550 = tpu.memref_slice %arg8[%run_scoped3A_328, %dma_start3A_549] : memref<32x128xi32, #tpu.memory_space<vmem>> -> memref<1x128xi32, #tpu.memory_space<vmem>>
        %dma_start3A_551 = tpu.memref_squeeze %dma_start3A_550 : memref<1x128xi32, #tpu.memory_space<vmem>> -> memref<128xi32, #tpu.memory_space<vmem>>
        %dma_start3A_552 = arith.constant 0 : i32
        %dma_start3A_553 = arith.constant 0 : i32
        %dma_start3A_554 = tpu.memref_slice %arg14[%dma_start3A_552, %dma_start3A_553] : memref<10000x64xf32, #tpu.memory_space<vmem_shared>> -> memref<10000x64xf32, #tpu.memory_space<vmem_shared>>
        tpu.enqueue_indirect_dma source(%arg12 : memref<128x64xf32, #tpu.memory_space<vmem>>) target(%dma_start3A_554 : memref<10000x64xf32, #tpu.memory_space<vmem_shared>>) offsets(%dma_start3A_551 : memref<128xi32, #tpu.memory_space<vmem>>) semaphore(%run_scoped3A_548 : memref<!tpu.dma_semaphore, #tpu.memory_space<semaphore_mem>>) {add = true}
        %dma_wait3A_555 = arith.constant 0 : i32
        %dma_wait3A_556 = tpu.memref_slice %arg8[%run_scoped3A_328, %dma_wait3A_555] : memref<32x128xi32, #tpu.memory_space<vmem>> -> memref<1x128xi32, #tpu.memory_space<vmem>>
        %dma_wait3A_557 = tpu.memref_squeeze %dma_wait3A_556 : memref<1x128xi32, #tpu.memory_space<vmem>> -> memref<128xi32, #tpu.memory_space<vmem>>
        %dma_wait3A_558 = arith.constant 0 : i32
        %dma_wait3A_559 = arith.constant 0 : i32
        %dma_wait3A_560 = tpu.memref_slice %arg14[%dma_wait3A_558, %dma_wait3A_559] : memref<10000x64xf32, #tpu.memory_space<vmem_shared>> -> memref<10000x64xf32, #tpu.memory_space<vmem_shared>>
        tpu.wait_indirect_dma semaphore(%run_scoped3A_548 : memref<!tpu.dma_semaphore, #tpu.memory_space<semaphore_mem>>) src(%arg12 : memref<128x64xf32, #tpu.memory_space<vmem>>) dst(%dma_wait3A_560 : memref<10000x64xf32, #tpu.memory_space<vmem_shared>>)
        tpu.yield
      }) : () -> ()
      %dma_start3A_329 = arith.constant 19 : i32
      %dma_start3A_330 = arith.constant 0 : i32
      %dma_start3A_331 = tpu.memref_slice %arg7[%dma_start3A_329, %dma_start3A_330] : memref<32x128xi32, #tpu.memory_space<vmem>> -> memref<1x128xi32, #tpu.memory_space<vmem>>
      %dma_start3A_332 = tpu.memref_squeeze %dma_start3A_331 : memref<1x128xi32, #tpu.memory_space<vmem>> -> memref<128xi32, #tpu.memory_space<vmem>>
      %dma_start3A_333 = arith.constant 0 : i32
      %dma_start3A_334 = arith.constant 0 : i32
      %dma_start3A_335 = tpu.memref_slice %arg13[%dma_start3A_333, %dma_start3A_334] : memref<10008x64xf32, #tpu.memory_space<vmem_shared>> -> memref<10008x64xf32, #tpu.memory_space<vmem_shared>>
      tpu.enqueue_indirect_dma source(%dma_start3A_335 : memref<10008x64xf32, #tpu.memory_space<vmem_shared>>) target(%arg12 : memref<128x64xf32, #tpu.memory_space<vmem>>) offsets(%dma_start3A_332 : memref<128xi32, #tpu.memory_space<vmem>>) semaphore(%arg18 : memref<!tpu.dma_semaphore, #tpu.memory_space<semaphore_mem>>)
      %dma_wait3A_336 = arith.constant 16 : i32
      %dma_wait3A_337 = arith.constant 0 : i32
      %dma_wait3A_338 = tpu.memref_slice %arg7[%dma_wait3A_336, %dma_wait3A_337] : memref<32x128xi32, #tpu.memory_space<vmem>> -> memref<1x128xi32, #tpu.memory_space<vmem>>
      %dma_wait3A_339 = tpu.memref_squeeze %dma_wait3A_338 : memref<1x128xi32, #tpu.memory_space<vmem>> -> memref<128xi32, #tpu.memory_space<vmem>>
      %dma_wait3A_340 = arith.constant 0 : i32
      %dma_wait3A_341 = arith.constant 0 : i32
      %dma_wait3A_342 = tpu.memref_slice %arg13[%dma_wait3A_340, %dma_wait3A_341] : memref<10008x64xf32, #tpu.memory_space<vmem_shared>> -> memref<10008x64xf32, #tpu.memory_space<vmem_shared>>
      tpu.wait_indirect_dma semaphore(%arg15 : memref<!tpu.dma_semaphore, #tpu.memory_space<semaphore_mem>>) src(%dma_wait3A_342 : memref<10008x64xf32, #tpu.memory_space<vmem_shared>>) dst(%arg9 : memref<128x64xf32, #tpu.memory_space<vmem>>)
      %run_scoped3A_343 = arith.constant 16 : i32
      "tpu.region"() ({
        %run_scoped3A_548 = tpu.sem_alloc : memref<!tpu.dma_semaphore, #tpu.memory_space<semaphore_mem>>
        %dma_start3A_549 = arith.constant 0 : i32
        %dma_start3A_550 = tpu.memref_slice %arg8[%run_scoped3A_343, %dma_start3A_549] : memref<32x128xi32, #tpu.memory_space<vmem>> -> memref<1x128xi32, #tpu.memory_space<vmem>>
        %dma_start3A_551 = tpu.memref_squeeze %dma_start3A_550 : memref<1x128xi32, #tpu.memory_space<vmem>> -> memref<128xi32, #tpu.memory_space<vmem>>
        %dma_start3A_552 = arith.constant 0 : i32
        %dma_start3A_553 = arith.constant 0 : i32
        %dma_start3A_554 = tpu.memref_slice %arg14[%dma_start3A_552, %dma_start3A_553] : memref<10000x64xf32, #tpu.memory_space<vmem_shared>> -> memref<10000x64xf32, #tpu.memory_space<vmem_shared>>
        tpu.enqueue_indirect_dma source(%arg9 : memref<128x64xf32, #tpu.memory_space<vmem>>) target(%dma_start3A_554 : memref<10000x64xf32, #tpu.memory_space<vmem_shared>>) offsets(%dma_start3A_551 : memref<128xi32, #tpu.memory_space<vmem>>) semaphore(%run_scoped3A_548 : memref<!tpu.dma_semaphore, #tpu.memory_space<semaphore_mem>>) {add = true}
        %dma_wait3A_555 = arith.constant 0 : i32
        %dma_wait3A_556 = tpu.memref_slice %arg8[%run_scoped3A_343, %dma_wait3A_555] : memref<32x128xi32, #tpu.memory_space<vmem>> -> memref<1x128xi32, #tpu.memory_space<vmem>>
        %dma_wait3A_557 = tpu.memref_squeeze %dma_wait3A_556 : memref<1x128xi32, #tpu.memory_space<vmem>> -> memref<128xi32, #tpu.memory_space<vmem>>
        %dma_wait3A_558 = arith.constant 0 : i32
        %dma_wait3A_559 = arith.constant 0 : i32
        %dma_wait3A_560 = tpu.memref_slice %arg14[%dma_wait3A_558, %dma_wait3A_559] : memref<10000x64xf32, #tpu.memory_space<vmem_shared>> -> memref<10000x64xf32, #tpu.memory_space<vmem_shared>>
        tpu.wait_indirect_dma semaphore(%run_scoped3A_548 : memref<!tpu.dma_semaphore, #tpu.memory_space<semaphore_mem>>) src(%arg9 : memref<128x64xf32, #tpu.memory_space<vmem>>) dst(%dma_wait3A_560 : memref<10000x64xf32, #tpu.memory_space<vmem_shared>>)
        tpu.yield
      }) : () -> ()
      %dma_start3A_344 = arith.constant 20 : i32
      %dma_start3A_345 = arith.constant 0 : i32
      %dma_start3A_346 = tpu.memref_slice %arg7[%dma_start3A_344, %dma_start3A_345] : memref<32x128xi32, #tpu.memory_space<vmem>> -> memref<1x128xi32, #tpu.memory_space<vmem>>
      %dma_start3A_347 = tpu.memref_squeeze %dma_start3A_346 : memref<1x128xi32, #tpu.memory_space<vmem>> -> memref<128xi32, #tpu.memory_space<vmem>>
      %dma_start3A_348 = arith.constant 0 : i32
      %dma_start3A_349 = arith.constant 0 : i32
      %dma_start3A_350 = tpu.memref_slice %arg13[%dma_start3A_348, %dma_start3A_349] : memref<10008x64xf32, #tpu.memory_space<vmem_shared>> -> memref<10008x64xf32, #tpu.memory_space<vmem_shared>>
      tpu.enqueue_indirect_dma source(%dma_start3A_350 : memref<10008x64xf32, #tpu.memory_space<vmem_shared>>) target(%arg9 : memref<128x64xf32, #tpu.memory_space<vmem>>) offsets(%dma_start3A_347 : memref<128xi32, #tpu.memory_space<vmem>>) semaphore(%arg15 : memref<!tpu.dma_semaphore, #tpu.memory_space<semaphore_mem>>)
      %dma_wait3A_351 = arith.constant 17 : i32
      %dma_wait3A_352 = arith.constant 0 : i32
      %dma_wait3A_353 = tpu.memref_slice %arg7[%dma_wait3A_351, %dma_wait3A_352] : memref<32x128xi32, #tpu.memory_space<vmem>> -> memref<1x128xi32, #tpu.memory_space<vmem>>
      %dma_wait3A_354 = tpu.memref_squeeze %dma_wait3A_353 : memref<1x128xi32, #tpu.memory_space<vmem>> -> memref<128xi32, #tpu.memory_space<vmem>>
      %dma_wait3A_355 = arith.constant 0 : i32
      %dma_wait3A_356 = arith.constant 0 : i32
      %dma_wait3A_357 = tpu.memref_slice %arg13[%dma_wait3A_355, %dma_wait3A_356] : memref<10008x64xf32, #tpu.memory_space<vmem_shared>> -> memref<10008x64xf32, #tpu.memory_space<vmem_shared>>
      tpu.wait_indirect_dma semaphore(%arg16 : memref<!tpu.dma_semaphore, #tpu.memory_space<semaphore_mem>>) src(%dma_wait3A_357 : memref<10008x64xf32, #tpu.memory_space<vmem_shared>>) dst(%arg10 : memref<128x64xf32, #tpu.memory_space<vmem>>)
      %run_scoped3A_358 = arith.constant 17 : i32
      "tpu.region"() ({
        %run_scoped3A_548 = tpu.sem_alloc : memref<!tpu.dma_semaphore, #tpu.memory_space<semaphore_mem>>
        %dma_start3A_549 = arith.constant 0 : i32
        %dma_start3A_550 = tpu.memref_slice %arg8[%run_scoped3A_358, %dma_start3A_549] : memref<32x128xi32, #tpu.memory_space<vmem>> -> memref<1x128xi32, #tpu.memory_space<vmem>>
        %dma_start3A_551 = tpu.memref_squeeze %dma_start3A_550 : memref<1x128xi32, #tpu.memory_space<vmem>> -> memref<128xi32, #tpu.memory_space<vmem>>
        %dma_start3A_552 = arith.constant 0 : i32
        %dma_start3A_553 = arith.constant 0 : i32
        %dma_start3A_554 = tpu.memref_slice %arg14[%dma_start3A_552, %dma_start3A_553] : memref<10000x64xf32, #tpu.memory_space<vmem_shared>> -> memref<10000x64xf32, #tpu.memory_space<vmem_shared>>
        tpu.enqueue_indirect_dma source(%arg10 : memref<128x64xf32, #tpu.memory_space<vmem>>) target(%dma_start3A_554 : memref<10000x64xf32, #tpu.memory_space<vmem_shared>>) offsets(%dma_start3A_551 : memref<128xi32, #tpu.memory_space<vmem>>) semaphore(%run_scoped3A_548 : memref<!tpu.dma_semaphore, #tpu.memory_space<semaphore_mem>>) {add = true}
        %dma_wait3A_555 = arith.constant 0 : i32
        %dma_wait3A_556 = tpu.memref_slice %arg8[%run_scoped3A_358, %dma_wait3A_555] : memref<32x128xi32, #tpu.memory_space<vmem>> -> memref<1x128xi32, #tpu.memory_space<vmem>>
        %dma_wait3A_557 = tpu.memref_squeeze %dma_wait3A_556 : memref<1x128xi32, #tpu.memory_space<vmem>> -> memref<128xi32, #tpu.memory_space<vmem>>
        %dma_wait3A_558 = arith.constant 0 : i32
        %dma_wait3A_559 = arith.constant 0 : i32
        %dma_wait3A_560 = tpu.memref_slice %arg14[%dma_wait3A_558, %dma_wait3A_559] : memref<10000x64xf32, #tpu.memory_space<vmem_shared>> -> memref<10000x64xf32, #tpu.memory_space<vmem_shared>>
        tpu.wait_indirect_dma semaphore(%run_scoped3A_548 : memref<!tpu.dma_semaphore, #tpu.memory_space<semaphore_mem>>) src(%arg10 : memref<128x64xf32, #tpu.memory_space<vmem>>) dst(%dma_wait3A_560 : memref<10000x64xf32, #tpu.memory_space<vmem_shared>>)
        tpu.yield
      }) : () -> ()
      %dma_start3A_359 = arith.constant 21 : i32
      %dma_start3A_360 = arith.constant 0 : i32
      %dma_start3A_361 = tpu.memref_slice %arg7[%dma_start3A_359, %dma_start3A_360] : memref<32x128xi32, #tpu.memory_space<vmem>> -> memref<1x128xi32, #tpu.memory_space<vmem>>
      %dma_start3A_362 = tpu.memref_squeeze %dma_start3A_361 : memref<1x128xi32, #tpu.memory_space<vmem>> -> memref<128xi32, #tpu.memory_space<vmem>>
      %dma_start3A_363 = arith.constant 0 : i32
      %dma_start3A_364 = arith.constant 0 : i32
      %dma_start3A_365 = tpu.memref_slice %arg13[%dma_start3A_363, %dma_start3A_364] : memref<10008x64xf32, #tpu.memory_space<vmem_shared>> -> memref<10008x64xf32, #tpu.memory_space<vmem_shared>>
      tpu.enqueue_indirect_dma source(%dma_start3A_365 : memref<10008x64xf32, #tpu.memory_space<vmem_shared>>) target(%arg10 : memref<128x64xf32, #tpu.memory_space<vmem>>) offsets(%dma_start3A_362 : memref<128xi32, #tpu.memory_space<vmem>>) semaphore(%arg16 : memref<!tpu.dma_semaphore, #tpu.memory_space<semaphore_mem>>)
      %dma_wait3A_366 = arith.constant 18 : i32
      %dma_wait3A_367 = arith.constant 0 : i32
      %dma_wait3A_368 = tpu.memref_slice %arg7[%dma_wait3A_366, %dma_wait3A_367] : memref<32x128xi32, #tpu.memory_space<vmem>> -> memref<1x128xi32, #tpu.memory_space<vmem>>
      %dma_wait3A_369 = tpu.memref_squeeze %dma_wait3A_368 : memref<1x128xi32, #tpu.memory_space<vmem>> -> memref<128xi32, #tpu.memory_space<vmem>>
      %dma_wait3A_370 = arith.constant 0 : i32
      %dma_wait3A_371 = arith.constant 0 : i32
      %dma_wait3A_372 = tpu.memref_slice %arg13[%dma_wait3A_370, %dma_wait3A_371] : memref<10008x64xf32, #tpu.memory_space<vmem_shared>> -> memref<10008x64xf32, #tpu.memory_space<vmem_shared>>
      tpu.wait_indirect_dma semaphore(%arg17 : memref<!tpu.dma_semaphore, #tpu.memory_space<semaphore_mem>>) src(%dma_wait3A_372 : memref<10008x64xf32, #tpu.memory_space<vmem_shared>>) dst(%arg11 : memref<128x64xf32, #tpu.memory_space<vmem>>)
      %run_scoped3A_373 = arith.constant 18 : i32
      "tpu.region"() ({
        %run_scoped3A_548 = tpu.sem_alloc : memref<!tpu.dma_semaphore, #tpu.memory_space<semaphore_mem>>
        %dma_start3A_549 = arith.constant 0 : i32
        %dma_start3A_550 = tpu.memref_slice %arg8[%run_scoped3A_373, %dma_start3A_549] : memref<32x128xi32, #tpu.memory_space<vmem>> -> memref<1x128xi32, #tpu.memory_space<vmem>>
        %dma_start3A_551 = tpu.memref_squeeze %dma_start3A_550 : memref<1x128xi32, #tpu.memory_space<vmem>> -> memref<128xi32, #tpu.memory_space<vmem>>
        %dma_start3A_552 = arith.constant 0 : i32
        %dma_start3A_553 = arith.constant 0 : i32
        %dma_start3A_554 = tpu.memref_slice %arg14[%dma_start3A_552, %dma_start3A_553] : memref<10000x64xf32, #tpu.memory_space<vmem_shared>> -> memref<10000x64xf32, #tpu.memory_space<vmem_shared>>
        tpu.enqueue_indirect_dma source(%arg11 : memref<128x64xf32, #tpu.memory_space<vmem>>) target(%dma_start3A_554 : memref<10000x64xf32, #tpu.memory_space<vmem_shared>>) offsets(%dma_start3A_551 : memref<128xi32, #tpu.memory_space<vmem>>) semaphore(%run_scoped3A_548 : memref<!tpu.dma_semaphore, #tpu.memory_space<semaphore_mem>>) {add = true}
        %dma_wait3A_555 = arith.constant 0 : i32
        %dma_wait3A_556 = tpu.memref_slice %arg8[%run_scoped3A_373, %dma_wait3A_555] : memref<32x128xi32, #tpu.memory_space<vmem>> -> memref<1x128xi32, #tpu.memory_space<vmem>>
        %dma_wait3A_557 = tpu.memref_squeeze %dma_wait3A_556 : memref<1x128xi32, #tpu.memory_space<vmem>> -> memref<128xi32, #tpu.memory_space<vmem>>
        %dma_wait3A_558 = arith.constant 0 : i32
        %dma_wait3A_559 = arith.constant 0 : i32
        %dma_wait3A_560 = tpu.memref_slice %arg14[%dma_wait3A_558, %dma_wait3A_559] : memref<10000x64xf32, #tpu.memory_space<vmem_shared>> -> memref<10000x64xf32, #tpu.memory_space<vmem_shared>>
        tpu.wait_indirect_dma semaphore(%run_scoped3A_548 : memref<!tpu.dma_semaphore, #tpu.memory_space<semaphore_mem>>) src(%arg11 : memref<128x64xf32, #tpu.memory_space<vmem>>) dst(%dma_wait3A_560 : memref<10000x64xf32, #tpu.memory_space<vmem_shared>>)
        tpu.yield
      }) : () -> ()
      %dma_start3A_374 = arith.constant 22 : i32
      %dma_start3A_375 = arith.constant 0 : i32
      %dma_start3A_376 = tpu.memref_slice %arg7[%dma_start3A_374, %dma_start3A_375] : memref<32x128xi32, #tpu.memory_space<vmem>> -> memref<1x128xi32, #tpu.memory_space<vmem>>
      %dma_start3A_377 = tpu.memref_squeeze %dma_start3A_376 : memref<1x128xi32, #tpu.memory_space<vmem>> -> memref<128xi32, #tpu.memory_space<vmem>>
      %dma_start3A_378 = arith.constant 0 : i32
      %dma_start3A_379 = arith.constant 0 : i32
      %dma_start3A_380 = tpu.memref_slice %arg13[%dma_start3A_378, %dma_start3A_379] : memref<10008x64xf32, #tpu.memory_space<vmem_shared>> -> memref<10008x64xf32, #tpu.memory_space<vmem_shared>>
      tpu.enqueue_indirect_dma source(%dma_start3A_380 : memref<10008x64xf32, #tpu.memory_space<vmem_shared>>) target(%arg11 : memref<128x64xf32, #tpu.memory_space<vmem>>) offsets(%dma_start3A_377 : memref<128xi32, #tpu.memory_space<vmem>>) semaphore(%arg17 : memref<!tpu.dma_semaphore, #tpu.memory_space<semaphore_mem>>)
      %dma_wait3A_381 = arith.constant 19 : i32
      %dma_wait3A_382 = arith.constant 0 : i32
      %dma_wait3A_383 = tpu.memref_slice %arg7[%dma_wait3A_381, %dma_wait3A_382] : memref<32x128xi32, #tpu.memory_space<vmem>> -> memref<1x128xi32, #tpu.memory_space<vmem>>
      %dma_wait3A_384 = tpu.memref_squeeze %dma_wait3A_383 : memref<1x128xi32, #tpu.memory_space<vmem>> -> memref<128xi32, #tpu.memory_space<vmem>>
      %dma_wait3A_385 = arith.constant 0 : i32
      %dma_wait3A_386 = arith.constant 0 : i32
      %dma_wait3A_387 = tpu.memref_slice %arg13[%dma_wait3A_385, %dma_wait3A_386] : memref<10008x64xf32, #tpu.memory_space<vmem_shared>> -> memref<10008x64xf32, #tpu.memory_space<vmem_shared>>
      tpu.wait_indirect_dma semaphore(%arg18 : memref<!tpu.dma_semaphore, #tpu.memory_space<semaphore_mem>>) src(%dma_wait3A_387 : memref<10008x64xf32, #tpu.memory_space<vmem_shared>>) dst(%arg12 : memref<128x64xf32, #tpu.memory_space<vmem>>)
      %run_scoped3A_388 = arith.constant 19 : i32
      "tpu.region"() ({
        %run_scoped3A_548 = tpu.sem_alloc : memref<!tpu.dma_semaphore, #tpu.memory_space<semaphore_mem>>
        %dma_start3A_549 = arith.constant 0 : i32
        %dma_start3A_550 = tpu.memref_slice %arg8[%run_scoped3A_388, %dma_start3A_549] : memref<32x128xi32, #tpu.memory_space<vmem>> -> memref<1x128xi32, #tpu.memory_space<vmem>>
        %dma_start3A_551 = tpu.memref_squeeze %dma_start3A_550 : memref<1x128xi32, #tpu.memory_space<vmem>> -> memref<128xi32, #tpu.memory_space<vmem>>
        %dma_start3A_552 = arith.constant 0 : i32
        %dma_start3A_553 = arith.constant 0 : i32
        %dma_start3A_554 = tpu.memref_slice %arg14[%dma_start3A_552, %dma_start3A_553] : memref<10000x64xf32, #tpu.memory_space<vmem_shared>> -> memref<10000x64xf32, #tpu.memory_space<vmem_shared>>
        tpu.enqueue_indirect_dma source(%arg12 : memref<128x64xf32, #tpu.memory_space<vmem>>) target(%dma_start3A_554 : memref<10000x64xf32, #tpu.memory_space<vmem_shared>>) offsets(%dma_start3A_551 : memref<128xi32, #tpu.memory_space<vmem>>) semaphore(%run_scoped3A_548 : memref<!tpu.dma_semaphore, #tpu.memory_space<semaphore_mem>>) {add = true}
        %dma_wait3A_555 = arith.constant 0 : i32
        %dma_wait3A_556 = tpu.memref_slice %arg8[%run_scoped3A_388, %dma_wait3A_555] : memref<32x128xi32, #tpu.memory_space<vmem>> -> memref<1x128xi32, #tpu.memory_space<vmem>>
        %dma_wait3A_557 = tpu.memref_squeeze %dma_wait3A_556 : memref<1x128xi32, #tpu.memory_space<vmem>> -> memref<128xi32, #tpu.memory_space<vmem>>
        %dma_wait3A_558 = arith.constant 0 : i32
        %dma_wait3A_559 = arith.constant 0 : i32
        %dma_wait3A_560 = tpu.memref_slice %arg14[%dma_wait3A_558, %dma_wait3A_559] : memref<10000x64xf32, #tpu.memory_space<vmem_shared>> -> memref<10000x64xf32, #tpu.memory_space<vmem_shared>>
        tpu.wait_indirect_dma semaphore(%run_scoped3A_548 : memref<!tpu.dma_semaphore, #tpu.memory_space<semaphore_mem>>) src(%arg12 : memref<128x64xf32, #tpu.memory_space<vmem>>) dst(%dma_wait3A_560 : memref<10000x64xf32, #tpu.memory_space<vmem_shared>>)
        tpu.yield
      }) : () -> ()
      %dma_start3A_389 = arith.constant 23 : i32
      %dma_start3A_390 = arith.constant 0 : i32
      %dma_start3A_391 = tpu.memref_slice %arg7[%dma_start3A_389, %dma_start3A_390] : memref<32x128xi32, #tpu.memory_space<vmem>> -> memref<1x128xi32, #tpu.memory_space<vmem>>
      %dma_start3A_392 = tpu.memref_squeeze %dma_start3A_391 : memref<1x128xi32, #tpu.memory_space<vmem>> -> memref<128xi32, #tpu.memory_space<vmem>>
      %dma_start3A_393 = arith.constant 0 : i32
      %dma_start3A_394 = arith.constant 0 : i32
      %dma_start3A_395 = tpu.memref_slice %arg13[%dma_start3A_393, %dma_start3A_394] : memref<10008x64xf32, #tpu.memory_space<vmem_shared>> -> memref<10008x64xf32, #tpu.memory_space<vmem_shared>>
      tpu.enqueue_indirect_dma source(%dma_start3A_395 : memref<10008x64xf32, #tpu.memory_space<vmem_shared>>) target(%arg12 : memref<128x64xf32, #tpu.memory_space<vmem>>) offsets(%dma_start3A_392 : memref<128xi32, #tpu.memory_space<vmem>>) semaphore(%arg18 : memref<!tpu.dma_semaphore, #tpu.memory_space<semaphore_mem>>)
      %dma_wait3A_396 = arith.constant 20 : i32
      %dma_wait3A_397 = arith.constant 0 : i32
      %dma_wait3A_398 = tpu.memref_slice %arg7[%dma_wait3A_396, %dma_wait3A_397] : memref<32x128xi32, #tpu.memory_space<vmem>> -> memref<1x128xi32, #tpu.memory_space<vmem>>
      %dma_wait3A_399 = tpu.memref_squeeze %dma_wait3A_398 : memref<1x128xi32, #tpu.memory_space<vmem>> -> memref<128xi32, #tpu.memory_space<vmem>>
      %dma_wait3A_400 = arith.constant 0 : i32
      %dma_wait3A_401 = arith.constant 0 : i32
      %dma_wait3A_402 = tpu.memref_slice %arg13[%dma_wait3A_400, %dma_wait3A_401] : memref<10008x64xf32, #tpu.memory_space<vmem_shared>> -> memref<10008x64xf32, #tpu.memory_space<vmem_shared>>
      tpu.wait_indirect_dma semaphore(%arg15 : memref<!tpu.dma_semaphore, #tpu.memory_space<semaphore_mem>>) src(%dma_wait3A_402 : memref<10008x64xf32, #tpu.memory_space<vmem_shared>>) dst(%arg9 : memref<128x64xf32, #tpu.memory_space<vmem>>)
      %run_scoped3A_403 = arith.constant 20 : i32
      "tpu.region"() ({
        %run_scoped3A_548 = tpu.sem_alloc : memref<!tpu.dma_semaphore, #tpu.memory_space<semaphore_mem>>
        %dma_start3A_549 = arith.constant 0 : i32
        %dma_start3A_550 = tpu.memref_slice %arg8[%run_scoped3A_403, %dma_start3A_549] : memref<32x128xi32, #tpu.memory_space<vmem>> -> memref<1x128xi32, #tpu.memory_space<vmem>>
        %dma_start3A_551 = tpu.memref_squeeze %dma_start3A_550 : memref<1x128xi32, #tpu.memory_space<vmem>> -> memref<128xi32, #tpu.memory_space<vmem>>
        %dma_start3A_552 = arith.constant 0 : i32
        %dma_start3A_553 = arith.constant 0 : i32
        %dma_start3A_554 = tpu.memref_slice %arg14[%dma_start3A_552, %dma_start3A_553] : memref<10000x64xf32, #tpu.memory_space<vmem_shared>> -> memref<10000x64xf32, #tpu.memory_space<vmem_shared>>
        tpu.enqueue_indirect_dma source(%arg9 : memref<128x64xf32, #tpu.memory_space<vmem>>) target(%dma_start3A_554 : memref<10000x64xf32, #tpu.memory_space<vmem_shared>>) offsets(%dma_start3A_551 : memref<128xi32, #tpu.memory_space<vmem>>) semaphore(%run_scoped3A_548 : memref<!tpu.dma_semaphore, #tpu.memory_space<semaphore_mem>>) {add = true}
        %dma_wait3A_555 = arith.constant 0 : i32
        %dma_wait3A_556 = tpu.memref_slice %arg8[%run_scoped3A_403, %dma_wait3A_555] : memref<32x128xi32, #tpu.memory_space<vmem>> -> memref<1x128xi32, #tpu.memory_space<vmem>>
        %dma_wait3A_557 = tpu.memref_squeeze %dma_wait3A_556 : memref<1x128xi32, #tpu.memory_space<vmem>> -> memref<128xi32, #tpu.memory_space<vmem>>
        %dma_wait3A_558 = arith.constant 0 : i32
        %dma_wait3A_559 = arith.constant 0 : i32
        %dma_wait3A_560 = tpu.memref_slice %arg14[%dma_wait3A_558, %dma_wait3A_559] : memref<10000x64xf32, #tpu.memory_space<vmem_shared>> -> memref<10000x64xf32, #tpu.memory_space<vmem_shared>>
        tpu.wait_indirect_dma semaphore(%run_scoped3A_548 : memref<!tpu.dma_semaphore, #tpu.memory_space<semaphore_mem>>) src(%arg9 : memref<128x64xf32, #tpu.memory_space<vmem>>) dst(%dma_wait3A_560 : memref<10000x64xf32, #tpu.memory_space<vmem_shared>>)
        tpu.yield
      }) : () -> ()
      %dma_start3A_404 = arith.constant 24 : i32
      %dma_start3A_405 = arith.constant 0 : i32
      %dma_start3A_406 = tpu.memref_slice %arg7[%dma_start3A_404, %dma_start3A_405] : memref<32x128xi32, #tpu.memory_space<vmem>> -> memref<1x128xi32, #tpu.memory_space<vmem>>
      %dma_start3A_407 = tpu.memref_squeeze %dma_start3A_406 : memref<1x128xi32, #tpu.memory_space<vmem>> -> memref<128xi32, #tpu.memory_space<vmem>>
      %dma_start3A_408 = arith.constant 0 : i32
      %dma_start3A_409 = arith.constant 0 : i32
      %dma_start3A_410 = tpu.memref_slice %arg13[%dma_start3A_408, %dma_start3A_409] : memref<10008x64xf32, #tpu.memory_space<vmem_shared>> -> memref<10008x64xf32, #tpu.memory_space<vmem_shared>>
      tpu.enqueue_indirect_dma source(%dma_start3A_410 : memref<10008x64xf32, #tpu.memory_space<vmem_shared>>) target(%arg9 : memref<128x64xf32, #tpu.memory_space<vmem>>) offsets(%dma_start3A_407 : memref<128xi32, #tpu.memory_space<vmem>>) semaphore(%arg15 : memref<!tpu.dma_semaphore, #tpu.memory_space<semaphore_mem>>)
      %dma_wait3A_411 = arith.constant 21 : i32
      %dma_wait3A_412 = arith.constant 0 : i32
      %dma_wait3A_413 = tpu.memref_slice %arg7[%dma_wait3A_411, %dma_wait3A_412] : memref<32x128xi32, #tpu.memory_space<vmem>> -> memref<1x128xi32, #tpu.memory_space<vmem>>
      %dma_wait3A_414 = tpu.memref_squeeze %dma_wait3A_413 : memref<1x128xi32, #tpu.memory_space<vmem>> -> memref<128xi32, #tpu.memory_space<vmem>>
      %dma_wait3A_415 = arith.constant 0 : i32
      %dma_wait3A_416 = arith.constant 0 : i32
      %dma_wait3A_417 = tpu.memref_slice %arg13[%dma_wait3A_415, %dma_wait3A_416] : memref<10008x64xf32, #tpu.memory_space<vmem_shared>> -> memref<10008x64xf32, #tpu.memory_space<vmem_shared>>
      tpu.wait_indirect_dma semaphore(%arg16 : memref<!tpu.dma_semaphore, #tpu.memory_space<semaphore_mem>>) src(%dma_wait3A_417 : memref<10008x64xf32, #tpu.memory_space<vmem_shared>>) dst(%arg10 : memref<128x64xf32, #tpu.memory_space<vmem>>)
      %run_scoped3A_418 = arith.constant 21 : i32
      "tpu.region"() ({
        %run_scoped3A_548 = tpu.sem_alloc : memref<!tpu.dma_semaphore, #tpu.memory_space<semaphore_mem>>
        %dma_start3A_549 = arith.constant 0 : i32
        %dma_start3A_550 = tpu.memref_slice %arg8[%run_scoped3A_418, %dma_start3A_549] : memref<32x128xi32, #tpu.memory_space<vmem>> -> memref<1x128xi32, #tpu.memory_space<vmem>>
        %dma_start3A_551 = tpu.memref_squeeze %dma_start3A_550 : memref<1x128xi32, #tpu.memory_space<vmem>> -> memref<128xi32, #tpu.memory_space<vmem>>
        %dma_start3A_552 = arith.constant 0 : i32
        %dma_start3A_553 = arith.constant 0 : i32
        %dma_start3A_554 = tpu.memref_slice %arg14[%dma_start3A_552, %dma_start3A_553] : memref<10000x64xf32, #tpu.memory_space<vmem_shared>> -> memref<10000x64xf32, #tpu.memory_space<vmem_shared>>
        tpu.enqueue_indirect_dma source(%arg10 : memref<128x64xf32, #tpu.memory_space<vmem>>) target(%dma_start3A_554 : memref<10000x64xf32, #tpu.memory_space<vmem_shared>>) offsets(%dma_start3A_551 : memref<128xi32, #tpu.memory_space<vmem>>) semaphore(%run_scoped3A_548 : memref<!tpu.dma_semaphore, #tpu.memory_space<semaphore_mem>>) {add = true}
        %dma_wait3A_555 = arith.constant 0 : i32
        %dma_wait3A_556 = tpu.memref_slice %arg8[%run_scoped3A_418, %dma_wait3A_555] : memref<32x128xi32, #tpu.memory_space<vmem>> -> memref<1x128xi32, #tpu.memory_space<vmem>>
        %dma_wait3A_557 = tpu.memref_squeeze %dma_wait3A_556 : memref<1x128xi32, #tpu.memory_space<vmem>> -> memref<128xi32, #tpu.memory_space<vmem>>
        %dma_wait3A_558 = arith.constant 0 : i32
        %dma_wait3A_559 = arith.constant 0 : i32
        %dma_wait3A_560 = tpu.memref_slice %arg14[%dma_wait3A_558, %dma_wait3A_559] : memref<10000x64xf32, #tpu.memory_space<vmem_shared>> -> memref<10000x64xf32, #tpu.memory_space<vmem_shared>>
        tpu.wait_indirect_dma semaphore(%run_scoped3A_548 : memref<!tpu.dma_semaphore, #tpu.memory_space<semaphore_mem>>) src(%arg10 : memref<128x64xf32, #tpu.memory_space<vmem>>) dst(%dma_wait3A_560 : memref<10000x64xf32, #tpu.memory_space<vmem_shared>>)
        tpu.yield
      }) : () -> ()
      %dma_start3A_419 = arith.constant 25 : i32
      %dma_start3A_420 = arith.constant 0 : i32
      %dma_start3A_421 = tpu.memref_slice %arg7[%dma_start3A_419, %dma_start3A_420] : memref<32x128xi32, #tpu.memory_space<vmem>> -> memref<1x128xi32, #tpu.memory_space<vmem>>
      %dma_start3A_422 = tpu.memref_squeeze %dma_start3A_421 : memref<1x128xi32, #tpu.memory_space<vmem>> -> memref<128xi32, #tpu.memory_space<vmem>>
      %dma_start3A_423 = arith.constant 0 : i32
      %dma_start3A_424 = arith.constant 0 : i32
      %dma_start3A_425 = tpu.memref_slice %arg13[%dma_start3A_423, %dma_start3A_424] : memref<10008x64xf32, #tpu.memory_space<vmem_shared>> -> memref<10008x64xf32, #tpu.memory_space<vmem_shared>>
      tpu.enqueue_indirect_dma source(%dma_start3A_425 : memref<10008x64xf32, #tpu.memory_space<vmem_shared>>) target(%arg10 : memref<128x64xf32, #tpu.memory_space<vmem>>) offsets(%dma_start3A_422 : memref<128xi32, #tpu.memory_space<vmem>>) semaphore(%arg16 : memref<!tpu.dma_semaphore, #tpu.memory_space<semaphore_mem>>)
      %dma_wait3A_426 = arith.constant 22 : i32
      %dma_wait3A_427 = arith.constant 0 : i32
      %dma_wait3A_428 = tpu.memref_slice %arg7[%dma_wait3A_426, %dma_wait3A_427] : memref<32x128xi32, #tpu.memory_space<vmem>> -> memref<1x128xi32, #tpu.memory_space<vmem>>
      %dma_wait3A_429 = tpu.memref_squeeze %dma_wait3A_428 : memref<1x128xi32, #tpu.memory_space<vmem>> -> memref<128xi32, #tpu.memory_space<vmem>>
      %dma_wait3A_430 = arith.constant 0 : i32
      %dma_wait3A_431 = arith.constant 0 : i32
      %dma_wait3A_432 = tpu.memref_slice %arg13[%dma_wait3A_430, %dma_wait3A_431] : memref<10008x64xf32, #tpu.memory_space<vmem_shared>> -> memref<10008x64xf32, #tpu.memory_space<vmem_shared>>
      tpu.wait_indirect_dma semaphore(%arg17 : memref<!tpu.dma_semaphore, #tpu.memory_space<semaphore_mem>>) src(%dma_wait3A_432 : memref<10008x64xf32, #tpu.memory_space<vmem_shared>>) dst(%arg11 : memref<128x64xf32, #tpu.memory_space<vmem>>)
      %run_scoped3A_433 = arith.constant 22 : i32
      "tpu.region"() ({
        %run_scoped3A_548 = tpu.sem_alloc : memref<!tpu.dma_semaphore, #tpu.memory_space<semaphore_mem>>
        %dma_start3A_549 = arith.constant 0 : i32
        %dma_start3A_550 = tpu.memref_slice %arg8[%run_scoped3A_433, %dma_start3A_549] : memref<32x128xi32, #tpu.memory_space<vmem>> -> memref<1x128xi32, #tpu.memory_space<vmem>>
        %dma_start3A_551 = tpu.memref_squeeze %dma_start3A_550 : memref<1x128xi32, #tpu.memory_space<vmem>> -> memref<128xi32, #tpu.memory_space<vmem>>
        %dma_start3A_552 = arith.constant 0 : i32
        %dma_start3A_553 = arith.constant 0 : i32
        %dma_start3A_554 = tpu.memref_slice %arg14[%dma_start3A_552, %dma_start3A_553] : memref<10000x64xf32, #tpu.memory_space<vmem_shared>> -> memref<10000x64xf32, #tpu.memory_space<vmem_shared>>
        tpu.enqueue_indirect_dma source(%arg11 : memref<128x64xf32, #tpu.memory_space<vmem>>) target(%dma_start3A_554 : memref<10000x64xf32, #tpu.memory_space<vmem_shared>>) offsets(%dma_start3A_551 : memref<128xi32, #tpu.memory_space<vmem>>) semaphore(%run_scoped3A_548 : memref<!tpu.dma_semaphore, #tpu.memory_space<semaphore_mem>>) {add = true}
        %dma_wait3A_555 = arith.constant 0 : i32
        %dma_wait3A_556 = tpu.memref_slice %arg8[%run_scoped3A_433, %dma_wait3A_555] : memref<32x128xi32, #tpu.memory_space<vmem>> -> memref<1x128xi32, #tpu.memory_space<vmem>>
        %dma_wait3A_557 = tpu.memref_squeeze %dma_wait3A_556 : memref<1x128xi32, #tpu.memory_space<vmem>> -> memref<128xi32, #tpu.memory_space<vmem>>
        %dma_wait3A_558 = arith.constant 0 : i32
        %dma_wait3A_559 = arith.constant 0 : i32
        %dma_wait3A_560 = tpu.memref_slice %arg14[%dma_wait3A_558, %dma_wait3A_559] : memref<10000x64xf32, #tpu.memory_space<vmem_shared>> -> memref<10000x64xf32, #tpu.memory_space<vmem_shared>>
        tpu.wait_indirect_dma semaphore(%run_scoped3A_548 : memref<!tpu.dma_semaphore, #tpu.memory_space<semaphore_mem>>) src(%arg11 : memref<128x64xf32, #tpu.memory_space<vmem>>) dst(%dma_wait3A_560 : memref<10000x64xf32, #tpu.memory_space<vmem_shared>>)
        tpu.yield
      }) : () -> ()
      %dma_start3A_434 = arith.constant 26 : i32
      %dma_start3A_435 = arith.constant 0 : i32
      %dma_start3A_436 = tpu.memref_slice %arg7[%dma_start3A_434, %dma_start3A_435] : memref<32x128xi32, #tpu.memory_space<vmem>> -> memref<1x128xi32, #tpu.memory_space<vmem>>
      %dma_start3A_437 = tpu.memref_squeeze %dma_start3A_436 : memref<1x128xi32, #tpu.memory_space<vmem>> -> memref<128xi32, #tpu.memory_space<vmem>>
      %dma_start3A_438 = arith.constant 0 : i32
      %dma_start3A_439 = arith.constant 0 : i32
      %dma_start3A_440 = tpu.memref_slice %arg13[%dma_start3A_438, %dma_start3A_439] : memref<10008x64xf32, #tpu.memory_space<vmem_shared>> -> memref<10008x64xf32, #tpu.memory_space<vmem_shared>>
      tpu.enqueue_indirect_dma source(%dma_start3A_440 : memref<10008x64xf32, #tpu.memory_space<vmem_shared>>) target(%arg11 : memref<128x64xf32, #tpu.memory_space<vmem>>) offsets(%dma_start3A_437 : memref<128xi32, #tpu.memory_space<vmem>>) semaphore(%arg17 : memref<!tpu.dma_semaphore, #tpu.memory_space<semaphore_mem>>)
      %dma_wait3A_441 = arith.constant 23 : i32
      %dma_wait3A_442 = arith.constant 0 : i32
      %dma_wait3A_443 = tpu.memref_slice %arg7[%dma_wait3A_441, %dma_wait3A_442] : memref<32x128xi32, #tpu.memory_space<vmem>> -> memref<1x128xi32, #tpu.memory_space<vmem>>
      %dma_wait3A_444 = tpu.memref_squeeze %dma_wait3A_443 : memref<1x128xi32, #tpu.memory_space<vmem>> -> memref<128xi32, #tpu.memory_space<vmem>>
      %dma_wait3A_445 = arith.constant 0 : i32
      %dma_wait3A_446 = arith.constant 0 : i32
      %dma_wait3A_447 = tpu.memref_slice %arg13[%dma_wait3A_445, %dma_wait3A_446] : memref<10008x64xf32, #tpu.memory_space<vmem_shared>> -> memref<10008x64xf32, #tpu.memory_space<vmem_shared>>
      tpu.wait_indirect_dma semaphore(%arg18 : memref<!tpu.dma_semaphore, #tpu.memory_space<semaphore_mem>>) src(%dma_wait3A_447 : memref<10008x64xf32, #tpu.memory_space<vmem_shared>>) dst(%arg12 : memref<128x64xf32, #tpu.memory_space<vmem>>)
      %run_scoped3A_448 = arith.constant 23 : i32
      "tpu.region"() ({
        %run_scoped3A_548 = tpu.sem_alloc : memref<!tpu.dma_semaphore, #tpu.memory_space<semaphore_mem>>
        %dma_start3A_549 = arith.constant 0 : i32
        %dma_start3A_550 = tpu.memref_slice %arg8[%run_scoped3A_448, %dma_start3A_549] : memref<32x128xi32, #tpu.memory_space<vmem>> -> memref<1x128xi32, #tpu.memory_space<vmem>>
        %dma_start3A_551 = tpu.memref_squeeze %dma_start3A_550 : memref<1x128xi32, #tpu.memory_space<vmem>> -> memref<128xi32, #tpu.memory_space<vmem>>
        %dma_start3A_552 = arith.constant 0 : i32
        %dma_start3A_553 = arith.constant 0 : i32
        %dma_start3A_554 = tpu.memref_slice %arg14[%dma_start3A_552, %dma_start3A_553] : memref<10000x64xf32, #tpu.memory_space<vmem_shared>> -> memref<10000x64xf32, #tpu.memory_space<vmem_shared>>
        tpu.enqueue_indirect_dma source(%arg12 : memref<128x64xf32, #tpu.memory_space<vmem>>) target(%dma_start3A_554 : memref<10000x64xf32, #tpu.memory_space<vmem_shared>>) offsets(%dma_start3A_551 : memref<128xi32, #tpu.memory_space<vmem>>) semaphore(%run_scoped3A_548 : memref<!tpu.dma_semaphore, #tpu.memory_space<semaphore_mem>>) {add = true}
        %dma_wait3A_555 = arith.constant 0 : i32
        %dma_wait3A_556 = tpu.memref_slice %arg8[%run_scoped3A_448, %dma_wait3A_555] : memref<32x128xi32, #tpu.memory_space<vmem>> -> memref<1x128xi32, #tpu.memory_space<vmem>>
        %dma_wait3A_557 = tpu.memref_squeeze %dma_wait3A_556 : memref<1x128xi32, #tpu.memory_space<vmem>> -> memref<128xi32, #tpu.memory_space<vmem>>
        %dma_wait3A_558 = arith.constant 0 : i32
        %dma_wait3A_559 = arith.constant 0 : i32
        %dma_wait3A_560 = tpu.memref_slice %arg14[%dma_wait3A_558, %dma_wait3A_559] : memref<10000x64xf32, #tpu.memory_space<vmem_shared>> -> memref<10000x64xf32, #tpu.memory_space<vmem_shared>>
        tpu.wait_indirect_dma semaphore(%run_scoped3A_548 : memref<!tpu.dma_semaphore, #tpu.memory_space<semaphore_mem>>) src(%arg12 : memref<128x64xf32, #tpu.memory_space<vmem>>) dst(%dma_wait3A_560 : memref<10000x64xf32, #tpu.memory_space<vmem_shared>>)
        tpu.yield
      }) : () -> ()
      %dma_start3A_449 = arith.constant 27 : i32
      %dma_start3A_450 = arith.constant 0 : i32
      %dma_start3A_451 = tpu.memref_slice %arg7[%dma_start3A_449, %dma_start3A_450] : memref<32x128xi32, #tpu.memory_space<vmem>> -> memref<1x128xi32, #tpu.memory_space<vmem>>
      %dma_start3A_452 = tpu.memref_squeeze %dma_start3A_451 : memref<1x128xi32, #tpu.memory_space<vmem>> -> memref<128xi32, #tpu.memory_space<vmem>>
      %dma_start3A_453 = arith.constant 0 : i32
      %dma_start3A_454 = arith.constant 0 : i32
      %dma_start3A_455 = tpu.memref_slice %arg13[%dma_start3A_453, %dma_start3A_454] : memref<10008x64xf32, #tpu.memory_space<vmem_shared>> -> memref<10008x64xf32, #tpu.memory_space<vmem_shared>>
      tpu.enqueue_indirect_dma source(%dma_start3A_455 : memref<10008x64xf32, #tpu.memory_space<vmem_shared>>) target(%arg12 : memref<128x64xf32, #tpu.memory_space<vmem>>) offsets(%dma_start3A_452 : memref<128xi32, #tpu.memory_space<vmem>>) semaphore(%arg18 : memref<!tpu.dma_semaphore, #tpu.memory_space<semaphore_mem>>)
      %dma_wait3A_456 = arith.constant 24 : i32
      %dma_wait3A_457 = arith.constant 0 : i32
      %dma_wait3A_458 = tpu.memref_slice %arg7[%dma_wait3A_456, %dma_wait3A_457] : memref<32x128xi32, #tpu.memory_space<vmem>> -> memref<1x128xi32, #tpu.memory_space<vmem>>
      %dma_wait3A_459 = tpu.memref_squeeze %dma_wait3A_458 : memref<1x128xi32, #tpu.memory_space<vmem>> -> memref<128xi32, #tpu.memory_space<vmem>>
      %dma_wait3A_460 = arith.constant 0 : i32
      %dma_wait3A_461 = arith.constant 0 : i32
      %dma_wait3A_462 = tpu.memref_slice %arg13[%dma_wait3A_460, %dma_wait3A_461] : memref<10008x64xf32, #tpu.memory_space<vmem_shared>> -> memref<10008x64xf32, #tpu.memory_space<vmem_shared>>
      tpu.wait_indirect_dma semaphore(%arg15 : memref<!tpu.dma_semaphore, #tpu.memory_space<semaphore_mem>>) src(%dma_wait3A_462 : memref<10008x64xf32, #tpu.memory_space<vmem_shared>>) dst(%arg9 : memref<128x64xf32, #tpu.memory_space<vmem>>)
      %run_scoped3A_463 = arith.constant 24 : i32
      "tpu.region"() ({
        %run_scoped3A_548 = tpu.sem_alloc : memref<!tpu.dma_semaphore, #tpu.memory_space<semaphore_mem>>
        %dma_start3A_549 = arith.constant 0 : i32
        %dma_start3A_550 = tpu.memref_slice %arg8[%run_scoped3A_463, %dma_start3A_549] : memref<32x128xi32, #tpu.memory_space<vmem>> -> memref<1x128xi32, #tpu.memory_space<vmem>>
        %dma_start3A_551 = tpu.memref_squeeze %dma_start3A_550 : memref<1x128xi32, #tpu.memory_space<vmem>> -> memref<128xi32, #tpu.memory_space<vmem>>
        %dma_start3A_552 = arith.constant 0 : i32
        %dma_start3A_553 = arith.constant 0 : i32
        %dma_start3A_554 = tpu.memref_slice %arg14[%dma_start3A_552, %dma_start3A_553] : memref<10000x64xf32, #tpu.memory_space<vmem_shared>> -> memref<10000x64xf32, #tpu.memory_space<vmem_shared>>
        tpu.enqueue_indirect_dma source(%arg9 : memref<128x64xf32, #tpu.memory_space<vmem>>) target(%dma_start3A_554 : memref<10000x64xf32, #tpu.memory_space<vmem_shared>>) offsets(%dma_start3A_551 : memref<128xi32, #tpu.memory_space<vmem>>) semaphore(%run_scoped3A_548 : memref<!tpu.dma_semaphore, #tpu.memory_space<semaphore_mem>>) {add = true}
        %dma_wait3A_555 = arith.constant 0 : i32
        %dma_wait3A_556 = tpu.memref_slice %arg8[%run_scoped3A_463, %dma_wait3A_555] : memref<32x128xi32, #tpu.memory_space<vmem>> -> memref<1x128xi32, #tpu.memory_space<vmem>>
        %dma_wait3A_557 = tpu.memref_squeeze %dma_wait3A_556 : memref<1x128xi32, #tpu.memory_space<vmem>> -> memref<128xi32, #tpu.memory_space<vmem>>
        %dma_wait3A_558 = arith.constant 0 : i32
        %dma_wait3A_559 = arith.constant 0 : i32
        %dma_wait3A_560 = tpu.memref_slice %arg14[%dma_wait3A_558, %dma_wait3A_559] : memref<10000x64xf32, #tpu.memory_space<vmem_shared>> -> memref<10000x64xf32, #tpu.memory_space<vmem_shared>>
        tpu.wait_indirect_dma semaphore(%run_scoped3A_548 : memref<!tpu.dma_semaphore, #tpu.memory_space<semaphore_mem>>) src(%arg9 : memref<128x64xf32, #tpu.memory_space<vmem>>) dst(%dma_wait3A_560 : memref<10000x64xf32, #tpu.memory_space<vmem_shared>>)
        tpu.yield
      }) : () -> ()
      %dma_start3A_464 = arith.constant 28 : i32
      %dma_start3A_465 = arith.constant 0 : i32
      %dma_start3A_466 = tpu.memref_slice %arg7[%dma_start3A_464, %dma_start3A_465] : memref<32x128xi32, #tpu.memory_space<vmem>> -> memref<1x128xi32, #tpu.memory_space<vmem>>
      %dma_start3A_467 = tpu.memref_squeeze %dma_start3A_466 : memref<1x128xi32, #tpu.memory_space<vmem>> -> memref<128xi32, #tpu.memory_space<vmem>>
      %dma_start3A_468 = arith.constant 0 : i32
      %dma_start3A_469 = arith.constant 0 : i32
      %dma_start3A_470 = tpu.memref_slice %arg13[%dma_start3A_468, %dma_start3A_469] : memref<10008x64xf32, #tpu.memory_space<vmem_shared>> -> memref<10008x64xf32, #tpu.memory_space<vmem_shared>>
      tpu.enqueue_indirect_dma source(%dma_start3A_470 : memref<10008x64xf32, #tpu.memory_space<vmem_shared>>) target(%arg9 : memref<128x64xf32, #tpu.memory_space<vmem>>) offsets(%dma_start3A_467 : memref<128xi32, #tpu.memory_space<vmem>>) semaphore(%arg15 : memref<!tpu.dma_semaphore, #tpu.memory_space<semaphore_mem>>)
      %dma_wait3A_471 = arith.constant 25 : i32
      %dma_wait3A_472 = arith.constant 0 : i32
      %dma_wait3A_473 = tpu.memref_slice %arg7[%dma_wait3A_471, %dma_wait3A_472] : memref<32x128xi32, #tpu.memory_space<vmem>> -> memref<1x128xi32, #tpu.memory_space<vmem>>
      %dma_wait3A_474 = tpu.memref_squeeze %dma_wait3A_473 : memref<1x128xi32, #tpu.memory_space<vmem>> -> memref<128xi32, #tpu.memory_space<vmem>>
      %dma_wait3A_475 = arith.constant 0 : i32
      %dma_wait3A_476 = arith.constant 0 : i32
      %dma_wait3A_477 = tpu.memref_slice %arg13[%dma_wait3A_475, %dma_wait3A_476] : memref<10008x64xf32, #tpu.memory_space<vmem_shared>> -> memref<10008x64xf32, #tpu.memory_space<vmem_shared>>
      tpu.wait_indirect_dma semaphore(%arg16 : memref<!tpu.dma_semaphore, #tpu.memory_space<semaphore_mem>>) src(%dma_wait3A_477 : memref<10008x64xf32, #tpu.memory_space<vmem_shared>>) dst(%arg10 : memref<128x64xf32, #tpu.memory_space<vmem>>)
      %run_scoped3A_478 = arith.constant 25 : i32
      "tpu.region"() ({
        %run_scoped3A_548 = tpu.sem_alloc : memref<!tpu.dma_semaphore, #tpu.memory_space<semaphore_mem>>
        %dma_start3A_549 = arith.constant 0 : i32
        %dma_start3A_550 = tpu.memref_slice %arg8[%run_scoped3A_478, %dma_start3A_549] : memref<32x128xi32, #tpu.memory_space<vmem>> -> memref<1x128xi32, #tpu.memory_space<vmem>>
        %dma_start3A_551 = tpu.memref_squeeze %dma_start3A_550 : memref<1x128xi32, #tpu.memory_space<vmem>> -> memref<128xi32, #tpu.memory_space<vmem>>
        %dma_start3A_552 = arith.constant 0 : i32
        %dma_start3A_553 = arith.constant 0 : i32
        %dma_start3A_554 = tpu.memref_slice %arg14[%dma_start3A_552, %dma_start3A_553] : memref<10000x64xf32, #tpu.memory_space<vmem_shared>> -> memref<10000x64xf32, #tpu.memory_space<vmem_shared>>
        tpu.enqueue_indirect_dma source(%arg10 : memref<128x64xf32, #tpu.memory_space<vmem>>) target(%dma_start3A_554 : memref<10000x64xf32, #tpu.memory_space<vmem_shared>>) offsets(%dma_start3A_551 : memref<128xi32, #tpu.memory_space<vmem>>) semaphore(%run_scoped3A_548 : memref<!tpu.dma_semaphore, #tpu.memory_space<semaphore_mem>>) {add = true}
        %dma_wait3A_555 = arith.constant 0 : i32
        %dma_wait3A_556 = tpu.memref_slice %arg8[%run_scoped3A_478, %dma_wait3A_555] : memref<32x128xi32, #tpu.memory_space<vmem>> -> memref<1x128xi32, #tpu.memory_space<vmem>>
        %dma_wait3A_557 = tpu.memref_squeeze %dma_wait3A_556 : memref<1x128xi32, #tpu.memory_space<vmem>> -> memref<128xi32, #tpu.memory_space<vmem>>
        %dma_wait3A_558 = arith.constant 0 : i32
        %dma_wait3A_559 = arith.constant 0 : i32
        %dma_wait3A_560 = tpu.memref_slice %arg14[%dma_wait3A_558, %dma_wait3A_559] : memref<10000x64xf32, #tpu.memory_space<vmem_shared>> -> memref<10000x64xf32, #tpu.memory_space<vmem_shared>>
        tpu.wait_indirect_dma semaphore(%run_scoped3A_548 : memref<!tpu.dma_semaphore, #tpu.memory_space<semaphore_mem>>) src(%arg10 : memref<128x64xf32, #tpu.memory_space<vmem>>) dst(%dma_wait3A_560 : memref<10000x64xf32, #tpu.memory_space<vmem_shared>>)
        tpu.yield
      }) : () -> ()
      %dma_start3A_479 = arith.constant 29 : i32
      %dma_start3A_480 = arith.constant 0 : i32
      %dma_start3A_481 = tpu.memref_slice %arg7[%dma_start3A_479, %dma_start3A_480] : memref<32x128xi32, #tpu.memory_space<vmem>> -> memref<1x128xi32, #tpu.memory_space<vmem>>
      %dma_start3A_482 = tpu.memref_squeeze %dma_start3A_481 : memref<1x128xi32, #tpu.memory_space<vmem>> -> memref<128xi32, #tpu.memory_space<vmem>>
      %dma_start3A_483 = arith.constant 0 : i32
      %dma_start3A_484 = arith.constant 0 : i32
      %dma_start3A_485 = tpu.memref_slice %arg13[%dma_start3A_483, %dma_start3A_484] : memref<10008x64xf32, #tpu.memory_space<vmem_shared>> -> memref<10008x64xf32, #tpu.memory_space<vmem_shared>>
      tpu.enqueue_indirect_dma source(%dma_start3A_485 : memref<10008x64xf32, #tpu.memory_space<vmem_shared>>) target(%arg10 : memref<128x64xf32, #tpu.memory_space<vmem>>) offsets(%dma_start3A_482 : memref<128xi32, #tpu.memory_space<vmem>>) semaphore(%arg16 : memref<!tpu.dma_semaphore, #tpu.memory_space<semaphore_mem>>)
      %dma_wait3A_486 = arith.constant 26 : i32
      %dma_wait3A_487 = arith.constant 0 : i32
      %dma_wait3A_488 = tpu.memref_slice %arg7[%dma_wait3A_486, %dma_wait3A_487] : memref<32x128xi32, #tpu.memory_space<vmem>> -> memref<1x128xi32, #tpu.memory_space<vmem>>
      %dma_wait3A_489 = tpu.memref_squeeze %dma_wait3A_488 : memref<1x128xi32, #tpu.memory_space<vmem>> -> memref<128xi32, #tpu.memory_space<vmem>>
      %dma_wait3A_490 = arith.constant 0 : i32
      %dma_wait3A_491 = arith.constant 0 : i32
      %dma_wait3A_492 = tpu.memref_slice %arg13[%dma_wait3A_490, %dma_wait3A_491] : memref<10008x64xf32, #tpu.memory_space<vmem_shared>> -> memref<10008x64xf32, #tpu.memory_space<vmem_shared>>
      tpu.wait_indirect_dma semaphore(%arg17 : memref<!tpu.dma_semaphore, #tpu.memory_space<semaphore_mem>>) src(%dma_wait3A_492 : memref<10008x64xf32, #tpu.memory_space<vmem_shared>>) dst(%arg11 : memref<128x64xf32, #tpu.memory_space<vmem>>)
      %run_scoped3A_493 = arith.constant 26 : i32
      "tpu.region"() ({
        %run_scoped3A_548 = tpu.sem_alloc : memref<!tpu.dma_semaphore, #tpu.memory_space<semaphore_mem>>
        %dma_start3A_549 = arith.constant 0 : i32
        %dma_start3A_550 = tpu.memref_slice %arg8[%run_scoped3A_493, %dma_start3A_549] : memref<32x128xi32, #tpu.memory_space<vmem>> -> memref<1x128xi32, #tpu.memory_space<vmem>>
        %dma_start3A_551 = tpu.memref_squeeze %dma_start3A_550 : memref<1x128xi32, #tpu.memory_space<vmem>> -> memref<128xi32, #tpu.memory_space<vmem>>
        %dma_start3A_552 = arith.constant 0 : i32
        %dma_start3A_553 = arith.constant 0 : i32
        %dma_start3A_554 = tpu.memref_slice %arg14[%dma_start3A_552, %dma_start3A_553] : memref<10000x64xf32, #tpu.memory_space<vmem_shared>> -> memref<10000x64xf32, #tpu.memory_space<vmem_shared>>
        tpu.enqueue_indirect_dma source(%arg11 : memref<128x64xf32, #tpu.memory_space<vmem>>) target(%dma_start3A_554 : memref<10000x64xf32, #tpu.memory_space<vmem_shared>>) offsets(%dma_start3A_551 : memref<128xi32, #tpu.memory_space<vmem>>) semaphore(%run_scoped3A_548 : memref<!tpu.dma_semaphore, #tpu.memory_space<semaphore_mem>>) {add = true}
        %dma_wait3A_555 = arith.constant 0 : i32
        %dma_wait3A_556 = tpu.memref_slice %arg8[%run_scoped3A_493, %dma_wait3A_555] : memref<32x128xi32, #tpu.memory_space<vmem>> -> memref<1x128xi32, #tpu.memory_space<vmem>>
        %dma_wait3A_557 = tpu.memref_squeeze %dma_wait3A_556 : memref<1x128xi32, #tpu.memory_space<vmem>> -> memref<128xi32, #tpu.memory_space<vmem>>
        %dma_wait3A_558 = arith.constant 0 : i32
        %dma_wait3A_559 = arith.constant 0 : i32
        %dma_wait3A_560 = tpu.memref_slice %arg14[%dma_wait3A_558, %dma_wait3A_559] : memref<10000x64xf32, #tpu.memory_space<vmem_shared>> -> memref<10000x64xf32, #tpu.memory_space<vmem_shared>>
        tpu.wait_indirect_dma semaphore(%run_scoped3A_548 : memref<!tpu.dma_semaphore, #tpu.memory_space<semaphore_mem>>) src(%arg11 : memref<128x64xf32, #tpu.memory_space<vmem>>) dst(%dma_wait3A_560 : memref<10000x64xf32, #tpu.memory_space<vmem_shared>>)
        tpu.yield
      }) : () -> ()
      %dma_start3A_494 = arith.constant 30 : i32
      %dma_start3A_495 = arith.constant 0 : i32
      %dma_start3A_496 = tpu.memref_slice %arg7[%dma_start3A_494, %dma_start3A_495] : memref<32x128xi32, #tpu.memory_space<vmem>> -> memref<1x128xi32, #tpu.memory_space<vmem>>
      %dma_start3A_497 = tpu.memref_squeeze %dma_start3A_496 : memref<1x128xi32, #tpu.memory_space<vmem>> -> memref<128xi32, #tpu.memory_space<vmem>>
      %dma_start3A_498 = arith.constant 0 : i32
      %dma_start3A_499 = arith.constant 0 : i32
      %dma_start3A_500 = tpu.memref_slice %arg13[%dma_start3A_498, %dma_start3A_499] : memref<10008x64xf32, #tpu.memory_space<vmem_shared>> -> memref<10008x64xf32, #tpu.memory_space<vmem_shared>>
      tpu.enqueue_indirect_dma source(%dma_start3A_500 : memref<10008x64xf32, #tpu.memory_space<vmem_shared>>) target(%arg11 : memref<128x64xf32, #tpu.memory_space<vmem>>) offsets(%dma_start3A_497 : memref<128xi32, #tpu.memory_space<vmem>>) semaphore(%arg17 : memref<!tpu.dma_semaphore, #tpu.memory_space<semaphore_mem>>)
      %dma_wait3A_501 = arith.constant 27 : i32
      %dma_wait3A_502 = arith.constant 0 : i32
      %dma_wait3A_503 = tpu.memref_slice %arg7[%dma_wait3A_501, %dma_wait3A_502] : memref<32x128xi32, #tpu.memory_space<vmem>> -> memref<1x128xi32, #tpu.memory_space<vmem>>
      %dma_wait3A_504 = tpu.memref_squeeze %dma_wait3A_503 : memref<1x128xi32, #tpu.memory_space<vmem>> -> memref<128xi32, #tpu.memory_space<vmem>>
      %dma_wait3A_505 = arith.constant 0 : i32
      %dma_wait3A_506 = arith.constant 0 : i32
      %dma_wait3A_507 = tpu.memref_slice %arg13[%dma_wait3A_505, %dma_wait3A_506] : memref<10008x64xf32, #tpu.memory_space<vmem_shared>> -> memref<10008x64xf32, #tpu.memory_space<vmem_shared>>
      tpu.wait_indirect_dma semaphore(%arg18 : memref<!tpu.dma_semaphore, #tpu.memory_space<semaphore_mem>>) src(%dma_wait3A_507 : memref<10008x64xf32, #tpu.memory_space<vmem_shared>>) dst(%arg12 : memref<128x64xf32, #tpu.memory_space<vmem>>)
      %run_scoped3A_508 = arith.constant 27 : i32
      "tpu.region"() ({
        %run_scoped3A_548 = tpu.sem_alloc : memref<!tpu.dma_semaphore, #tpu.memory_space<semaphore_mem>>
        %dma_start3A_549 = arith.constant 0 : i32
        %dma_start3A_550 = tpu.memref_slice %arg8[%run_scoped3A_508, %dma_start3A_549] : memref<32x128xi32, #tpu.memory_space<vmem>> -> memref<1x128xi32, #tpu.memory_space<vmem>>
        %dma_start3A_551 = tpu.memref_squeeze %dma_start3A_550 : memref<1x128xi32, #tpu.memory_space<vmem>> -> memref<128xi32, #tpu.memory_space<vmem>>
        %dma_start3A_552 = arith.constant 0 : i32
        %dma_start3A_553 = arith.constant 0 : i32
        %dma_start3A_554 = tpu.memref_slice %arg14[%dma_start3A_552, %dma_start3A_553] : memref<10000x64xf32, #tpu.memory_space<vmem_shared>> -> memref<10000x64xf32, #tpu.memory_space<vmem_shared>>
        tpu.enqueue_indirect_dma source(%arg12 : memref<128x64xf32, #tpu.memory_space<vmem>>) target(%dma_start3A_554 : memref<10000x64xf32, #tpu.memory_space<vmem_shared>>) offsets(%dma_start3A_551 : memref<128xi32, #tpu.memory_space<vmem>>) semaphore(%run_scoped3A_548 : memref<!tpu.dma_semaphore, #tpu.memory_space<semaphore_mem>>) {add = true}
        %dma_wait3A_555 = arith.constant 0 : i32
        %dma_wait3A_556 = tpu.memref_slice %arg8[%run_scoped3A_508, %dma_wait3A_555] : memref<32x128xi32, #tpu.memory_space<vmem>> -> memref<1x128xi32, #tpu.memory_space<vmem>>
        %dma_wait3A_557 = tpu.memref_squeeze %dma_wait3A_556 : memref<1x128xi32, #tpu.memory_space<vmem>> -> memref<128xi32, #tpu.memory_space<vmem>>
        %dma_wait3A_558 = arith.constant 0 : i32
        %dma_wait3A_559 = arith.constant 0 : i32
        %dma_wait3A_560 = tpu.memref_slice %arg14[%dma_wait3A_558, %dma_wait3A_559] : memref<10000x64xf32, #tpu.memory_space<vmem_shared>> -> memref<10000x64xf32, #tpu.memory_space<vmem_shared>>
        tpu.wait_indirect_dma semaphore(%run_scoped3A_548 : memref<!tpu.dma_semaphore, #tpu.memory_space<semaphore_mem>>) src(%arg12 : memref<128x64xf32, #tpu.memory_space<vmem>>) dst(%dma_wait3A_560 : memref<10000x64xf32, #tpu.memory_space<vmem_shared>>)
        tpu.yield
      }) : () -> ()
      %dma_start3A_509 = arith.constant 31 : i32
      %dma_start3A_510 = arith.constant 0 : i32
      %dma_start3A_511 = tpu.memref_slice %arg7[%dma_start3A_509, %dma_start3A_510] : memref<32x128xi32, #tpu.memory_space<vmem>> -> memref<1x128xi32, #tpu.memory_space<vmem>>
      %dma_start3A_512 = tpu.memref_squeeze %dma_start3A_511 : memref<1x128xi32, #tpu.memory_space<vmem>> -> memref<128xi32, #tpu.memory_space<vmem>>
      %dma_start3A_513 = arith.constant 0 : i32
      %dma_start3A_514 = arith.constant 0 : i32
      %dma_start3A_515 = tpu.memref_slice %arg13[%dma_start3A_513, %dma_start3A_514] : memref<10008x64xf32, #tpu.memory_space<vmem_shared>> -> memref<10008x64xf32, #tpu.memory_space<vmem_shared>>
      tpu.enqueue_indirect_dma source(%dma_start3A_515 : memref<10008x64xf32, #tpu.memory_space<vmem_shared>>) target(%arg12 : memref<128x64xf32, #tpu.memory_space<vmem>>) offsets(%dma_start3A_512 : memref<128xi32, #tpu.memory_space<vmem>>) semaphore(%arg18 : memref<!tpu.dma_semaphore, #tpu.memory_space<semaphore_mem>>)
      %dma_wait3A_516 = arith.constant 28 : i32
      %dma_wait3A_517 = arith.constant 0 : i32
      %dma_wait3A_518 = tpu.memref_slice %arg7[%dma_wait3A_516, %dma_wait3A_517] : memref<32x128xi32, #tpu.memory_space<vmem>> -> memref<1x128xi32, #tpu.memory_space<vmem>>
      %dma_wait3A_519 = tpu.memref_squeeze %dma_wait3A_518 : memref<1x128xi32, #tpu.memory_space<vmem>> -> memref<128xi32, #tpu.memory_space<vmem>>
      %dma_wait3A_520 = arith.constant 0 : i32
      %dma_wait3A_521 = arith.constant 0 : i32
      %dma_wait3A_522 = tpu.memref_slice %arg13[%dma_wait3A_520, %dma_wait3A_521] : memref<10008x64xf32, #tpu.memory_space<vmem_shared>> -> memref<10008x64xf32, #tpu.memory_space<vmem_shared>>
      tpu.wait_indirect_dma semaphore(%arg15 : memref<!tpu.dma_semaphore, #tpu.memory_space<semaphore_mem>>) src(%dma_wait3A_522 : memref<10008x64xf32, #tpu.memory_space<vmem_shared>>) dst(%arg9 : memref<128x64xf32, #tpu.memory_space<vmem>>)
      %run_scoped3A_523 = arith.constant 28 : i32
      "tpu.region"() ({
        %run_scoped3A_548 = tpu.sem_alloc : memref<!tpu.dma_semaphore, #tpu.memory_space<semaphore_mem>>
        %dma_start3A_549 = arith.constant 0 : i32
        %dma_start3A_550 = tpu.memref_slice %arg8[%run_scoped3A_523, %dma_start3A_549] : memref<32x128xi32, #tpu.memory_space<vmem>> -> memref<1x128xi32, #tpu.memory_space<vmem>>
        %dma_start3A_551 = tpu.memref_squeeze %dma_start3A_550 : memref<1x128xi32, #tpu.memory_space<vmem>> -> memref<128xi32, #tpu.memory_space<vmem>>
        %dma_start3A_552 = arith.constant 0 : i32
        %dma_start3A_553 = arith.constant 0 : i32
        %dma_start3A_554 = tpu.memref_slice %arg14[%dma_start3A_552, %dma_start3A_553] : memref<10000x64xf32, #tpu.memory_space<vmem_shared>> -> memref<10000x64xf32, #tpu.memory_space<vmem_shared>>
        tpu.enqueue_indirect_dma source(%arg9 : memref<128x64xf32, #tpu.memory_space<vmem>>) target(%dma_start3A_554 : memref<10000x64xf32, #tpu.memory_space<vmem_shared>>) offsets(%dma_start3A_551 : memref<128xi32, #tpu.memory_space<vmem>>) semaphore(%run_scoped3A_548 : memref<!tpu.dma_semaphore, #tpu.memory_space<semaphore_mem>>) {add = true}
        %dma_wait3A_555 = arith.constant 0 : i32
        %dma_wait3A_556 = tpu.memref_slice %arg8[%run_scoped3A_523, %dma_wait3A_555] : memref<32x128xi32, #tpu.memory_space<vmem>> -> memref<1x128xi32, #tpu.memory_space<vmem>>
        %dma_wait3A_557 = tpu.memref_squeeze %dma_wait3A_556 : memref<1x128xi32, #tpu.memory_space<vmem>> -> memref<128xi32, #tpu.memory_space<vmem>>
        %dma_wait3A_558 = arith.constant 0 : i32
        %dma_wait3A_559 = arith.constant 0 : i32
        %dma_wait3A_560 = tpu.memref_slice %arg14[%dma_wait3A_558, %dma_wait3A_559] : memref<10000x64xf32, #tpu.memory_space<vmem_shared>> -> memref<10000x64xf32, #tpu.memory_space<vmem_shared>>
        tpu.wait_indirect_dma semaphore(%run_scoped3A_548 : memref<!tpu.dma_semaphore, #tpu.memory_space<semaphore_mem>>) src(%arg9 : memref<128x64xf32, #tpu.memory_space<vmem>>) dst(%dma_wait3A_560 : memref<10000x64xf32, #tpu.memory_space<vmem_shared>>)
        tpu.yield
      }) : () -> ()
      %dma_wait3A_524 = arith.constant 29 : i32
      %dma_wait3A_525 = arith.constant 0 : i32
      %dma_wait3A_526 = tpu.memref_slice %arg7[%dma_wait3A_524, %dma_wait3A_525] : memref<32x128xi32, #tpu.memory_space<vmem>> -> memref<1x128xi32, #tpu.memory_space<vmem>>
      %dma_wait3A_527 = tpu.memref_squeeze %dma_wait3A_526 : memref<1x128xi32, #tpu.memory_space<vmem>> -> memref<128xi32, #tpu.memory_space<vmem>>
      %dma_wait3A_528 = arith.constant 0 : i32
      %dma_wait3A_529 = arith.constant 0 : i32
      %dma_wait3A_530 = tpu.memref_slice %arg13[%dma_wait3A_528, %dma_wait3A_529] : memref<10008x64xf32, #tpu.memory_space<vmem_shared>> -> memref<10008x64xf32, #tpu.memory_space<vmem_shared>>
      tpu.wait_indirect_dma semaphore(%arg16 : memref<!tpu.dma_semaphore, #tpu.memory_space<semaphore_mem>>) src(%dma_wait3A_530 : memref<10008x64xf32, #tpu.memory_space<vmem_shared>>) dst(%arg10 : memref<128x64xf32, #tpu.memory_space<vmem>>)
      %run_scoped3A_531 = arith.constant 29 : i32
      "tpu.region"() ({
        %run_scoped3A_548 = tpu.sem_alloc : memref<!tpu.dma_semaphore, #tpu.memory_space<semaphore_mem>>
        %dma_start3A_549 = arith.constant 0 : i32
        %dma_start3A_550 = tpu.memref_slice %arg8[%run_scoped3A_531, %dma_start3A_549] : memref<32x128xi32, #tpu.memory_space<vmem>> -> memref<1x128xi32, #tpu.memory_space<vmem>>
        %dma_start3A_551 = tpu.memref_squeeze %dma_start3A_550 : memref<1x128xi32, #tpu.memory_space<vmem>> -> memref<128xi32, #tpu.memory_space<vmem>>
        %dma_start3A_552 = arith.constant 0 : i32
        %dma_start3A_553 = arith.constant 0 : i32
        %dma_start3A_554 = tpu.memref_slice %arg14[%dma_start3A_552, %dma_start3A_553] : memref<10000x64xf32, #tpu.memory_space<vmem_shared>> -> memref<10000x64xf32, #tpu.memory_space<vmem_shared>>
        tpu.enqueue_indirect_dma source(%arg10 : memref<128x64xf32, #tpu.memory_space<vmem>>) target(%dma_start3A_554 : memref<10000x64xf32, #tpu.memory_space<vmem_shared>>) offsets(%dma_start3A_551 : memref<128xi32, #tpu.memory_space<vmem>>) semaphore(%run_scoped3A_548 : memref<!tpu.dma_semaphore, #tpu.memory_space<semaphore_mem>>) {add = true}
        %dma_wait3A_555 = arith.constant 0 : i32
        %dma_wait3A_556 = tpu.memref_slice %arg8[%run_scoped3A_531, %dma_wait3A_555] : memref<32x128xi32, #tpu.memory_space<vmem>> -> memref<1x128xi32, #tpu.memory_space<vmem>>
        %dma_wait3A_557 = tpu.memref_squeeze %dma_wait3A_556 : memref<1x128xi32, #tpu.memory_space<vmem>> -> memref<128xi32, #tpu.memory_space<vmem>>
        %dma_wait3A_558 = arith.constant 0 : i32
        %dma_wait3A_559 = arith.constant 0 : i32
        %dma_wait3A_560 = tpu.memref_slice %arg14[%dma_wait3A_558, %dma_wait3A_559] : memref<10000x64xf32, #tpu.memory_space<vmem_shared>> -> memref<10000x64xf32, #tpu.memory_space<vmem_shared>>
        tpu.wait_indirect_dma semaphore(%run_scoped3A_548 : memref<!tpu.dma_semaphore, #tpu.memory_space<semaphore_mem>>) src(%arg10 : memref<128x64xf32, #tpu.memory_space<vmem>>) dst(%dma_wait3A_560 : memref<10000x64xf32, #tpu.memory_space<vmem_shared>>)
        tpu.yield
      }) : () -> ()
      %dma_wait3A_532 = arith.constant 30 : i32
      %dma_wait3A_533 = arith.constant 0 : i32
      %dma_wait3A_534 = tpu.memref_slice %arg7[%dma_wait3A_532, %dma_wait3A_533] : memref<32x128xi32, #tpu.memory_space<vmem>> -> memref<1x128xi32, #tpu.memory_space<vmem>>
      %dma_wait3A_535 = tpu.memref_squeeze %dma_wait3A_534 : memref<1x128xi32, #tpu.memory_space<vmem>> -> memref<128xi32, #tpu.memory_space<vmem>>
      %dma_wait3A_536 = arith.constant 0 : i32
      %dma_wait3A_537 = arith.constant 0 : i32
      %dma_wait3A_538 = tpu.memref_slice %arg13[%dma_wait3A_536, %dma_wait3A_537] : memref<10008x64xf32, #tpu.memory_space<vmem_shared>> -> memref<10008x64xf32, #tpu.memory_space<vmem_shared>>
      tpu.wait_indirect_dma semaphore(%arg17 : memref<!tpu.dma_semaphore, #tpu.memory_space<semaphore_mem>>) src(%dma_wait3A_538 : memref<10008x64xf32, #tpu.memory_space<vmem_shared>>) dst(%arg11 : memref<128x64xf32, #tpu.memory_space<vmem>>)
      %run_scoped3A_539 = arith.constant 30 : i32
      "tpu.region"() ({
        %run_scoped3A_548 = tpu.sem_alloc : memref<!tpu.dma_semaphore, #tpu.memory_space<semaphore_mem>>
        %dma_start3A_549 = arith.constant 0 : i32
        %dma_start3A_550 = tpu.memref_slice %arg8[%run_scoped3A_539, %dma_start3A_549] : memref<32x128xi32, #tpu.memory_space<vmem>> -> memref<1x128xi32, #tpu.memory_space<vmem>>
        %dma_start3A_551 = tpu.memref_squeeze %dma_start3A_550 : memref<1x128xi32, #tpu.memory_space<vmem>> -> memref<128xi32, #tpu.memory_space<vmem>>
        %dma_start3A_552 = arith.constant 0 : i32
        %dma_start3A_553 = arith.constant 0 : i32
        %dma_start3A_554 = tpu.memref_slice %arg14[%dma_start3A_552, %dma_start3A_553] : memref<10000x64xf32, #tpu.memory_space<vmem_shared>> -> memref<10000x64xf32, #tpu.memory_space<vmem_shared>>
        tpu.enqueue_indirect_dma source(%arg11 : memref<128x64xf32, #tpu.memory_space<vmem>>) target(%dma_start3A_554 : memref<10000x64xf32, #tpu.memory_space<vmem_shared>>) offsets(%dma_start3A_551 : memref<128xi32, #tpu.memory_space<vmem>>) semaphore(%run_scoped3A_548 : memref<!tpu.dma_semaphore, #tpu.memory_space<semaphore_mem>>) {add = true}
        %dma_wait3A_555 = arith.constant 0 : i32
        %dma_wait3A_556 = tpu.memref_slice %arg8[%run_scoped3A_539, %dma_wait3A_555] : memref<32x128xi32, #tpu.memory_space<vmem>> -> memref<1x128xi32, #tpu.memory_space<vmem>>
        %dma_wait3A_557 = tpu.memref_squeeze %dma_wait3A_556 : memref<1x128xi32, #tpu.memory_space<vmem>> -> memref<128xi32, #tpu.memory_space<vmem>>
        %dma_wait3A_558 = arith.constant 0 : i32
        %dma_wait3A_559 = arith.constant 0 : i32
        %dma_wait3A_560 = tpu.memref_slice %arg14[%dma_wait3A_558, %dma_wait3A_559] : memref<10000x64xf32, #tpu.memory_space<vmem_shared>> -> memref<10000x64xf32, #tpu.memory_space<vmem_shared>>
        tpu.wait_indirect_dma semaphore(%run_scoped3A_548 : memref<!tpu.dma_semaphore, #tpu.memory_space<semaphore_mem>>) src(%arg11 : memref<128x64xf32, #tpu.memory_space<vmem>>) dst(%dma_wait3A_560 : memref<10000x64xf32, #tpu.memory_space<vmem_shared>>)
        tpu.yield
      }) : () -> ()
      %dma_wait3A_540 = arith.constant 31 : i32
      %dma_wait3A_541 = arith.constant 0 : i32
      %dma_wait3A_542 = tpu.memref_slice %arg7[%dma_wait3A_540, %dma_wait3A_541] : memref<32x128xi32, #tpu.memory_space<vmem>> -> memref<1x128xi32, #tpu.memory_space<vmem>>
      %dma_wait3A_543 = tpu.memref_squeeze %dma_wait3A_542 : memref<1x128xi32, #tpu.memory_space<vmem>> -> memref<128xi32, #tpu.memory_space<vmem>>
      %dma_wait3A_544 = arith.constant 0 : i32
      %dma_wait3A_545 = arith.constant 0 : i32
      %dma_wait3A_546 = tpu.memref_slice %arg13[%dma_wait3A_544, %dma_wait3A_545] : memref<10008x64xf32, #tpu.memory_space<vmem_shared>> -> memref<10008x64xf32, #tpu.memory_space<vmem_shared>>
      tpu.wait_indirect_dma semaphore(%arg18 : memref<!tpu.dma_semaphore, #tpu.memory_space<semaphore_mem>>) src(%dma_wait3A_546 : memref<10008x64xf32, #tpu.memory_space<vmem_shared>>) dst(%arg12 : memref<128x64xf32, #tpu.memory_space<vmem>>)
      %run_scoped3A_547 = arith.constant 31 : i32
      "tpu.region"() ({
        %run_scoped3A_548 = tpu.sem_alloc : memref<!tpu.dma_semaphore, #tpu.memory_space<semaphore_mem>>
        %dma_start3A_549 = arith.constant 0 : i32
        %dma_start3A_550 = tpu.memref_slice %arg8[%run_scoped3A_547, %dma_start3A_549] : memref<32x128xi32, #tpu.memory_space<vmem>> -> memref<1x128xi32, #tpu.memory_space<vmem>>
        %dma_start3A_551 = tpu.memref_squeeze %dma_start3A_550 : memref<1x128xi32, #tpu.memory_space<vmem>> -> memref<128xi32, #tpu.memory_space<vmem>>
        %dma_start3A_552 = arith.constant 0 : i32
        %dma_start3A_553 = arith.constant 0 : i32
        %dma_start3A_554 = tpu.memref_slice %arg14[%dma_start3A_552, %dma_start3A_553] : memref<10000x64xf32, #tpu.memory_space<vmem_shared>> -> memref<10000x64xf32, #tpu.memory_space<vmem_shared>>
        tpu.enqueue_indirect_dma source(%arg12 : memref<128x64xf32, #tpu.memory_space<vmem>>) target(%dma_start3A_554 : memref<10000x64xf32, #tpu.memory_space<vmem_shared>>) offsets(%dma_start3A_551 : memref<128xi32, #tpu.memory_space<vmem>>) semaphore(%run_scoped3A_548 : memref<!tpu.dma_semaphore, #tpu.memory_space<semaphore_mem>>) {add = true}
        %dma_wait3A_555 = arith.constant 0 : i32
        %dma_wait3A_556 = tpu.memref_slice %arg8[%run_scoped3A_547, %dma_wait3A_555] : memref<32x128xi32, #tpu.memory_space<vmem>> -> memref<1x128xi32, #tpu.memory_space<vmem>>
        %dma_wait3A_557 = tpu.memref_squeeze %dma_wait3A_556 : memref<1x128xi32, #tpu.memory_space<vmem>> -> memref<128xi32, #tpu.memory_space<vmem>>
        %dma_wait3A_558 = arith.constant 0 : i32
        %dma_wait3A_559 = arith.constant 0 : i32
        %dma_wait3A_560 = tpu.memref_slice %arg14[%dma_wait3A_558, %dma_wait3A_559] : memref<10000x64xf32, #tpu.memory_space<vmem_shared>> -> memref<10000x64xf32, #tpu.memory_space<vmem_shared>>
        tpu.wait_indirect_dma semaphore(%run_scoped3A_548 : memref<!tpu.dma_semaphore, #tpu.memory_space<semaphore_mem>>) src(%arg12 : memref<128x64xf32, #tpu.memory_space<vmem>>) dst(%dma_wait3A_560 : memref<10000x64xf32, #tpu.memory_space<vmem_shared>>)
        tpu.yield
      }) : () -> ()
    }
    %scan3A_29 = arith.constant 5 : i32
    %barrier3A_30 = arith.constant 0 : index
    tpu.barrier barrier_id(%barrier3A_30)
    %mul3A_31 = arith.constant 624 : i32
    %mul3A_32 = arith.muli %arg1, %mul3A_31 : i32
    %mul3A_33 = arith.constant 624 : i32
    %mul3A_34 = arith.muli %arg1, %mul3A_33 : i32
    "tpu.region"() ({
      %run_scoped3A = tpu.sem_alloc : memref<!tpu.dma_semaphore, #tpu.memory_space<semaphore_mem>>
      %dma_start3A_40 = arith.constant 0 : i32
      %dma_start3A_41 = tpu.memref_slice %arg6[%arg0, %mul3A_34, %dma_start3A_40] : memref<2x10000x64xf32, #tpu.memory_space<hbm>> -> memref<1x624x64xf32, #tpu.memory_space<hbm>>
      %dma_start3A_42 = tpu.memref_squeeze %dma_start3A_41 : memref<1x624x64xf32, #tpu.memory_space<hbm>> -> memref<624x64xf32, #tpu.memory_space<hbm>>
      %dma_start3A_43 = arith.constant 0 : i32
      %dma_start3A_44 = tpu.memref_slice %arg14[%mul3A_32, %dma_start3A_43] : memref<10000x64xf32, #tpu.memory_space<vmem_shared>> -> memref<624x64xf32, #tpu.memory_space<vmem_shared>>
      tpu.enqueue_dma source(%dma_start3A_44 : memref<624x64xf32, #tpu.memory_space<vmem_shared>>) target(%dma_start3A_42 : memref<624x64xf32, #tpu.memory_space<hbm>>) target_semaphore(%run_scoped3A : memref<!tpu.dma_semaphore, #tpu.memory_space<semaphore_mem>>)
      %dma_wait3A_45 = arith.constant 0 : i32
      %dma_wait3A_46 = tpu.memref_slice %arg6[%arg0, %mul3A_34, %dma_wait3A_45] : memref<2x10000x64xf32, #tpu.memory_space<hbm>> -> memref<1x624x64xf32, #tpu.memory_space<hbm>>
      %dma_wait3A_47 = tpu.memref_squeeze %dma_wait3A_46 : memref<1x624x64xf32, #tpu.memory_space<hbm>> -> memref<624x64xf32, #tpu.memory_space<hbm>>
      %dma_wait3A_48 = arith.constant 0 : i32
      %dma_wait3A_49 = tpu.memref_slice %arg14[%mul3A_32, %dma_wait3A_48] : memref<10000x64xf32, #tpu.memory_space<vmem_shared>> -> memref<624x64xf32, #tpu.memory_space<vmem_shared>>
      tpu.wait_dma2 semaphore(%run_scoped3A : memref<!tpu.dma_semaphore, #tpu.memory_space<semaphore_mem>>) src(%dma_wait3A_49 : memref<624x64xf32, #tpu.memory_space<vmem_shared>>) dst(%dma_wait3A_47 : memref<624x64xf32, #tpu.memory_space<hbm>>)
      tpu.yield
    }) : () -> ()
    %eq3A_35 = arith.constant 0 : i32
    %eq3A_36 = arith.cmpi eq, %arg1, %eq3A_35 : i32
    %convert_element_type3A_37 = arith.extui %eq3A_36 : i1 to i32
    %cond3A_38 = arith.constant 0 : i32
    %cond3A_39 = arith.cmpi ne, %convert_element_type3A_37, %cond3A_38 : i32
    scf.if %cond3A_39 {
      "tpu.region"() ({
        %run_scoped3A = tpu.sem_alloc : memref<!tpu.dma_semaphore, #tpu.memory_space<semaphore_mem>>
        %dma_start3A_40 = arith.constant 9984 : i32
        %dma_start3A_41 = arith.constant 0 : i32
        %dma_start3A_42 = tpu.memref_slice %arg6[%arg0, %dma_start3A_40, %dma_start3A_41] : memref<2x10000x64xf32, #tpu.memory_space<hbm>> -> memref<1x16x64xf32, #tpu.memory_space<hbm>>
        %dma_start3A_43 = tpu.memref_squeeze %dma_start3A_42 : memref<1x16x64xf32, #tpu.memory_space<hbm>> -> memref<16x64xf32, #tpu.memory_space<hbm>>
        %dma_start3A_44 = arith.constant 9984 : i32
        %dma_start3A_45 = arith.constant 0 : i32
        %dma_start3A_46 = tpu.memref_slice %arg14[%dma_start3A_44, %dma_start3A_45] : memref<10000x64xf32, #tpu.memory_space<vmem_shared>> -> memref<16x64xf32, #tpu.memory_space<vmem_shared>>
        tpu.enqueue_dma source(%dma_start3A_46 : memref<16x64xf32, #tpu.memory_space<vmem_shared>>) target(%dma_start3A_43 : memref<16x64xf32, #tpu.memory_space<hbm>>) target_semaphore(%run_scoped3A : memref<!tpu.dma_semaphore, #tpu.memory_space<semaphore_mem>>)
        %dma_wait3A_47 = arith.constant 9984 : i32
        %dma_wait3A_48 = arith.constant 0 : i32
        %dma_wait3A_49 = tpu.memref_slice %arg6[%arg0, %dma_wait3A_47, %dma_wait3A_48] : memref<2x10000x64xf32, #tpu.memory_space<hbm>> -> memref<1x16x64xf32, #tpu.memory_space<hbm>>
        %dma_wait3A_50 = tpu.memref_squeeze %dma_wait3A_49 : memref<1x16x64xf32, #tpu.memory_space<hbm>> -> memref<16x64xf32, #tpu.memory_space<hbm>>
        %dma_wait3A_51 = arith.constant 9984 : i32
        %dma_wait3A_52 = arith.constant 0 : i32
        %dma_wait3A_53 = tpu.memref_slice %arg14[%dma_wait3A_51, %dma_wait3A_52] : memref<10000x64xf32, #tpu.memory_space<vmem_shared>> -> memref<16x64xf32, #tpu.memory_space<vmem_shared>>
        tpu.wait_dma2 semaphore(%run_scoped3A : memref<!tpu.dma_semaphore, #tpu.memory_space<semaphore_mem>>) src(%dma_wait3A_53 : memref<16x64xf32, #tpu.memory_space<vmem_shared>>) dst(%dma_wait3A_50 : memref<16x64xf32, #tpu.memory_space<hbm>>)
        tpu.yield
      }) : () -> ()
    } else {
    }
    return
  }
}

module attributes {stable_mosaic.version = 14 : i64} {
  func.func @_scale_body(%arg0: memref<10000x128xf32, #tpu.memory_space<vmem>>, %arg1: memref<128x128xf32, #tpu.memory_space<vmem>>, %arg2: memref<2x10240x1xf32, #tpu.memory_space<vmem>>, %arg3: memref<2x10008x64xf32, #tpu.memory_space<vmem>>, %arg4: memref<10000x1xf32, #tpu.memory_space<vmem>>) attributes {dimension_semantics = [], scalar_prefetch = 0 : i64, scratch_operands = 0 : i64, tpu.core_type = #tpu.core_type<tc>} {
    %get3A = arith.constant 0 : index
    %get3A_0 = arith.constant 0 : index
    %get3A_1 = arith.constant 0 : index
    %get3A_2 = vector.load %arg2[%get3A, %get3A_0, %get3A_1] : memref<2x10240x1xf32, #tpu.memory_space<vmem>>, vector<1x10000x1xf32>
    %get3A_3 = vector.shape_cast %get3A_2 : vector<1x10000x1xf32> to vector<10000x1xf32>
    %get3A_4 = arith.constant 1 : index
    %get3A_5 = arith.constant 0 : index
    %get3A_6 = arith.constant 0 : index
    %get3A_7 = vector.load %arg2[%get3A_4, %get3A_5, %get3A_6] : memref<2x10240x1xf32, #tpu.memory_space<vmem>>, vector<1x10000x1xf32>
    %get3A_8 = vector.shape_cast %get3A_7 : vector<1x10000x1xf32> to vector<10000x1xf32>
    %add3A = arith.addf %get3A_3, %get3A_8 : vector<10000x1xf32>
    %add3A_9 = arith.constant 1.000000e+00 : f32
    %add3A_10 = vector.broadcast %add3A_9 : f32 to vector<10000x1xf32>
    %add3A_11 = arith.addf %add3A, %add3A_10 : vector<10000x1xf32>
    %rsqrt3A = math.rsqrt %add3A_11 : vector<10000x1xf32>
    %get3A_12 = arith.constant 0 : index
    %get3A_13 = arith.constant 0 : index
    %get3A_14 = vector.load %arg0[%get3A_12, %get3A_13] : memref<10000x128xf32, #tpu.memory_space<vmem>>, vector<10000x128xf32>
    %get3A_15 = arith.constant 0 : index
    %get3A_16 = arith.constant 0 : index
    %get3A_17 = vector.load %arg1[%get3A_15, %get3A_16] : memref<128x128xf32, #tpu.memory_space<vmem>>, vector<128x128xf32>
    %dot_general3A = arith.constant dense<0.000000e+00> : vector<10000x128xf32>
    %dot_general3A_18 = tpu.matmul %get3A_14, %get3A_17, %dot_general3A {dimension_numbers = #tpu.dot_dimension_numbers<[1], [0], [0], [1], [0, 0, 1, 1], [], []>, transpose_lhs_hint = false} : vector<10000x128xf32>, vector<128x128xf32>, vector<10000x128xf32> -> vector<10000x128xf32>
    %mul3A = vector.broadcast %rsqrt3A : vector<10000x1xf32> to vector<10000x128xf32>
    %mul3A_19 = arith.mulf %dot_general3A_18, %mul3A : vector<10000x128xf32>
    %slice3A = vector.extract_strided_slice %mul3A_19 {offsets = [0, 0], sizes = [10000, 64], strides = [1, 1]} : vector<10000x128xf32> to vector<10000x64xf32>
    %swap3A = arith.constant 0 : index
    %swap3A_20 = arith.constant 0 : index
    %swap3A_21 = arith.constant 0 : index
    %swap3A_22 = vector.load %arg3[%swap3A, %swap3A_20, %swap3A_21] : memref<2x10008x64xf32, #tpu.memory_space<vmem>>, vector<1x10000x64xf32>
    %swap3A_23 = vector.shape_cast %swap3A_22 : vector<1x10000x64xf32> to vector<10000x64xf32>
    %swap3A_24 = vector.shape_cast %slice3A : vector<10000x64xf32> to vector<1x10000x64xf32>
    tpu.vector_store %arg3[%swap3A, %swap3A_20, %swap3A_21], %swap3A_24 {strides = array<i32>} : memref<2x10008x64xf32, #tpu.memory_space<vmem>>, vector<1x10000x64xf32>,
    %broadcast_in_dim3A = arith.constant 0.000000e+00 : f32
    %broadcast_in_dim3A_25 = vector.broadcast %broadcast_in_dim3A : f32 to vector<8x64xf32>
    %swap3A_26 = arith.constant 0 : index
    %swap3A_27 = arith.constant 10000 : index
    %swap3A_28 = arith.constant 0 : index
    %swap3A_29 = vector.load %arg3[%swap3A_26, %swap3A_27, %swap3A_28] : memref<2x10008x64xf32, #tpu.memory_space<vmem>>, vector<1x8x64xf32>
    %swap3A_30 = vector.shape_cast %swap3A_29 : vector<1x8x64xf32> to vector<8x64xf32>
    %swap3A_31 = vector.shape_cast %broadcast_in_dim3A_25 : vector<8x64xf32> to vector<1x8x64xf32>
    tpu.vector_store %arg3[%swap3A_26, %swap3A_27, %swap3A_28], %swap3A_31 {strides = array<i32>} : memref<2x10008x64xf32, #tpu.memory_space<vmem>>, vector<1x8x64xf32>,
    %slice3A_32 = vector.extract_strided_slice %mul3A_19 {offsets = [0, 64], sizes = [10000, 64], strides = [1, 1]} : vector<10000x128xf32> to vector<10000x64xf32>
    %swap3A_33 = arith.constant 1 : index
    %swap3A_34 = arith.constant 0 : index
    %swap3A_35 = arith.constant 0 : index
    %swap3A_36 = vector.load %arg3[%swap3A_33, %swap3A_34, %swap3A_35] : memref<2x10008x64xf32, #tpu.memory_space<vmem>>, vector<1x10000x64xf32>
    %swap3A_37 = vector.shape_cast %swap3A_36 : vector<1x10000x64xf32> to vector<10000x64xf32>
    %swap3A_38 = vector.shape_cast %slice3A_32 : vector<10000x64xf32> to vector<1x10000x64xf32>
    tpu.vector_store %arg3[%swap3A_33, %swap3A_34, %swap3A_35], %swap3A_38 {strides = array<i32>} : memref<2x10008x64xf32, #tpu.memory_space<vmem>>, vector<1x10000x64xf32>,
    %broadcast_in_dim3A_39 = arith.constant 0.000000e+00 : f32
    %broadcast_in_dim3A_40 = vector.broadcast %broadcast_in_dim3A_39 : f32 to vector<8x64xf32>
    %swap3A_41 = arith.constant 1 : index
    %swap3A_42 = arith.constant 10000 : index
    %swap3A_43 = arith.constant 0 : index
    %swap3A_44 = vector.load %arg3[%swap3A_41, %swap3A_42, %swap3A_43] : memref<2x10008x64xf32, #tpu.memory_space<vmem>>, vector<1x8x64xf32>
    %swap3A_45 = vector.shape_cast %swap3A_44 : vector<1x8x64xf32> to vector<8x64xf32>
    %swap3A_46 = vector.shape_cast %broadcast_in_dim3A_40 : vector<8x64xf32> to vector<1x8x64xf32>
    tpu.vector_store %arg3[%swap3A_41, %swap3A_42, %swap3A_43], %swap3A_46 {strides = array<i32>} : memref<2x10008x64xf32, #tpu.memory_space<vmem>>, vector<1x8x64xf32>,
    %swap3A_47 = arith.constant 0 : index
    %swap3A_48 = arith.constant 0 : index
    %swap3A_49 = vector.load %arg4[%swap3A_47, %swap3A_48] : memref<10000x1xf32, #tpu.memory_space<vmem>>, vector<10000x1xf32>
    tpu.vector_store %arg4[%swap3A_47, %swap3A_48], %rsqrt3A {strides = array<i32>} : memref<10000x1xf32, #tpu.memory_space<vmem>>, vector<10000x1xf32>,
    return
  }
}

module attributes {stable_mosaic.version = 14 : i64} {
  func.func @_post_body(%arg0: memref<2x10000x64xf32, #tpu.memory_space<vmem>>, %arg1: memref<2x10008x64xf32, #tpu.memory_space<vmem>>, %arg2: memref<10000x1xf32, #tpu.memory_space<vmem>>, %arg3: memref<10000x128xf32, #tpu.memory_space<vmem>>, %arg4: memref<1x128xf32, #tpu.memory_space<vmem>>, %arg5: memref<1x128xf32, #tpu.memory_space<vmem>>, %arg6: memref<1x128xf32, #tpu.memory_space<vmem>>, %arg7: memref<10000x128xf32, #tpu.memory_space<vmem>>) attributes {dimension_semantics = [], scalar_prefetch = 0 : i64, scratch_operands = 0 : i64, tpu.core_type = #tpu.core_type<tc>} {
    %get3A = arith.constant 0 : index
    %get3A_0 = arith.constant 0 : index
    %get3A_1 = arith.constant 0 : index
    %get3A_2 = vector.load %arg0[%get3A, %get3A_0, %get3A_1] : memref<2x10000x64xf32, #tpu.memory_space<vmem>>, vector<1x10000x64xf32>
    %get3A_3 = vector.shape_cast %get3A_2 : vector<1x10000x64xf32> to vector<10000x64xf32>
    %get3A_4 = arith.constant 0 : index
    %get3A_5 = arith.constant 0 : index
    %get3A_6 = arith.constant 0 : index
    %get3A_7 = vector.load %arg1[%get3A_4, %get3A_5, %get3A_6] : memref<2x10008x64xf32, #tpu.memory_space<vmem>>, vector<1x10000x64xf32>
    %get3A_8 = vector.shape_cast %get3A_7 : vector<1x10000x64xf32> to vector<10000x64xf32>
    %add3A = arith.addf %get3A_3, %get3A_8 : vector<10000x64xf32>
    %get3A_9 = arith.constant 1 : index
    %get3A_10 = arith.constant 0 : index
    %get3A_11 = arith.constant 0 : index
    %get3A_12 = vector.load %arg0[%get3A_9, %get3A_10, %get3A_11] : memref<2x10000x64xf32, #tpu.memory_space<vmem>>, vector<1x10000x64xf32>
    %get3A_13 = vector.shape_cast %get3A_12 : vector<1x10000x64xf32> to vector<10000x64xf32>
    %get3A_14 = arith.constant 1 : index
    %get3A_15 = arith.constant 0 : index
    %get3A_16 = arith.constant 0 : index
    %get3A_17 = vector.load %arg1[%get3A_14, %get3A_15, %get3A_16] : memref<2x10008x64xf32, #tpu.memory_space<vmem>>, vector<1x10000x64xf32>
    %get3A_18 = vector.shape_cast %get3A_17 : vector<1x10000x64xf32> to vector<10000x64xf32>
    %add3A_19 = arith.addf %get3A_13, %get3A_18 : vector<10000x64xf32>
    %concatenate3A = tpu.concatenate %add3A, %add3A_19 in 1 : vector<10000x64xf32>, vector<10000x64xf32> -> vector<10000x128xf32>
    %get3A_20 = arith.constant 0 : index
    %get3A_21 = arith.constant 0 : index
    %get3A_22 = vector.load %arg2[%get3A_20, %get3A_21] : memref<10000x1xf32, #tpu.memory_space<vmem>>, vector<10000x1xf32>
    %mul3A = vector.broadcast %get3A_22 : vector<10000x1xf32> to vector<10000x128xf32>
    %mul3A_23 = arith.mulf %concatenate3A, %mul3A : vector<10000x128xf32>
    %get3A_24 = arith.constant 0 : index
    %get3A_25 = arith.constant 0 : index
    %get3A_26 = vector.load %arg4[%get3A_24, %get3A_25] : memref<1x128xf32, #tpu.memory_space<vmem>>, vector<1x128xf32>
    %add3A_27 = vector.broadcast %get3A_26 : vector<1x128xf32> to vector<10000x128xf32>
    %add3A_28 = arith.addf %mul3A_23, %add3A_27 : vector<10000x128xf32>
    %reduce_sum3A = arith.constant dense<0.000000e+00> : vector<128xf32>
    %reduce_sum3A_29 = vector.multi_reduction <add>, %add3A_28, %reduce_sum3A [0] : vector<10000x128xf32> to vector<128xf32>
    %broadcast_in_dim3A = vector.shape_cast %reduce_sum3A_29 : vector<128xf32> to vector<1x128xf32>
    %div3A = arith.constant 1.000000e+04 : f32
    %div3A_30 = vector.broadcast %div3A : f32 to vector<1x128xf32>
    %div3A_31 = arith.divf %broadcast_in_dim3A, %div3A_30 : vector<1x128xf32>
    %sub3A = vector.broadcast %div3A_31 : vector<1x128xf32> to vector<10000x128xf32>
    %sub3A_32 = arith.subf %add3A_28, %sub3A : vector<10000x128xf32>
    %mul3A_33 = arith.mulf %sub3A_32, %sub3A_32 : vector<10000x128xf32>
    %reduce_sum3A_34 = arith.constant dense<0.000000e+00> : vector<128xf32>
    %reduce_sum3A_35 = vector.multi_reduction <add>, %mul3A_33, %reduce_sum3A_34 [0] : vector<10000x128xf32> to vector<128xf32>
    %broadcast_in_dim3A_36 = vector.shape_cast %reduce_sum3A_35 : vector<128xf32> to vector<1x128xf32>
    %div3A_37 = arith.constant 1.000000e+04 : f32
    %div3A_38 = vector.broadcast %div3A_37 : f32 to vector<1x128xf32>
    %div3A_39 = arith.divf %broadcast_in_dim3A_36, %div3A_38 : vector<1x128xf32>
    %add3A_40 = arith.constant 9.99999974E-6 : f32
    %add3A_41 = vector.broadcast %add3A_40 : f32 to vector<1x128xf32>
    %add3A_42 = arith.addf %div3A_39, %add3A_41 : vector<1x128xf32>
    %rsqrt3A = math.rsqrt %add3A_42 : vector<1x128xf32>
    %mul3A_43 = vector.broadcast %rsqrt3A : vector<1x128xf32> to vector<10000x128xf32>
    %mul3A_44 = arith.mulf %sub3A_32, %mul3A_43 : vector<10000x128xf32>
    %get3A_45 = arith.constant 0 : index
    %get3A_46 = arith.constant 0 : index
    %get3A_47 = vector.load %arg5[%get3A_45, %get3A_46] : memref<1x128xf32, #tpu.memory_space<vmem>>, vector<1x128xf32>
    %mul3A_48 = vector.broadcast %get3A_47 : vector<1x128xf32> to vector<10000x128xf32>
    %mul3A_49 = arith.mulf %mul3A_44, %mul3A_48 : vector<10000x128xf32>
    %get3A_50 = arith.constant 0 : index
    %get3A_51 = arith.constant 0 : index
    %get3A_52 = vector.load %arg6[%get3A_50, %get3A_51] : memref<1x128xf32, #tpu.memory_space<vmem>>, vector<1x128xf32>
    %add3A_53 = vector.broadcast %get3A_52 : vector<1x128xf32> to vector<10000x128xf32>
    %add3A_54 = arith.addf %mul3A_49, %add3A_53 : vector<10000x128xf32>
    %mul3A_55 = arith.constant 5.000000e-01 : f32
    %mul3A_56 = vector.broadcast %mul3A_55 : f32 to vector<10000x128xf32>
    %mul3A_57 = arith.mulf %mul3A_56, %add3A_54 : vector<10000x128xf32>
    %mul3A_58 = arith.constant 0.707106769 : f32
    %mul3A_59 = vector.broadcast %mul3A_58 : f32 to vector<10000x128xf32>
    %mul3A_60 = arith.mulf %add3A_54, %mul3A_59 : vector<10000x128xf32>
    %erf3A = math.erf %mul3A_60 : vector<10000x128xf32>
    %add3A_61 = arith.constant 1.000000e+00 : f32
    %add3A_62 = vector.broadcast %add3A_61 : f32 to vector<10000x128xf32>
    %add3A_63 = arith.addf %add3A_62, %erf3A : vector<10000x128xf32>
    %mul3A_64 = arith.mulf %mul3A_57, %add3A_63 : vector<10000x128xf32>
    %get3A_65 = arith.constant 0 : index
    %get3A_66 = arith.constant 0 : index
    %get3A_67 = vector.load %arg3[%get3A_65, %get3A_66] : memref<10000x128xf32, #tpu.memory_space<vmem>>, vector<10000x128xf32>
    %add3A_68 = arith.addf %mul3A_64, %get3A_67 : vector<10000x128xf32>
    %swap3A = arith.constant 0 : index
    %swap3A_69 = arith.constant 0 : index
    %swap3A_70 = vector.load %arg7[%swap3A, %swap3A_69] : memref<10000x128xf32, #tpu.memory_space<vmem>>, vector<10000x128xf32>
    tpu.vector_store %arg7[%swap3A, %swap3A_69], %add3A_68 {strides = array<i32>} : memref<10000x128xf32, #tpu.memory_space<vmem>>, vector<10000x128xf32>,
    return
  }
}

</mosaic_0001>

<sc_bundles>
// kernel: kernel.6.cloned.1.call-start
scs
__scs_entry_jumppad:
0x0: {  	(pc) =	sbr.rel $0x88, $3  }
0x1: {  	(tag) =	ssettag $0x0;
	lr =	simm.s32 $0x1  }
0x2: {  	[smem:$0x3F9B] =	sst lr;
	_ =	strace $0xD0000000  }
0x3: {  	_ = 	snop  }
0x4: {  	_ = 	snop  }
0x5: {  	_ = 	snop  }
0x6: {  	_ = 	snop  }
0x7: {  	_ = 	snop  }
__scs_overlays_trampoline_lowered:
0x8: {  	[smem:$0x3FAA] =	sst s0  }
0x9: {  	[smem:$0x3FAB] =	sst s1  }
0xa: {  	[smem:$0x3FAC] =	sst s2  }
0xb: {  	[smem:$0x3FAD] =	sst s3  }
0xc: {  	[smem:$0x3FAE] =	sst s4  }
0xd: {  	[smem:$0x3FAF] =	sst s5  }
0xe: {  	[smem:$0x3FB0] =	sst s6  }
0xf: {  	[smem:$0x3FB1] =	sst s7  }
0x10: {  	[smem:$0x3FB2] =	sst s8  }
0x11: {  	[smem:$0x3FB3] =	sst s9;
	s0 =	simm.s32 @!p0 $0x0  }
0x12: {  	s1 =	sld [smem:$0x3F99];
	s0 =	simm.s32 @p0 $0x1  }
0x13: {  	[smem:$0x3FB4] =	sst s0;
	s0 =	simm.s32 @!p1 $0x0  }
0x14: {  	s2 =	sld [smem:$0x3F98];
	s0 =	simm.s32 @p1 $0x1  }
0x15: {  	[smem:$0x3FB5] =	sst s0;
	s0 =	simm.s32 @!p2 $0x0  }
0x16: {  	s3 =	sld [smem:$0x3FDB];
	s0 =	simm.s32 @p2 $0x1  }
0x17: {  	s4 =	simm.s32 $0x1BF5;
	[smem:$0x3FB7] =	sst s0  }
0x18: {  	s0 =	sld [smem:$0x3F9A];
	_ =	swait.ge [sflag:s4], $0x0  }
0x19: {  	s7 =	sld [smem:$0x3F9B]  }
0x1a: {  	s8 =	sadd.s32 $0xFFFFE003, lr  }
0x1b: {  	s9 =	sadd.s32 $0xFFFFFEF7, lr;
	s5 =	simm.s32 $0xFFFFFFFF;
	p2 =	slt.u32 s8, $0xFFFFF086  }
0x1c: {  	p1 =	slt.u32 s9, $0xF7A;
	s5 =	simm.s32 @!p2 $0x0  }
0x1d: {  	s5 =	simm.s32 @p1 $0x1;
	p0 =	seq.s32 s7, s2  }
0x1e: {  	s7 =	smul.u32 @!p0 $0xF7A, s2;
	p2 =	seq.s32 @!p0 s5, $0x0  }
0x1f: {  	s9 =	smul.u32 $0xF7A, s1;
	s8 =	simm.s32 @!p0 $0x1BF5;
	p2 =	por !p2, p0  }
0x20: {  	[sflag:s8] =	ssyncset.s32 @!p0 $0xFFFFF086;
	s6 =	sadd.s32 @!p0 s3, s7;
	s7 =	simm.s32 @!p0 $0x108  }
0x21: {  	s3 =	sadd.s32 s3, s9;
	s6 =	sadd.s32 @!p0 $0x88, s6;
	s7 =	simm.s32 @p2 $0x1082  }
0x22: {  	[simem:s7], [sflag:s8] =	dma.local @!p0 [hbm:s6], $0xF7A  }
0x23: {  	s9 =	sor.u32 $0xD0000000, s2;
	s6 =	simm.s32 $0x108;
	_ =	swait.ge @!p0 [sflag:s8], $0x0  }
0x24: {  	s3 =	sadd.s32 $0x88, s3;
	s6 =	simm.s32 @!p1 $0x1082;
	[sflag:s4] =	ssyncset.s32 $0xFFFFF086  }
0x25: {  	[simem:s6], [sflag:s4] =	dma.local [hbm:s3], $0xF7A  }
0x26: {  	[smem:$0x3F9B] =	sst s1;
	(tag) =	ssettag s2;
	_ =	strace s9  }
0x27: {  	s1 =	sld [smem:$0x3FAB]  }
0x28: {  	s2 =	sld [smem:$0x3FAC]  }
0x29: {  	s4 =	sld [smem:$0x3FAE]  }
0x2a: {  	p0 =	seq.s32 s5, $0x0;
	s5 =	sld [smem:$0x3FAF]  }
0x2b: {  	s6 =	sld [smem:$0x3FB0]  }
0x2c: {  	s7 =	sld [smem:$0x3FB1]  }
0x2d: {  	s3 =	simm.s32 $0x108;
	s8 =	sld [smem:$0x3FB2]  }
0x2e: {  	s3 =	simm.s32 @!p0 $0x1082;
	s9 =	sld [smem:$0x3FB3]  }
0x2f: {  	lr =	sadd.s32 s0, s3;
	s0 =	sld [smem:$0x3FAA]  }
0x30: {  	s3 =	sld [smem:$0x3FAD]  }
0x31: {  	[smem:$0x3FB6] =	sst s10  }
0x32: {  	s10 =	sld [smem:$0x3FB4];
	_ =	sdelay $0x3  }
0x33: {  	p0 =	seq.s32 s10, $0x1;
	s10 =	sld [smem:$0x3FB6];
	_ =	sdelay $0x3  }
0x34: {  	[smem:$0x3FB6] =	sst s10  }
0x35: {  	s10 =	sld [smem:$0x3FB5];
	_ =	sdelay $0x3  }
0x36: {  	p1 =	seq.s32 s10, $0x1;
	s10 =	sld [smem:$0x3FB6];
	_ =	sdelay $0x3  }
0x37: {  	[smem:$0x3FB6] =	sst s10  }
0x38: {  	s10 =	sld [smem:$0x3FB7]  }
0x39: {  	_ = 	snop;
	(pc) =	sbr.ind lr, $3  }
0x3a: {  	_ = 	snop  }
0x3b: {  	_ = 	snop  }
0x3c: {  	p2 =	seq.s32 s10, $0x1;
	s10 =	sld [smem:$0x3FB6]  }
0x3d: {  	_ =	shalt  }
0x3e: {  	_ =	shalt  }
0x3f: {  	_ =	shalt  }
0x40: {  	_ =	shalt  }
0x41: {  	_ =	shalt  }
0x42: {  	_ =	shalt  }
0x43: {  	_ =	shalt  }
0x44: {  	_ =	shalt  }
0x45: {  	_ =	shalt  }
0x46: {  	_ =	shalt  }
0x47: {  	_ =	shalt  }
0x48: {  	_ =	shalt  }
0x49: {  	_ =	shalt  }
0x4a: {  	_ =	shalt  }
0x4b: {  	_ =	shalt  }
0x4c: {  	_ =	shalt  }
0x4d: {  	_ =	shalt  }
0x4e: {  	_ =	shalt  }
0x4f: {  	_ =	shalt  }
0x50: {  	_ =	shalt  }
0x51: {  	_ =	shalt  }
0x52: {  	_ =	shalt  }
0x53: {  	_ =	shalt  }
0x54: {  	_ =	shalt  }
0x55: {  	_ =	shalt  }
0x56: {  	_ =	shalt  }
0x57: {  	_ =	shalt  }
0x58: {  	_ =	shalt  }
0x59: {  	_ =	shalt  }
0x5a: {  	_ =	shalt  }
0x5b: {  	_ =	shalt  }
0x5c: {  	_ =	shalt  }
0x5d: {  	_ =	shalt  }
0x5e: {  	_ =	shalt  }
0x5f: {  	_ =	shalt  }
0x60: {  	_ =	shalt  }
0x61: {  	_ =	shalt  }
0x62: {  	_ =	shalt  }
0x63: {  	_ =	shalt  }
0x64: {  	_ =	shalt  }
0x65: {  	_ =	shalt  }
0x66: {  	_ =	shalt  }
0x67: {  	_ =	shalt  }
0x68: {  	_ =	shalt  }
0x69: {  	_ =	shalt  }
0x6a: {  	_ =	shalt  }
0x6b: {  	_ =	shalt  }
0x6c: {  	_ =	shalt  }
0x6d: {  	_ =	shalt  }
0x6e: {  	_ =	shalt  }
0x6f: {  	_ =	shalt  }
0x70: {  	_ =	shalt  }
0x71: {  	_ =	shalt  }
0x72: {  	_ =	shalt  }
0x73: {  	_ =	shalt  }
0x74: {  	_ =	shalt  }
0x75: {  	_ =	shalt  }
0x76: {  	_ =	shalt  }
0x77: {  	_ =	shalt  }
0x78: {  	_ =	shalt  }
0x79: {  	_ =	shalt  }
0x7a: {  	_ =	shalt  }
0x7b: {  	_ =	shalt  }
0x7c: {  	_ =	shalt  }
0x7d: {  	_ =	shalt  }
0x7e: {  	_ =	shalt  }
0x7f: {  	_ =	shalt  }
0x80: {  	_ =	shalt  }
0x81: {  	_ =	shalt  }
0x82: {  	_ =	shalt  }
0x83: {  	_ =	shalt  }
0x84: {  	_ =	shalt  }
0x85: {  	_ =	shalt  }
0x86: {  	_ =	shalt  }
0x87: {  	_ =	shalt  }
.Lfunc_end0:
.L_simem_size_0:
called_computation_lowered:
.L_overlay_start_0:
0x88: {  	s2 =	sld [smem:$0x3FD9]  }
0x89: {  	s3 =	sld [smem:$0x3FFE];
	_ =	sdelay $0x1  }
0x8a: {  	s1 =	srdreg.scid  }
0x8b: {  	s0 =	sand.u32 $0x1, s1  }
0x8c: {  	s17 =	sshll.u32 s0, $0xA;
	s2 =	sadd.s32 s3, s2  }
0x8d: {  	s2 =	sadd.s32 s2, s17  }
0x8e: {  	[smem:$0x3FC2] =	sst s2  }
0x8f: {  	_ = 	snop  }
0x90: {  	s2 =	sld [smem:$0x3FD0];
	(tm) =	ssettm $0x1  }
0x91: {  	s18 =	sld [smem:$0x3FFB];
	_ =	sdelay $0x3  }
0x92: {  	_ =	strace s18  }
0x93: {  	s3 =	sld [smem:$0x3FFC];
	_ =	sdelay $0x3  }
0x94: {  	_ =	strace s3  }
0x95: {  	s3 =	sld [smem:$0x3FFD];
	_ =	sdelay $0x3  }
0x96: {  	_ =	strace s3  }
0x97: {  	_ =	strace $0x8FFFFFFF  }
0x98: {  	s19 =	sld [smem:$0x3FDB];
	_ =	sdelay $0x1  }
0x99: {  	s4 =	simm.s32 $_scs_section_size  }
0x9a: {  	s5 =	simm.s32 $_size__tile_overlayer_lowered;
	s6 =	simm.s32 $_tile_overlayer_lowered  }
0x9b: {  	s22 =	simm.s32 $0x1BFF;
	s21 =	sshll.u32 s6, $0x1;
	s3 =	sadd.s32 s4, s19  }
0x9c: {  	s7 =	simm.s32 $0x0;
	s20 =	sshll.u32 s5, $0x1;
	s5 =	sadd.s32 s21, s3  }
0x9d: {  	[timem:s7], [sflag:s22] =	dma.local [hbm:s5], s20  }
0x9e: {  	_ =	swait.ge [sflag:s22], s20  }
0x9f: {  	s4 =	ssub.s32 $0x0, s20;
	[sflag:s22] =	ssyncset.done $0x0  }
0xa0: {  	[sflag:s22] =	ssyncadd.s32 s4;
	_ =	sdelay $0x1  }
0xa1: {  	s23 =	simm.s32 $0x1B8B  }
0xa2: {  	_ =	swait.ge [sflag:s23], $0x1  }
0xa3: {  	[sflag:s23] =	ssyncset.done $0x0  }
0xa4: {  	s25 =	simm.s32 $0x1B8E;
	s24 =	sld [smem:$0x3FFE];
	[sflag:s23] =	ssyncadd.s32 $0xFFFFFFFF  }
0xa5: {  	s26 =	simm.s32 $execute0_lowered;
	[smem:$0x3FD2] =	sst s25  }
0xa6: {  	s5 =	sshll.u32 s26, $0x1;
	_ =	strace $0x80000046;
	[dreg:$0x1] =	wrdreg $0xFFFFFFFF  }
0xa7: {  	s28 =	simm.s32 $_size_execute0_lowered;
	s3 =	sadd.s32 s3, s5;
	[dreg:$0x0] =	wrdreg $0x0  }
0xa8: {  	s5 =	sshll.u32 s28, $0x1;
	[dreg:$0x2] =	wrdreg s3  }
0xa9: {  	[dreg:$0x3] =	wrdreg s5  }
0xaa: {  	[dreg:$0x4] =	wrdreg $0xC0  }
0xab: {  	_ =	task [dreg:s7], $0x5FFFF  }
0xac: {  	[dreg:$0x1] =	wrdreg $0xFFFFFFFF  }
0xad: {  	[dreg:$0x0] =	wrdreg $0x60  }
0xae: {  	[dreg:$0x2] =	wrdreg s2  }
0xaf: {  	[dreg:$0x3] =	wrdreg s24  }
0xb0: {  	[dreg:$0x4] =	wrdreg $0x28800  }
0xb1: {  	[dreg:$0x5] =	wrdreg $0x9  }
0xb2: {  	_ =	task.clear_ibuf [dreg:s7], $0x6FFFF;
	_ =	strace $0x90000046  }
0xb3: {  	s29 =	simm.s32 $0x9;
	_ =	strace $0x80000048  }
0xb4: {  	_ =	swait.ge [sflag:s29], $0x1  }
0xb5: {  	[sflag:s29] =	ssyncadd.s32 $0xFFFFFFFF  }
0xb6: {  	_ =	strace $0x90000048  }
0xb7: {  	_ =	sfence  }
0xb8: {  	s30 =	sld [smem:$0x0];
	_ =	sdelay $0x2  }
0xb9: {  	s31 =	sshll.u32 s1, $0xD;
	s1 =	sshrl.u32 s1, $0x2  }
0xba: {  	s3 =	sand.u32 $0x4000, s31;
	s1 =	sadd.s32 s1, s30  }
0xbb: {  	s0 =	sor.u32 s3, s0;
	s1 =	sshll.u32 s1, $0x11  }
0xbc: {  	s0 =	sor.u32 s1, s0  }
0xbd: {  	s0 =	sadd.s32 $0x8F2B, s0  }
0xbe: {  	[sflag:s0] =	ssyncadd.remote.s32 $0x1  }
0xbf: {  	_ =	sfence.sel $0xFFFF  }
0xc0: {  	[dreg:$0x0] =	wrdreg $0xFFFFFFFF;
	(pc) =	sbr.abs _section_cstart, $3  }
0xc1: {  	[dreg:$0x1] =	wrdreg $0xFFFFFFFF  }
0xc2: {  	_ =	task.clear_ibuf [dreg:s7], $0x2FFFF;
	_ =	strace $0x9FFFFFFF  }
0xc3: {  	(tm) =	ssettm $0x7FFFFFFF  }
tec
execute0_lowered:
.L_overlay_start_1:
0x0: {  	(tag) =	ssettag $0x1  }
0x1: {  	s5 =	rddreg [dreg:$0x0]  }
0x2: {  	s6 =	rddreg [dreg:$0x1]  }
0x3: {  	s2 =	rddreg [dreg:$0x2]  }
0x4: {  	s0 =	rddreg [dreg:$0x3];
	s3 =	simm.s32 $0x0;
	s1 =	stileid.u32  }
0x5: {  	s4 =	srdreg.scid;
	s13 =	simm.s32 $0x80;
	s14 =	simm.s32 $0x0  }
0x6: {  	[smem:$0x7FF] =	sst s3;
	s7 =	smul.u32 $0x280, s1;
	s8 =	sand.u32 $0x1, s4  }
0x7: {  	s4 =	sadd.s32 $0x2400, s6;
	s31 =	sshll.u32 s1, $0x6;
	_ =	strace $0x80000047  }
0x8: {  	s9 =	smul.u32 $0x2800, s8;
	s11 =	sshll.u32 s8, $0x4;
	s8 =	ssub.s32 $0x2, s8  }
0x9: {  	s10 =	sshrl.u32 s7, $0x3;
	s11 =	sor.u32 s1, s11;
	s12 =	sshrl.u32 s8, $0x1  }
0xa: {  	s30 =	sadd.s32 s7, s2;
	s9 =	sadd.s32 s7, s9;
	s11 =	smul.u32 $0x500, s11  }
0xb: {  	s10 =	sadd.s32 s10, s6;
	s8 =	ssub.s32 s8, s12;
	s9 =	sshrl.u32 s9, $0x3  }
0xc: {  	s12 =	sshrl.u32 s30, $0x3;
	s8 =	smax.u32 s8, $0x1;
	s9 =	sadd.s32 s9, s6  }
0xd: {  	s5 =	sadd.s32 s5, s11;
	s6 =	sadd.s32 $0x1E00, s10;
	s10 =	simm.s32 $0x2800  }
0xe: {  	s11 =	sor.u32 $0x1C01, s31;
	s7 =	sadd.s32 $0x2600, s9;
	s9 =	simm.s32 $0x1  }
.LBB2_1:
0xf: {  	[tilespmem:s3], [sflag:$0x1] =	stream.linear.gather [hbm4b:s5+s3], $0x2800, $0x38;
	[tilespmem:$0x2B00] =	vst v63  }
0x10: {  	_ =	swait.ge [sflag:s9], $0x2800  }
0x11: {  	[sflag:s9] =	ssyncset.done $0x0  }
0x12: {  	[sflag:s9] =	ssyncadd.s32 $0xFFFFD800  }
0x13: {  	[tilespmem:s10], [sflag:$0x1] =	stream.linear.gather [hbm4b:s4+s3], $0x80, $0x38;
	[tilespmem:$0x2B00] =	vst v63  }
0x14: {  	_ =	swait.ge [sflag:s9], $0x80  }
0x15: {  	[sflag:s9] =	ssyncset.done $0x0  }
0x16: {  	[sflag:s9] =	ssyncadd.s32 $0xFFFFFF80  }
0x17: {  	[spmem:s12], [sflag:s11] =	dma.local [hbm:s6], $0x50  }
0x18: {  	_ =	swait.ge [sflag:s9], $0x50  }
0x19: {  	[sflag:s9] =	ssyncset.done $0x0  }
0x1a: {  	[sflag:s9] =	ssyncadd.s32 $0xFFFFFFB0  }
0x1b: {  	s15 =	simm.s32 $0x0;
	[bflag:$0x0] =	sbarrier.arrive $0xFFFF  }
0x1c: {  	[spmem:s2] =	stream.indirect.scatter.add.f32 [tilespmem:s10], [sflag:$0x1], $0x1, s15, s13, $0xb8;
	[tilespmem:$0x2B00] =	vst v63  }
0x1d: {  	_ =	swait.ge [sflag:s9], $0x80  }
0x1e: {  	s15 =	simm.s32 $0x200;
	[sflag:s9] =	ssyncset.done $0x0  }
.LBB2_2:
0x1f: {  	s16 =	sshra.s32 s15, $0x2;
	[sflag:s9] =	ssyncadd.s32 $0xFFFFFF80;
	p0 =	sne.s32 s15, $0x9E00  }
0x20: {  	[spmem:s2] =	stream.indirect.scatter.add.f32 [tilespmem:s10], [sflag:$0x1], $0x1, s16, s13, $0xb8;
	[tilespmem:$0x2B00] =	vst v63  }
.Ltmp0:
0x21: {  	_ = 	snop;
	(pc) =	sbr.rel @p0 .LBB2_2-.Ltmp0, $4  }
0x22: {  	_ = 	snop  }
0x23: {  	s15 =	sadd.s32 $0x200, s15  }
0x24: {  	_ =	swait.ge [sflag:s9], $0x80  }
0x25: {  	[sflag:s9] =	ssyncset.done $0x0  }
0x26: {  	s14 =	sadd.s32 $0x1, s14  }
0x27: {  	[sflag:s9] =	ssyncadd.s32 $0xFFFFFF80;
	p0 =	sne.s32 s14, s8  }
.Ltmp1:
0x28: {  	[bflag:$0x0] =	sbarrier.arrive $0xFFFF;
	(pc) =	sbr.rel @p0 .LBB2_1-.Ltmp1, $4  }
0x29: {  	[hbm:s7], [sflag:s11] =	dma.local [spmem:s12], $0x50  }
0x2a: {  	_ =	swait.ge [sflag:s9], $0x50  }
0x2b: {  	[sflag:s9] =	ssyncset.done $0x0  }
0x2c: {  	[sflag:s9] =	ssyncadd.s32 $0xFFFFFFB0  }
0x2d: {  	_ =	sfence.sel $0x180000  }
0x2e: {  	[bflag:$0x0] =	sbarrier.arrive $0xFFFF  }
0x2f: {  	p0 =	sne.s32 s1, $0x0;
	_ =	strace $0x90000047  }
0x30: {  	s0 =	sadd.s32 @!p0 $0x100000, s0;
	[bflag:$0x2] =	sbarrier.arrive $0xFFFF  }
0x31: {  	[sflag:s0] =	ssyncadd.tile.s32 @!p0 $0x1;
	_ =	shalt  }
.Lfunc_end2:
_tile_overlayer_lowered:
.L_overlay_start_2:
0x32: {  	(tag) =	ssettag $0x2  }
0x33: {  	s0 =	rddreg [dreg:$0x0];
	s2 =	stileid.u32  }
0x34: {  	s1 =	rddreg [dreg:$0x1];
	p0 =	sne.s32 s2, $0x0  }
0x35: {  	s3 =	rddreg [dreg:$0x2];
	[bflag:$0x3] =	sbarrier.arrive $0xFFFF;
	s2 =	simm.s32 @!p0 $0x1C01  }
0x36: {  	[timem:s3], [sflag:s2] =	dma.local @!p0 [hbm:s0], s1  }
0x37: {  	s0 =	simm.s32 @!p0 $0x1  }
0x38: {  	_ =	swait.ge @!p0 [sflag:s0], s1  }
0x39: {  	s1 =	ssub.s32 @!p0 $0x0, s1;
	[sflag:s0] =	ssyncset.done @!p0 $0x0  }
0x3a: {  	[sflag:s0] =	ssyncadd.s32 @!p0 s1  }
0x3b: {  	[bflag:$0x3] =	sbarrier.arrive $0xFFFF  }
0x3c: {  	_ =	shalt  }

// kernel: kernel.9.cloned.1.call-start
scs
__scs_entry_jumppad:
0x0: {  	(pc) =	sbr.rel $0x88, $3  }
0x1: {  	(tag) =	ssettag $0x0;
	lr =	simm.s32 $0x1  }
0x2: {  	[smem:$0x3F9B] =	sst lr;
	_ =	strace $0xD0000000  }
0x3: {  	_ = 	snop  }
0x4: {  	_ = 	snop  }
0x5: {  	_ = 	snop  }
0x6: {  	_ = 	snop  }
0x7: {  	_ = 	snop  }
__scs_overlays_trampoline_lowered:
0x8: {  	[smem:$0x3FAA] =	sst s0  }
0x9: {  	[smem:$0x3FAB] =	sst s1  }
0xa: {  	[smem:$0x3FAC] =	sst s2  }
0xb: {  	[smem:$0x3FAD] =	sst s3  }
0xc: {  	[smem:$0x3FAE] =	sst s4  }
0xd: {  	[smem:$0x3FAF] =	sst s5  }
0xe: {  	[smem:$0x3FB0] =	sst s6  }
0xf: {  	[smem:$0x3FB1] =	sst s7  }
0x10: {  	[smem:$0x3FB2] =	sst s8  }
0x11: {  	[smem:$0x3FB3] =	sst s9;
	s0 =	simm.s32 @!p0 $0x0  }
0x12: {  	s1 =	sld [smem:$0x3F99];
	s0 =	simm.s32 @p0 $0x1  }
0x13: {  	[smem:$0x3FB4] =	sst s0;
	s0 =	simm.s32 @!p1 $0x0  }
0x14: {  	s2 =	sld [smem:$0x3F98];
	s0 =	simm.s32 @p1 $0x1  }
0x15: {  	[smem:$0x3FB5] =	sst s0;
	s0 =	simm.s32 @!p2 $0x0  }
0x16: {  	s3 =	sld [smem:$0x3FDB];
	s0 =	simm.s32 @p2 $0x1  }
0x17: {  	s4 =	simm.s32 $0x1BF5;
	[smem:$0x3FB7] =	sst s0  }
0x18: {  	s0 =	sld [smem:$0x3F9A];
	_ =	swait.ge [sflag:s4], $0x0  }
0x19: {  	s7 =	sld [smem:$0x3F9B]  }
0x1a: {  	s8 =	sadd.s32 $0xFFFFE003, lr  }
0x1b: {  	s9 =	sadd.s32 $0xFFFFFEF7, lr;
	s5 =	simm.s32 $0xFFFFFFFF;
	p2 =	slt.u32 s8, $0xFFFFF086  }
0x1c: {  	p1 =	slt.u32 s9, $0xF7A;
	s5 =	simm.s32 @!p2 $0x0  }
0x1d: {  	s5 =	simm.s32 @p1 $0x1;
	p0 =	seq.s32 s7, s2  }
0x1e: {  	s7 =	smul.u32 @!p0 $0xF7A, s2;
	p2 =	seq.s32 @!p0 s5, $0x0  }
0x1f: {  	s9 =	smul.u32 $0xF7A, s1;
	s8 =	simm.s32 @!p0 $0x1BF5;
	p2 =	por !p2, p0  }
0x20: {  	[sflag:s8] =	ssyncset.s32 @!p0 $0xFFFFF086;
	s6 =	sadd.s32 @!p0 s3, s7;
	s7 =	simm.s32 @!p0 $0x108  }
0x21: {  	s3 =	sadd.s32 s3, s9;
	s6 =	sadd.s32 @!p0 $0x88, s6;
	s7 =	simm.s32 @p2 $0x1082  }
0x22: {  	[simem:s7], [sflag:s8] =	dma.local @!p0 [hbm:s6], $0xF7A  }
0x23: {  	s9 =	sor.u32 $0xD0000000, s2;
	s6 =	simm.s32 $0x108;
	_ =	swait.ge @!p0 [sflag:s8], $0x0  }
0x24: {  	s3 =	sadd.s32 $0x88, s3;
	s6 =	simm.s32 @!p1 $0x1082;
	[sflag:s4] =	ssyncset.s32 $0xFFFFF086  }
0x25: {  	[simem:s6], [sflag:s4] =	dma.local [hbm:s3], $0xF7A  }
0x26: {  	[smem:$0x3F9B] =	sst s1;
	(tag) =	ssettag s2;
	_ =	strace s9  }
0x27: {  	s1 =	sld [smem:$0x3FAB]  }
0x28: {  	s2 =	sld [smem:$0x3FAC]  }
0x29: {  	s4 =	sld [smem:$0x3FAE]  }
0x2a: {  	p0 =	seq.s32 s5, $0x0;
	s5 =	sld [smem:$0x3FAF]  }
0x2b: {  	s6 =	sld [smem:$0x3FB0]  }
0x2c: {  	s7 =	sld [smem:$0x3FB1]  }
0x2d: {  	s3 =	simm.s32 $0x108;
	s8 =	sld [smem:$0x3FB2]  }
0x2e: {  	s3 =	simm.s32 @!p0 $0x1082;
	s9 =	sld [smem:$0x3FB3]  }
0x2f: {  	lr =	sadd.s32 s0, s3;
	s0 =	sld [smem:$0x3FAA]  }
0x30: {  	s3 =	sld [smem:$0x3FAD]  }
0x31: {  	[smem:$0x3FB6] =	sst s10  }
0x32: {  	s10 =	sld [smem:$0x3FB4];
	_ =	sdelay $0x3  }
0x33: {  	p0 =	seq.s32 s10, $0x1;
	s10 =	sld [smem:$0x3FB6];
	_ =	sdelay $0x3  }
0x34: {  	[smem:$0x3FB6] =	sst s10  }
0x35: {  	s10 =	sld [smem:$0x3FB5];
	_ =	sdelay $0x3  }
0x36: {  	p1 =	seq.s32 s10, $0x1;
	s10 =	sld [smem:$0x3FB6];
	_ =	sdelay $0x3  }
0x37: {  	[smem:$0x3FB6] =	sst s10  }
0x38: {  	s10 =	sld [smem:$0x3FB7]  }
0x39: {  	_ = 	snop;
	(pc) =	sbr.ind lr, $3  }
0x3a: {  	_ = 	snop  }
0x3b: {  	_ = 	snop  }
0x3c: {  	p2 =	seq.s32 s10, $0x1;
	s10 =	sld [smem:$0x3FB6]  }
0x3d: {  	_ =	shalt  }
0x3e: {  	_ =	shalt  }
0x3f: {  	_ =	shalt  }
0x40: {  	_ =	shalt  }
0x41: {  	_ =	shalt  }
0x42: {  	_ =	shalt  }
0x43: {  	_ =	shalt  }
0x44: {  	_ =	shalt  }
0x45: {  	_ =	shalt  }
0x46: {  	_ =	shalt  }
0x47: {  	_ =	shalt  }
0x48: {  	_ =	shalt  }
0x49: {  	_ =	shalt  }
0x4a: {  	_ =	shalt  }
0x4b: {  	_ =	shalt  }
0x4c: {  	_ =	shalt  }
0x4d: {  	_ =	shalt  }
0x4e: {  	_ =	shalt  }
0x4f: {  	_ =	shalt  }
0x50: {  	_ =	shalt  }
0x51: {  	_ =	shalt  }
0x52: {  	_ =	shalt  }
0x53: {  	_ =	shalt  }
0x54: {  	_ =	shalt  }
0x55: {  	_ =	shalt  }
0x56: {  	_ =	shalt  }
0x57: {  	_ =	shalt  }
0x58: {  	_ =	shalt  }
0x59: {  	_ =	shalt  }
0x5a: {  	_ =	shalt  }
0x5b: {  	_ =	shalt  }
0x5c: {  	_ =	shalt  }
0x5d: {  	_ =	shalt  }
0x5e: {  	_ =	shalt  }
0x5f: {  	_ =	shalt  }
0x60: {  	_ =	shalt  }
0x61: {  	_ =	shalt  }
0x62: {  	_ =	shalt  }
0x63: {  	_ =	shalt  }
0x64: {  	_ =	shalt  }
0x65: {  	_ =	shalt  }
0x66: {  	_ =	shalt  }
0x67: {  	_ =	shalt  }
0x68: {  	_ =	shalt  }
0x69: {  	_ =	shalt  }
0x6a: {  	_ =	shalt  }
0x6b: {  	_ =	shalt  }
0x6c: {  	_ =	shalt  }
0x6d: {  	_ =	shalt  }
0x6e: {  	_ =	shalt  }
0x6f: {  	_ =	shalt  }
0x70: {  	_ =	shalt  }
0x71: {  	_ =	shalt  }
0x72: {  	_ =	shalt  }
0x73: {  	_ =	shalt  }
0x74: {  	_ =	shalt  }
0x75: {  	_ =	shalt  }
0x76: {  	_ =	shalt  }
0x77: {  	_ =	shalt  }
0x78: {  	_ =	shalt  }
0x79: {  	_ =	shalt  }
0x7a: {  	_ =	shalt  }
0x7b: {  	_ =	shalt  }
0x7c: {  	_ =	shalt  }
0x7d: {  	_ =	shalt  }
0x7e: {  	_ =	shalt  }
0x7f: {  	_ =	shalt  }
0x80: {  	_ =	shalt  }
0x81: {  	_ =	shalt  }
0x82: {  	_ =	shalt  }
0x83: {  	_ =	shalt  }
0x84: {  	_ =	shalt  }
0x85: {  	_ =	shalt  }
0x86: {  	_ =	shalt  }
0x87: {  	_ =	shalt  }
.Lfunc_end0:
.L_simem_size_0:
called_computation.1_lowered:
.L_overlay_start_0:
0x88: {  	s2 =	sld [smem:$0x3FD9]  }
0x89: {  	s3 =	sld [smem:$0x3FFE];
	_ =	sdelay $0x1  }
0x8a: {  	s1 =	srdreg.scid  }
0x8b: {  	s0 =	sand.u32 $0x1, s1  }
0x8c: {  	s16 =	sshll.u32 s0, $0xA;
	s2 =	sadd.s32 s3, s2  }
0x8d: {  	s2 =	sadd.s32 s2, s16  }
0x8e: {  	[smem:$0x3FC2] =	sst s2  }
0x8f: {  	_ = 	snop  }
0x90: {  	(tm) =	ssettm $0x1  }
0x91: {  	s17 =	sld [smem:$0x3FFB];
	_ =	sdelay $0x3  }
0x92: {  	_ =	strace s17  }
0x93: {  	s2 =	sld [smem:$0x3FFC];
	_ =	sdelay $0x3  }
0x94: {  	_ =	strace s2  }
0x95: {  	s2 =	sld [smem:$0x3FFD];
	_ =	sdelay $0x3  }
0x96: {  	_ =	strace s2  }
0x97: {  	_ =	strace $0x8FFFFFFF  }
0x98: {  	s18 =	sld [smem:$0x3FDB];
	_ =	sdelay $0x1  }
0x99: {  	s19 =	simm.s32 $_scs_section_size  }
0x9a: {  	s4 =	simm.s32 $_size__tile_overlayer_lowered;
	s5 =	simm.s32 $_tile_overlayer_lowered  }
0x9b: {  	s22 =	simm.s32 $0x1BFF;
	s21 =	sshll.u32 s5, $0x1;
	s2 =	sadd.s32 s19, s18  }
0x9c: {  	s6 =	simm.s32 $0x0;
	s20 =	sshll.u32 s4, $0x1;
	s4 =	sadd.s32 s21, s2  }
0x9d: {  	[timem:s6], [sflag:s22] =	dma.local [hbm:s4], s20  }
0x9e: {  	_ =	swait.ge [sflag:s22], s20  }
0x9f: {  	s3 =	ssub.s32 $0x0, s20;
	[sflag:s22] =	ssyncset.done $0x0  }
0xa0: {  	[sflag:s22] =	ssyncadd.s32 s3;
	_ =	sdelay $0x1  }
0xa1: {  	s23 =	simm.s32 $0x1B8B  }
0xa2: {  	_ =	swait.ge [sflag:s23], $0x1  }
0xa3: {  	[sflag:s23] =	ssyncset.done $0x0  }
0xa4: {  	s25 =	simm.s32 $0x1B8E;
	s24 =	sld [smem:$0x3FFE];
	[sflag:s23] =	ssyncadd.s32 $0xFFFFFFFF  }
0xa5: {  	s26 =	simm.s32 $execute0_lowered;
	[smem:$0x3FD2] =	sst s25  }
0xa6: {  	s4 =	sshll.u32 s26, $0x1;
	_ =	strace $0x80000049;
	[dreg:$0x1] =	wrdreg $0xFFFFFFFF  }
0xa7: {  	s28 =	simm.s32 $_size_execute0_lowered;
	s2 =	sadd.s32 s2, s4;
	[dreg:$0x0] =	wrdreg $0x0  }
0xa8: {  	s4 =	sshll.u32 s28, $0x1;
	[dreg:$0x2] =	wrdreg s2  }
0xa9: {  	[dreg:$0x3] =	wrdreg s4  }
0xaa: {  	[dreg:$0x4] =	wrdreg $0xC0  }
0xab: {  	_ =	task [dreg:s6], $0x5FFFF  }
0xac: {  	[dreg:$0x1] =	wrdreg $0xFFFFFFFF  }
0xad: {  	[dreg:$0x0] =	wrdreg $0x60  }
0xae: {  	[dreg:$0x2] =	wrdreg s24  }
0xaf: {  	[dreg:$0x3] =	wrdreg $0xA0000  }
0xb0: {  	[dreg:$0x4] =	wrdreg $0x13C600  }
0xb1: {  	[dreg:$0x5] =	wrdreg $0x9  }
0xb2: {  	_ =	task.clear_ibuf [dreg:s6], $0x6FFFF;
	_ =	strace $0x90000049  }
0xb3: {  	s29 =	simm.s32 $0x9;
	_ =	strace $0x8000004B  }
0xb4: {  	_ =	swait.ge [sflag:s29], $0x1  }
0xb5: {  	[sflag:s29] =	ssyncadd.s32 $0xFFFFFFFF  }
0xb6: {  	_ =	strace $0x9000004B  }
0xb7: {  	_ =	sfence  }
0xb8: {  	s30 =	sld [smem:$0x0];
	_ =	sdelay $0x2  }
0xb9: {  	s31 =	sshll.u32 s1, $0xD;
	s1 =	sshrl.u32 s1, $0x2  }
0xba: {  	s3 =	sand.u32 $0x4000, s31;
	s1 =	sadd.s32 s1, s30  }
0xbb: {  	s0 =	sor.u32 s3, s0;
	s1 =	sshll.u32 s1, $0x11  }
0xbc: {  	s0 =	sor.u32 s1, s0  }
0xbd: {  	s0 =	sadd.s32 $0x8F2B, s0  }
0xbe: {  	[sflag:s0] =	ssyncadd.remote.s32 $0x1  }
0xbf: {  	_ =	sfence.sel $0xFFFF  }
0xc0: {  	[dreg:$0x0] =	wrdreg $0xFFFFFFFF;
	(pc) =	sbr.abs _section_cstart, $3  }
0xc1: {  	[dreg:$0x1] =	wrdreg $0xFFFFFFFF  }
0xc2: {  	_ =	task.clear_ibuf [dreg:s6], $0x2FFFF;
	_ =	strace $0x9FFFFFFF  }
0xc3: {  	(tm) =	ssettm $0x7FFFFFFF  }
tec
execute0_lowered:
.L_overlay_start_1:
0x0: {  	(tag) =	ssettag $0x1  }
0x1: {  	s4 =	rddreg [dreg:$0x0]  }
0x2: {  	s1 =	rddreg [dreg:$0x1]  }
0x3: {  	s2 =	rddreg [dreg:$0x2];
	s3 =	simm.s32 $0x0  }
0x4: {  	s12 =	simm.s32 $0x100;
	[smem:$0x7FF] =	sst s3  }
0x5: {  	s13 =	simm.s32 $0x180;
	_ =	strace $0x8000004A;
	[dreg:$0x6] =	wrdreg s12  }
0x6: {  	s14 =	simm.s32 $0x200;
	[dreg:$0x7] =	wrdreg s13  }
0x7: {  	s15 =	simm.s32 $0x1080;
	[dreg:$0x8] =	wrdreg s14  }
0x8: {  	s16 =	simm.s32 $0x280;
	[dreg:$0x9] =	wrdreg s15  }
0x9: {  	s17 =	simm.s32 $0x1100;
	[dreg:$0xa] =	wrdreg s16  }
0xa: {  	s18 =	simm.s32 $0x300;
	[dreg:$0xb] =	wrdreg s17  }
0xb: {  	s19 =	simm.s32 $0x1180;
	[dreg:$0xc] =	wrdreg s18  }
0xc: {  	s20 =	simm.s32 $0x380;
	[dreg:$0xd] =	wrdreg s19  }
0xd: {  	s21 =	simm.s32 $0x1200;
	[dreg:$0xe] =	wrdreg s20  }
0xe: {  	s22 =	simm.s32 $0x400;
	[dreg:$0xf] =	wrdreg s21  }
0xf: {  	s23 =	simm.s32 $0x480;
	[dreg:$0x10] =	wrdreg s22  }
0x10: {  	s25 =	simm.s32 $0x1300;
	[dreg:$0x12] =	wrdreg s23  }
0x11: {  	s13 =	simm.s32 $0x1280;
	[dreg:$0x13] =	wrdreg s25  }
0x12: {  	s14 =	simm.s32 $0x500;
	[dreg:$0x11] =	wrdreg s13  }
0x13: {  	s15 =	simm.s32 $0x1380;
	[dreg:$0x14] =	wrdreg s14  }
0x14: {  	s16 =	simm.s32 $0x580;
	[dreg:$0x15] =	wrdreg s15  }
0x15: {  	s17 =	simm.s32 $0x1400;
	[dreg:$0x16] =	wrdreg s16  }
0x16: {  	s18 =	simm.s32 $0x600;
	[dreg:$0x17] =	wrdreg s17  }
0x17: {  	s0 =	stileid.u32;
	s20 =	simm.s32 $0x1480;
	[dreg:$0x18] =	wrdreg s18  }
0x18: {  	s8 =	srdreg.scid;
	s21 =	simm.s32 $0x680;
	[dreg:$0x19] =	wrdreg s20  }
0x19: {  	s28 =	simm.s32 $0x3;
	s22 =	simm.s32 $0x1500;
	[dreg:$0x1a] =	wrdreg s21  }
0x1a: {  	s29 =	simm.s32 $0x4;
	s25 =	simm.s32 $0x1580;
	[dreg:$0x1b] =	wrdreg s22  }
0x1b: {  	s31 =	simm.s32 $0x1C00;
	[dreg:$0x1d] =	wrdreg s25;
	s16 =	simm.s32 $0x1600  }
0x1c: {  	s5 =	smul.u32 $0xA00, s0;
	s17 =	simm.s32 $0x800;
	[dreg:$0x1f] =	wrdreg s16  }
0x1d: {  	s9 =	sadd.s32 $0x65400, s4;
	s18 =	simm.s32 $0x1680;
	[smem:$0x7DE] =	sst s17  }
0x1e: {  	s11 =	sand.u32 $0x1, s8;
	s20 =	simm.s32 $0x1700;
	[smem:$0x7DF] =	sst s18  }
0x1f: {  	s26 =	smul.u32 $0x1380, s0;
	s21 =	simm.s32 $0x900;
	[smem:$0x7E2] =	sst s20  }
0x20: {  	p0 =	sne.s32 s0, $0x0;
	s22 =	simm.s32 $0x1780;
	[smem:$0x7E3] =	sst s21  }
0x21: {  	s8 =	ssub.s32 $0x2, s11;
	s25 =	simm.s32 $0x1800;
	[smem:$0x7E5] =	sst s22  }
0x22: {  	s5 =	sadd.s32 s5, s4;
	s15 =	sshll.u32 s0, $0x6;
	[smem:$0x7E7] =	sst s25  }
0x23: {  	s24 =	smul.u32 $0x138C0, s11;
	s6 =	sadd.s32 $0x3000, s5;
	[smem:$0x7EF] =	sst s15  }
0x24: {  	s23 =	smul.u32 $0x9C600, s11;
	s5 =	sadd.s32 $0xD000, s5;
	[dreg:$0x4] =	wrdreg s6  }
0x25: {  	s11 =	smul.u32 $0x9C400, s11;
	s19 =	sor.u32 $0x1C01, s15;
	[dreg:$0x5] =	wrdreg s5  }
0x26: {  	s12 =	sshrl.u32 s8, $0x1;
	s17 =	sor.u32 $0x1C02, s15;
	[smem:$0x7DB] =	sst s19  }
0x27: {  	s14 =	sadd.s32 $0x9C000, s1;
	s16 =	simm.s32 $0xB00;
	[smem:$0x7F0] =	sst s17  }
0x28: {  	s18 =	simm.s32 $0x1980;
	s20 =	simm.s32 $0x1A00;
	[smem:$0x7F1] =	sst s16  }
0x29: {  	s21 =	simm.s32 $0xC00;
	s22 =	simm.s32 $0x1A80;
	[smem:$0x7F2] =	sst s18  }
0x2a: {  	s25 =	simm.s32 $0xD00;
	s5 =	smul.u32 $0x9C00, s0;
	[smem:$0x7F5] =	sst s20  }
0x2b: {  	s6 =	sadd.s32 $0xA0000, s4;
	s19 =	simm.s32 $0x880;
	[smem:$0x7F6] =	sst s21  }
0x2c: {  	s18 =	simm.s32 $0x1;
	[smem:$0x7F7] =	sst s22;
	s20 =	simm.s32 $0x1000  }
0x2d: {  	s21 =	simm.s32 $0x80;
	s22 =	simm.s32 $0x2000;
	[smem:$0x7FA] =	sst s25  }
0x2e: {  	s25 =	simm.s32 $0x8000;
	s0 =	simm.s32 $0xE00;
	s16 =	simm.s32 $0x0  }
0x2f: {  	[smem:$0x7E1] =	sst s19;
	s19 =	simm.s32 $0xB80;
	s7 =	sshrl.u32 s5, $0x3  }
0x30: {  	s13 =	sadd.s32 s5, s2;
	[smem:$0x7F4] =	sst s19;
	s10 =	sadd.s32 s7, s4  }
0x31: {  	s7 =	ssub.s32 s8, s12;
	s12 =	sadd.s32 s26, s24;
	s24 =	simm.s32 $0x700  }
0x32: {  	s19 =	simm.s32 $0x2;
	s26 =	simm.s32 $0x780;
	[dreg:$0x1c] =	wrdreg s24  }
0x33: {  	s8 =	sadd.s32 s5, s1;
	s4 =	sadd.s32 $0x9FE00, s4;
	[dreg:$0x1e] =	wrdreg s26  }
0x34: {  	s5 =	sadd.s32 s5, s11;
	s17 =	sshrl.u32 s13, $0x3;
	[smem:$0x7E0] =	sst s4  }
0x35: {  	s13 =	simm.s32 $0x1F00;
	s12 =	sadd.s32 s9, s12;
	[smem:$0x7FC] =	sst s17  }
0x36: {  	s10 =	sadd.s32 $0x8C600, s10;
	s5 =	sshrl.u32 s5, $0x3;
	[smem:$0x7DA] =	sst s12  }
0x37: {  	s24 =	sshrl.u32 s11, $0x3;
	s26 =	simm.s32 $0xA00;
	[smem:$0x7DC] =	sst s10  }
0x38: {  	s7 =	smax.u32 s7, $0x1;
	s11 =	simm.s32 $0x1900;
	[smem:$0x7E9] =	sst s26  }
0x39: {  	s4 =	sshrl.u32 @!p0 s14, $0x3;
	s14 =	simm.s32 $0x1F80;
	[smem:$0x7EA] =	sst s7  }
0x3a: {  	s12 =	sshrl.u32 s23, $0x3;
	s10 =	sadd.s32 $0x9C000, s2;
	[smem:$0x7EE] =	sst s11  }
0x3b: {  	s5 =	sadd.s32 s6, s5;
	s23 =	simm.s32 $0x980;
	[smem:$0x7F3] =	sst s4  }
0x3c: {  	s26 =	simm.s32 $0x1B80;
	s4 =	simm.s32 $0x1C80;
	[smem:$0x7E4] =	sst s5  }
0x3d: {  	s7 =	simm.s32 $0x1D00;
	s11 =	simm.s32 $0x1E00;
	[smem:$0x7E6] =	sst s23  }
0x3e: {  	s5 =	sadd.s32 s6, s24;
	s6 =	simm.s32 $0x1880;
	[smem:$0x7FB] =	sst s26  }
0x3f: {  	s9 =	sadd.s32 s9, s12;
	s12 =	sshrl.u32 s8, $0x3;
	[smem:$0x7EB] =	sst s6  }
0x40: {  	s30 =	sshrl.u32 @!p0 s10, $0x3;
	s23 =	simm.s32 $0xC80;
	[smem:$0x7ED] =	sst s12  }
0x41: {  	s24 =	simm.s32 $0x1B00;
	s26 =	simm.s32 $0x5;
	[smem:$0x7F8] =	sst s23  }
0x42: {  	s8 =	simm.s32 $0xF00;
	s10 =	simm.s32 $0xF80;
	[smem:$0x7F9] =	sst s24  }
0x43: {  	s9 =	sadd.s32 $0x13800, s9;
	s5 =	sadd.s32 $0x13800, s5;
	[smem:$0x7FD] =	sst s30  }
0x44: {  	s23 =	simm.s32 $0x4000;
	s24 =	simm.s32 $0x6000;
	[smem:$0x7DD] =	sst s9  }
0x45: {  	s6 =	simm.s32 $0xE80;
	[smem:$0x7E8] =	sst s5;
	s9 =	simm.s32 $0xA80  }
0x46: {  	s12 =	simm.s32 $0x1E80;
	[smem:$0x7EC] =	sst s9;
	s9 =	simm.s32 $0x1D80  }
.LBB2_1:
0x47: {  	[smem:$0x7D9] =	sst s16  }
0x48: {  	s5 =	sld [smem:$0x7DA]  }
0x49: {  	s15 =	sld [smem:$0x7DB]  }
0x4a: {  	s16 =	sld [smem:$0x7ED];
	_ =	sdelay $0x2  }
0x4b: {  	[spmem:s16], [sflag:s15] =	dma.local [hbm:s5], $0x1380  }
0x4c: {  	s5 =	sld [smem:$0x7DC]  }
0x4d: {  	s15 =	sld [smem:$0x7F0];
	_ =	sdelay $0x2  }
0x4e: {  	[spmem:s17], [sflag:s15] =	dma.local [hbm:s5], $0x1380  }
0x4f: {  	s15 =	sld [smem:$0x7DD]  }
0x50: {  	s16 =	sld [smem:$0x7F3];
	_ =	sdelay $0x1  }
0x51: {  	s5 =	simm.s32 @!p0 $0x1C03  }
0x52: {  	[spmem:s16], [sflag:s5] =	dma.local @!p0 [hbm:s15], $0xC0  }
0x53: {  	s15 =	sld [smem:$0x7E0];
	_ =	sdelay $0x1  }
0x54: {  	s5 =	simm.s32 @!p0 $0x1C04  }
0x55: {  	[spmem:s30], [sflag:s5] =	dma.local @!p0 [hbm:s15], $0x80  }
0x56: {  	s5 =	simm.s32 @!p0 $0x3  }
0x57: {  	_ =	swait.ge @!p0 [sflag:s5], $0xC0  }
0x58: {  	[sflag:s5] =	ssyncset.done @!p0 $0x0  }
0x59: {  	[sflag:s5] =	ssyncadd.s32 @!p0 $0xFFFFFF40;
	s5 =	simm.s32 @!p0 $0x4  }
0x5a: {  	_ =	swait.ge @!p0 [sflag:s5], $0x80  }
0x5b: {  	[sflag:s5] =	ssyncset.done @!p0 $0x0  }
0x5c: {  	[sflag:s5] =	ssyncadd.s32 @!p0 $0xFFFFFF80  }
0x5d: {  	_ =	swait.ge [sflag:s18], $0x1380  }
0x5e: {  	[sflag:s18] =	ssyncset.done $0x0  }
0x5f: {  	[sflag:s18] =	ssyncadd.s32 $0xFFFFEC80  }
0x60: {  	_ =	swait.ge [sflag:s19], $0x1380  }
0x61: {  	[sflag:s19] =	ssyncset.done $0x0  }
0x62: {  	[sflag:s19] =	ssyncadd.s32 $0xFFFFEC80  }
0x63: {  	[bflag:$0x0] =	sbarrier.arrive $0xFFFF  }
0x64: {  	s17 =	rddreg [dreg:$0x5]  }
0x65: {  	s30 =	rddreg [dreg:$0x4];
	s5 =	sadd.s32 $0x0, s17  }
0x66: {  	[tilespmem:s3], [sflag:$0x1] =	stream.linear.gather [hbm4b:s5+s3], $0x1000, $0x38;
	[tilespmem:$0x1D8A0] =	vst v63  }
0x67: {  	s16 =	sadd.s32 $0x0, s30  }
0x68: {  	[tilespmem:s20], [sflag:$0x2] =	stream.linear.gather [hbm4b:s16+s3], $0x1000, $0x38;
	[tilespmem:$0x1D8A0] =	vst v63  }
0x69: {  	_ =	swait.ge [sflag:s18], $0x1000  }
0x6a: {  	[sflag:s18] =	ssyncset.done $0x0  }
0x6b: {  	[sflag:s18] =	ssyncadd.s32 $0xFFFFF000  }
0x6c: {  	_ =	swait.ge [sflag:s19], $0x1000  }
0x6d: {  	[sflag:s19] =	ssyncset.done $0x0  }
0x6e: {  	[sflag:s19] =	ssyncadd.s32 $0xFFFFF000  }
0x6f: {  	[tilespmem:s22], [sflag:$0x1] =	stream.indirect.gather [spmem:s1], $0x40, s3, s21, $0xb8;
	[tilespmem:$0x1D8A0] =	vst v63  }
0x70: {  	_ = 	snop  }
0x71: {  	[tilespmem:s23], [sflag:$0x2] =	stream.indirect.gather [spmem:s1], $0x40, s21, s21, $0xb8;
	[tilespmem:$0x1D8A0] =	vst v63  }
0x72: {  	s17 =	rddreg [dreg:$0x6]  }
0x73: {  	[tilespmem:s24], [sflag:$0x3] =	stream.indirect.gather [spmem:s1], $0x40, s17, s21, $0xb8;
	[tilespmem:$0x1D8A0] =	vst v63  }
0x74: {  	s30 =	rddreg [dreg:$0x7]  }
0x75: {  	[tilespmem:s25], [sflag:$0x4] =	stream.indirect.gather [spmem:s1], $0x40, s30, s21, $0xb8;
	[tilespmem:$0x1D8A0] =	vst v63  }
0x76: {  	_ =	swait.ge [sflag:s18], $0x2000  }
0x77: {  	[sflag:s18] =	ssyncset.done $0x0  }
0x78: {  	[sflag:s18] =	ssyncadd.s32 $0xFFFFE000  }
0x79: {  	[spmem:s2] =	stream.indirect.scatter.add.f32 [tilespmem:s22], [sflag:$0x5], $0x40, s20, s21, $0xb8;
	[tilespmem:$0x1D8A0] =	vst v63  }
0x7a: {  	_ =	swait.ge [sflag:s26], $0x2000  }
0x7b: {  	[sflag:s26] =	ssyncset.done $0x0  }
0x7c: {  	s16 =	rddreg [dreg:$0x8];
	[sflag:s26] =	ssyncadd.s32 $0xFFFFE000  }
0x7d: {  	[tilespmem:s22], [sflag:$0x1] =	stream.indirect.gather [spmem:s1], $0x40, s16, s21, $0xb8;
	[tilespmem:$0x1D8A0] =	vst v63  }
0x7e: {  	_ =	swait.ge [sflag:s19], $0x2000  }
0x7f: {  	[sflag:s19] =	ssyncset.done $0x0  }
0x80: {  	s17 =	rddreg [dreg:$0x9];
	[sflag:s19] =	ssyncadd.s32 $0xFFFFE000  }
0x81: {  	[spmem:s2] =	stream.indirect.scatter.add.f32 [tilespmem:s23], [sflag:$0x5], $0x40, s17, s21, $0xb8;
	[tilespmem:$0x1D8A0] =	vst v63  }
0x82: {  	_ =	swait.ge [sflag:s26], $0x2000  }
0x83: {  	[sflag:s26] =	ssyncset.done $0x0  }
0x84: {  	s30 =	rddreg [dreg:$0xa];
	[sflag:s26] =	ssyncadd.s32 $0xFFFFE000  }
0x85: {  	[tilespmem:s23], [sflag:$0x2] =	stream.indirect.gather [spmem:s1], $0x40, s30, s21, $0xb8;
	[tilespmem:$0x1D8A0] =	vst v63  }
0x86: {  	_ =	swait.ge [sflag:s28], $0x2000  }
0x87: {  	[sflag:s28] =	ssyncset.done $0x0  }
0x88: {  	s15 =	rddreg [dreg:$0xb];
	[sflag:s28] =	ssyncadd.s32 $0xFFFFE000  }
0x89: {  	[spmem:s2] =	stream.indirect.scatter.add.f32 [tilespmem:s24], [sflag:$0x5], $0x40, s15, s21, $0xb8;
	[tilespmem:$0x1D8A0] =	vst v63  }
0x8a: {  	_ =	swait.ge [sflag:s26], $0x2000  }
0x8b: {  	[sflag:s26] =	ssyncset.done $0x0  }
0x8c: {  	s16 =	rddreg [dreg:$0xc];
	[sflag:s26] =	ssyncadd.s32 $0xFFFFE000  }
0x8d: {  	[tilespmem:s24], [sflag:$0x3] =	stream.indirect.gather [spmem:s1], $0x40, s16, s21, $0xb8;
	[tilespmem:$0x1D8A0] =	vst v63  }
0x8e: {  	_ =	swait.ge [sflag:s29], $0x2000  }
0x8f: {  	[sflag:s29] =	ssyncset.done $0x0  }
0x90: {  	s17 =	rddreg [dreg:$0xd];
	[sflag:s29] =	ssyncadd.s32 $0xFFFFE000  }
0x91: {  	[spmem:s2] =	stream.indirect.scatter.add.f32 [tilespmem:s25], [sflag:$0x5], $0x40, s17, s21, $0xb8;
	[tilespmem:$0x1D8A0] =	vst v63  }
0x92: {  	_ =	swait.ge [sflag:s26], $0x2000  }
0x93: {  	[sflag:s26] =	ssyncset.done $0x0  }
0x94: {  	s30 =	rddreg [dreg:$0xe];
	[sflag:s26] =	ssyncadd.s32 $0xFFFFE000  }
0x95: {  	[tilespmem:s25], [sflag:$0x4] =	stream.indirect.gather [spmem:s1], $0x40, s30, s21, $0xb8;
	[tilespmem:$0x1D8A0] =	vst v63  }
0x96: {  	_ =	swait.ge [sflag:s18], $0x2000  }
0x97: {  	[sflag:s18] =	ssyncset.done $0x0  }
0x98: {  	s15 =	rddreg [dreg:$0xf];
	[sflag:s18] =	ssyncadd.s32 $0xFFFFE000  }
0x99: {  	[spmem:s2] =	stream.indirect.scatter.add.f32 [tilespmem:s22], [sflag:$0x5], $0x40, s15, s21, $0xb8;
	[tilespmem:$0x1D8A0] =	vst v63  }
0x9a: {  	_ =	swait.ge [sflag:s26], $0x2000  }
0x9b: {  	[sflag:s26] =	ssyncset.done $0x0  }
0x9c: {  	s16 =	rddreg [dreg:$0x10];
	[sflag:s26] =	ssyncadd.s32 $0xFFFFE000  }
0x9d: {  	[tilespmem:s22], [sflag:$0x1] =	stream.indirect.gather [spmem:s1], $0x40, s16, s21, $0xb8;
	[tilespmem:$0x1D8A0] =	vst v63  }
0x9e: {  	_ =	swait.ge [sflag:s19], $0x2000  }
0x9f: {  	[sflag:s19] =	ssyncset.done $0x0  }
0xa0: {  	s17 =	rddreg [dreg:$0x11];
	[sflag:s19] =	ssyncadd.s32 $0xFFFFE000  }
0xa1: {  	[spmem:s2] =	stream.indirect.scatter.add.f32 [tilespmem:s23], [sflag:$0x5], $0x40, s17, s21, $0xb8;
	[tilespmem:$0x1D8A0] =	vst v63  }
0xa2: {  	_ =	swait.ge [sflag:s26], $0x2000  }
0xa3: {  	[sflag:s26] =	ssyncset.done $0x0  }
0xa4: {  	s30 =	rddreg [dreg:$0x12];
	[sflag:s26] =	ssyncadd.s32 $0xFFFFE000  }
0xa5: {  	[tilespmem:s23], [sflag:$0x2] =	stream.indirect.gather [spmem:s1], $0x40, s30, s21, $0xb8;
	[tilespmem:$0x1D8A0] =	vst v63  }
0xa6: {  	_ =	swait.ge [sflag:s28], $0x2000  }
0xa7: {  	[sflag:s28] =	ssyncset.done $0x0  }
0xa8: {  	s15 =	rddreg [dreg:$0x13];
	[sflag:s28] =	ssyncadd.s32 $0xFFFFE000  }
0xa9: {  	[spmem:s2] =	stream.indirect.scatter.add.f32 [tilespmem:s24], [sflag:$0x5], $0x40, s15, s21, $0xb8;
	[tilespmem:$0x1D8A0] =	vst v63  }
0xaa: {  	_ =	swait.ge [sflag:s26], $0x2000  }
0xab: {  	[sflag:s26] =	ssyncset.done $0x0  }
0xac: {  	s16 =	rddreg [dreg:$0x14];
	[sflag:s26] =	ssyncadd.s32 $0xFFFFE000  }
0xad: {  	[tilespmem:s24], [sflag:$0x3] =	stream.indirect.gather [spmem:s1], $0x40, s16, s21, $0xb8;
	[tilespmem:$0x1D8A0] =	vst v63  }
0xae: {  	_ =	swait.ge [sflag:s29], $0x2000  }
0xaf: {  	[sflag:s29] =	ssyncset.done $0x0  }
0xb0: {  	s17 =	rddreg [dreg:$0x15];
	[sflag:s29] =	ssyncadd.s32 $0xFFFFE000  }
0xb1: {  	[spmem:s2] =	stream.indirect.scatter.add.f32 [tilespmem:s25], [sflag:$0x5], $0x40, s17, s21, $0xb8;
	[tilespmem:$0x1D8A0] =	vst v63  }
0xb2: {  	_ =	swait.ge [sflag:s26], $0x2000  }
0xb3: {  	[sflag:s26] =	ssyncset.done $0x0  }
0xb4: {  	s30 =	rddreg [dreg:$0x16];
	[sflag:s26] =	ssyncadd.s32 $0xFFFFE000  }
0xb5: {  	[tilespmem:s25], [sflag:$0x4] =	stream.indirect.gather [spmem:s1], $0x40, s30, s21, $0xb8;
	[tilespmem:$0x1D8A0] =	vst v63  }
0xb6: {  	_ =	swait.ge [sflag:s18], $0x2000  }
0xb7: {  	[sflag:s18] =	ssyncset.done $0x0  }
0xb8: {  	s15 =	rddreg [dreg:$0x17];
	[sflag:s18] =	ssyncadd.s32 $0xFFFFE000  }
0xb9: {  	[spmem:s2] =	stream.indirect.scatter.add.f32 [tilespmem:s22], [sflag:$0x5], $0x40, s15, s21, $0xb8;
	[tilespmem:$0x1D8A0] =	vst v63  }
0xba: {  	_ =	swait.ge [sflag:s26], $0x2000  }
0xbb: {  	[sflag:s26] =	ssyncset.done $0x0  }
0xbc: {  	s16 =	rddreg [dreg:$0x18];
	[sflag:s26] =	ssyncadd.s32 $0xFFFFE000  }
0xbd: {  	[tilespmem:s22], [sflag:$0x1] =	stream.indirect.gather [spmem:s1], $0x40, s16, s21, $0xb8;
	[tilespmem:$0x1D8A0] =	vst v63  }
0xbe: {  	_ =	swait.ge [sflag:s19], $0x2000  }
0xbf: {  	[sflag:s19] =	ssyncset.done $0x0  }
0xc0: {  	s17 =	rddreg [dreg:$0x19];
	[sflag:s19] =	ssyncadd.s32 $0xFFFFE000  }
0xc1: {  	[spmem:s2] =	stream.indirect.scatter.add.f32 [tilespmem:s23], [sflag:$0x5], $0x40, s17, s21, $0xb8;
	[tilespmem:$0x1D8A0] =	vst v63  }
0xc2: {  	_ =	swait.ge [sflag:s26], $0x2000  }
0xc3: {  	[sflag:s26] =	ssyncset.done $0x0  }
0xc4: {  	s30 =	rddreg [dreg:$0x1a];
	[sflag:s26] =	ssyncadd.s32 $0xFFFFE000  }
0xc5: {  	[tilespmem:s23], [sflag:$0x2] =	stream.indirect.gather [spmem:s1], $0x40, s30, s21, $0xb8;
	[tilespmem:$0x1D8A0] =	vst v63  }
0xc6: {  	_ =	swait.ge [sflag:s28], $0x2000  }
0xc7: {  	[sflag:s28] =	ssyncset.done $0x0  }
0xc8: {  	s15 =	rddreg [dreg:$0x1b];
	[sflag:s28] =	ssyncadd.s32 $0xFFFFE000  }
0xc9: {  	[spmem:s2] =	stream.indirect.scatter.add.f32 [tilespmem:s24], [sflag:$0x5], $0x40, s15, s21, $0xb8;
	[tilespmem:$0x1D8A0] =	vst v63  }
0xca: {  	_ =	swait.ge [sflag:s26], $0x2000  }
0xcb: {  	[sflag:s26] =	ssyncset.done $0x0  }
0xcc: {  	s16 =	rddreg [dreg:$0x1c];
	[sflag:s26] =	ssyncadd.s32 $0xFFFFE000  }
0xcd: {  	[tilespmem:s24], [sflag:$0x3] =	stream.indirect.gather [spmem:s1], $0x40, s16, s21, $0xb8;
	[tilespmem:$0x1D8A0] =	vst v63  }
0xce: {  	_ =	swait.ge [sflag:s29], $0x2000  }
0xcf: {  	[sflag:s29] =	ssyncset.done $0x0  }
0xd0: {  	s17 =	rddreg [dreg:$0x1d];
	[sflag:s29] =	ssyncadd.s32 $0xFFFFE000  }
0xd1: {  	[spmem:s2] =	stream.indirect.scatter.add.f32 [tilespmem:s25], [sflag:$0x5], $0x40, s17, s21, $0xb8;
	[tilespmem:$0x1D8A0] =	vst v63  }
0xd2: {  	_ =	swait.ge [sflag:s26], $0x2000  }
0xd3: {  	[sflag:s26] =	ssyncset.done $0x0  }
0xd4: {  	s30 =	rddreg [dreg:$0x1e];
	[sflag:s26] =	ssyncadd.s32 $0xFFFFE000  }
0xd5: {  	[tilespmem:s25], [sflag:$0x4] =	stream.indirect.gather [spmem:s1], $0x40, s30, s21, $0xb8;
	[tilespmem:$0x1D8A0] =	vst v63  }
0xd6: {  	_ =	swait.ge [sflag:s18], $0x2000  }
0xd7: {  	[sflag:s18] =	ssyncset.done $0x0  }
0xd8: {  	s15 =	rddreg [dreg:$0x1f];
	[sflag:s18] =	ssyncadd.s32 $0xFFFFE000  }
0xd9: {  	[spmem:s2] =	stream.indirect.scatter.add.f32 [tilespmem:s22], [sflag:$0x5], $0x40, s15, s21, $0xb8;
	[tilespmem:$0x1D8A0] =	vst v63  }
0xda: {  	_ =	swait.ge [sflag:s26], $0x2000  }
0xdb: {  	s16 =	sld [smem:$0x7DE]  }
0xdc: {  	[sflag:s26] =	ssyncset.done $0x0  }
0xdd: {  	[sflag:s26] =	ssyncadd.s32 $0xFFFFE000  }
0xde: {  	[tilespmem:s22], [sflag:$0x1] =	stream.indirect.gather [spmem:s1], $0x40, s16, s21, $0xb8;
	[tilespmem:$0x1D8A0] =	vst v63  }
0xdf: {  	_ =	swait.ge [sflag:s19], $0x2000  }
0xe0: {  	s17 =	sld [smem:$0x7DF]  }
0xe1: {  	[sflag:s19] =	ssyncset.done $0x0  }
0xe2: {  	[sflag:s19] =	ssyncadd.s32 $0xFFFFE000  }
0xe3: {  	[spmem:s2] =	stream.indirect.scatter.add.f32 [tilespmem:s23], [sflag:$0x5], $0x40, s17, s21, $0xb8;
	[tilespmem:$0x1D8A0] =	vst v63  }
0xe4: {  	_ =	swait.ge [sflag:s26], $0x2000  }
0xe5: {  	s30 =	sld [smem:$0x7E1]  }
0xe6: {  	[sflag:s26] =	ssyncset.done $0x0  }
0xe7: {  	[sflag:s26] =	ssyncadd.s32 $0xFFFFE000  }
0xe8: {  	[tilespmem:s23], [sflag:$0x2] =	stream.indirect.gather [spmem:s1], $0x40, s30, s21, $0xb8;
	[tilespmem:$0x1D8A0] =	vst v63  }
0xe9: {  	_ =	swait.ge [sflag:s28], $0x2000  }
0xea: {  	s15 =	sld [smem:$0x7E2]  }
0xeb: {  	[sflag:s28] =	ssyncset.done $0x0  }
0xec: {  	[sflag:s28] =	ssyncadd.s32 $0xFFFFE000  }
0xed: {  	[spmem:s2] =	stream.indirect.scatter.add.f32 [tilespmem:s24], [sflag:$0x5], $0x40, s15, s21, $0xb8;
	[tilespmem:$0x1D8A0] =	vst v63  }
0xee: {  	_ =	swait.ge [sflag:s26], $0x2000  }
0xef: {  	s16 =	sld [smem:$0x7E3]  }
0xf0: {  	[sflag:s26] =	ssyncset.done $0x0  }
0xf1: {  	[sflag:s26] =	ssyncadd.s32 $0xFFFFE000  }
0xf2: {  	[tilespmem:s24], [sflag:$0x3] =	stream.indirect.gather [spmem:s1], $0x40, s16, s21, $0xb8;
	[tilespmem:$0x1D8A0] =	vst v63  }
0xf3: {  	_ =	swait.ge [sflag:s29], $0x2000  }
0xf4: {  	s17 =	sld [smem:$0x7E5]  }
0xf5: {  	[sflag:s29] =	ssyncset.done $0x0  }
0xf6: {  	[sflag:s29] =	ssyncadd.s32 $0xFFFFE000  }
0xf7: {  	[spmem:s2] =	stream.indirect.scatter.add.f32 [tilespmem:s25], [sflag:$0x5], $0x40, s17, s21, $0xb8;
	[tilespmem:$0x1D8A0] =	vst v63  }
0xf8: {  	_ =	swait.ge [sflag:s26], $0x2000  }
0xf9: {  	s30 =	sld [smem:$0x7E6]  }
0xfa: {  	[sflag:s26] =	ssyncset.done $0x0  }
0xfb: {  	[sflag:s26] =	ssyncadd.s32 $0xFFFFE000  }
0xfc: {  	[tilespmem:s25], [sflag:$0x4] =	stream.indirect.gather [spmem:s1], $0x40, s30, s21, $0xb8;
	[tilespmem:$0x1D8A0] =	vst v63  }
0xfd: {  	_ =	swait.ge [sflag:s18], $0x2000  }
0xfe: {  	s15 =	sld [smem:$0x7E7]  }
0xff: {  	[sflag:s18] =	ssyncset.done $0x0  }
0x100: {  	[sflag:s18] =	ssyncadd.s32 $0xFFFFE000  }
0x101: {  	[spmem:s2] =	stream.indirect.scatter.add.f32 [tilespmem:s22], [sflag:$0x5], $0x40, s15, s21, $0xb8;
	[tilespmem:$0x1D8A0] =	vst v63  }
0x102: {  	_ =	swait.ge [sflag:s26], $0x2000  }
0x103: {  	s16 =	sld [smem:$0x7E9]  }
0x104: {  	[sflag:s26] =	ssyncset.done $0x0  }
0x105: {  	[sflag:s26] =	ssyncadd.s32 $0xFFFFE000  }
0x106: {  	[tilespmem:s22], [sflag:$0x1] =	stream.indirect.gather [spmem:s1], $0x40, s16, s21, $0xb8;
	[tilespmem:$0x1D8A0] =	vst v63  }
0x107: {  	_ =	swait.ge [sflag:s19], $0x2000  }
0x108: {  	s17 =	sld [smem:$0x7EB]  }
0x109: {  	[sflag:s19] =	ssyncset.done $0x0  }
0x10a: {  	[sflag:s19] =	ssyncadd.s32 $0xFFFFE000  }
0x10b: {  	[spmem:s2] =	stream.indirect.scatter.add.f32 [tilespmem:s23], [sflag:$0x5], $0x40, s17, s21, $0xb8;
	[tilespmem:$0x1D8A0] =	vst v63  }
0x10c: {  	_ =	swait.ge [sflag:s26], $0x2000  }
0x10d: {  	s30 =	sld [smem:$0x7EC]  }
0x10e: {  	[sflag:s26] =	ssyncset.done $0x0  }
0x10f: {  	[sflag:s26] =	ssyncadd.s32 $0xFFFFE000  }
0x110: {  	[tilespmem:s23], [sflag:$0x2] =	stream.indirect.gather [spmem:s1], $0x40, s30, s21, $0xb8;
	[tilespmem:$0x1D8A0] =	vst v63  }
0x111: {  	_ =	swait.ge [sflag:s28], $0x2000  }
0x112: {  	s15 =	sld [smem:$0x7EE]  }
0x113: {  	[sflag:s28] =	ssyncset.done $0x0  }
0x114: {  	[sflag:s28] =	ssyncadd.s32 $0xFFFFE000  }
0x115: {  	[spmem:s2] =	stream.indirect.scatter.add.f32 [tilespmem:s24], [sflag:$0x5], $0x40, s15, s21, $0xb8;
	[tilespmem:$0x1D8A0] =	vst v63  }
0x116: {  	_ =	swait.ge [sflag:s26], $0x2000  }
0x117: {  	s16 =	sld [smem:$0x7F1]  }
0x118: {  	[sflag:s26] =	ssyncset.done $0x0  }
0x119: {  	[sflag:s26] =	ssyncadd.s32 $0xFFFFE000  }
0x11a: {  	[tilespmem:s24], [sflag:$0x3] =	stream.indirect.gather [spmem:s1], $0x40, s16, s21, $0xb8;
	[tilespmem:$0x1D8A0] =	vst v63  }
0x11b: {  	_ =	swait.ge [sflag:s29], $0x2000  }
0x11c: {  	s17 =	sld [smem:$0x7F2]  }
0x11d: {  	[sflag:s29] =	ssyncset.done $0x0  }
0x11e: {  	[sflag:s29] =	ssyncadd.s32 $0xFFFFE000  }
0x11f: {  	[spmem:s2] =	stream.indirect.scatter.add.f32 [tilespmem:s25], [sflag:$0x5], $0x40, s17, s21, $0xb8;
	[tilespmem:$0x1D8A0] =	vst v63  }
0x120: {  	_ =	swait.ge [sflag:s26], $0x2000  }
0x121: {  	s30 =	sld [smem:$0x7F4]  }
0x122: {  	[sflag:s26] =	ssyncset.done $0x0  }
0x123: {  	[sflag:s26] =	ssyncadd.s32 $0xFFFFE000  }
0x124: {  	[tilespmem:s25], [sflag:$0x4] =	stream.indirect.gather [spmem:s1], $0x40, s30, s21, $0xb8;
	[tilespmem:$0x1D8A0] =	vst v63  }
0x125: {  	_ =	swait.ge [sflag:s18], $0x2000  }
0x126: {  	s15 =	sld [smem:$0x7F5]  }
0x127: {  	[sflag:s18] =	ssyncset.done $0x0  }
0x128: {  	[sflag:s18] =	ssyncadd.s32 $0xFFFFE000  }
0x129: {  	[spmem:s2] =	stream.indirect.scatter.add.f32 [tilespmem:s22], [sflag:$0x5], $0x40, s15, s21, $0xb8;
	[tilespmem:$0x1D8A0] =	vst v63  }
0x12a: {  	_ =	swait.ge [sflag:s26], $0x2000  }
0x12b: {  	s16 =	sld [smem:$0x7F6]  }
0x12c: {  	[sflag:s26] =	ssyncset.done $0x0  }
0x12d: {  	[sflag:s26] =	ssyncadd.s32 $0xFFFFE000  }
0x12e: {  	[tilespmem:s22], [sflag:$0x1] =	stream.indirect.gather [spmem:s1], $0x40, s16, s21, $0xb8;
	[tilespmem:$0x1D8A0] =	vst v63  }
0x12f: {  	_ =	swait.ge [sflag:s19], $0x2000  }
0x130: {  	s17 =	sld [smem:$0x7F7]  }
0x131: {  	[sflag:s19] =	ssyncset.done $0x0  }
0x132: {  	[sflag:s19] =	ssyncadd.s32 $0xFFFFE000  }
0x133: {  	[spmem:s2] =	stream.indirect.scatter.add.f32 [tilespmem:s23], [sflag:$0x5], $0x40, s17, s21, $0xb8;
	[tilespmem:$0x1D8A0] =	vst v63  }
0x134: {  	_ =	swait.ge [sflag:s26], $0x2000  }
0x135: {  	s30 =	sld [smem:$0x7F8]  }
0x136: {  	[sflag:s26] =	ssyncset.done $0x0  }
0x137: {  	[sflag:s26] =	ssyncadd.s32 $0xFFFFE000  }
0x138: {  	[tilespmem:s23], [sflag:$0x2] =	stream.indirect.gather [spmem:s1], $0x40, s30, s21, $0xb8;
	[tilespmem:$0x1D8A0] =	vst v63  }
0x139: {  	_ =	swait.ge [sflag:s28], $0x2000  }
0x13a: {  	s15 =	sld [smem:$0x7F9]  }
0x13b: {  	[sflag:s28] =	ssyncset.done $0x0  }
0x13c: {  	[sflag:s28] =	ssyncadd.s32 $0xFFFFE000  }
0x13d: {  	[spmem:s2] =	stream.indirect.scatter.add.f32 [tilespmem:s24], [sflag:$0x5], $0x40, s15, s21, $0xb8;
	[tilespmem:$0x1D8A0] =	vst v63  }
0x13e: {  	_ =	swait.ge [sflag:s26], $0x2000  }
0x13f: {  	s16 =	sld [smem:$0x7FA]  }
0x140: {  	[sflag:s26] =	ssyncset.done $0x0  }
0x141: {  	[sflag:s26] =	ssyncadd.s32 $0xFFFFE000  }
0x142: {  	[tilespmem:s24], [sflag:$0x3] =	stream.indirect.gather [spmem:s1], $0x40, s16, s21, $0xb8;
	[tilespmem:$0x1D8A0] =	vst v63  }
0x143: {  	_ =	swait.ge [sflag:s29], $0x2000  }
0x144: {  	s17 =	sld [smem:$0x7FB]  }
0x145: {  	[sflag:s29] =	ssyncset.done $0x0  }
0x146: {  	[sflag:s29] =	ssyncadd.s32 $0xFFFFE000  }
0x147: {  	[spmem:s2] =	stream.indirect.scatter.add.f32 [tilespmem:s25], [sflag:$0x5], $0x40, s17, s21, $0xb8;
	[tilespmem:$0x1D8A0] =	vst v63  }
0x148: {  	_ =	swait.ge [sflag:s26], $0x2000  }
0x149: {  	[sflag:s26] =	ssyncset.done $0x0  }
0x14a: {  	s30 =	simm.s32 $0xD80;
	[sflag:s26] =	ssyncadd.s32 $0xFFFFE000  }
0x14b: {  	[tilespmem:s25], [sflag:$0x4] =	stream.indirect.gather [spmem:s1], $0x40, s30, s21, $0xb8;
	[tilespmem:$0x1D8A0] =	vst v63  }
0x14c: {  	_ =	swait.ge [sflag:s18], $0x2000  }
0x14d: {  	[sflag:s18] =	ssyncset.done $0x0  }
0x14e: {  	[sflag:s18] =	ssyncadd.s32 $0xFFFFE000  }
0x14f: {  	[spmem:s2] =	stream.indirect.scatter.add.f32 [tilespmem:s22], [sflag:$0x5], $0x40, s31, s21, $0xb8;
	[tilespmem:$0x1D8A0] =	vst v63  }
0x150: {  	_ =	swait.ge [sflag:s26], $0x2000  }
0x151: {  	[sflag:s26] =	ssyncset.done $0x0  }
0x152: {  	[sflag:s26] =	ssyncadd.s32 $0xFFFFE000  }
0x153: {  	[tilespmem:s22], [sflag:$0x1] =	stream.indirect.gather [spmem:s1], $0x40, s0, s21, $0xb8;
	[tilespmem:$0x1D8A0] =	vst v63  }
0x154: {  	_ =	swait.ge [sflag:s19], $0x2000  }
0x155: {  	[sflag:s19] =	ssyncset.done $0x0  }
0x156: {  	[sflag:s19] =	ssyncadd.s32 $0xFFFFE000  }
0x157: {  	[spmem:s2] =	stream.indirect.scatter.add.f32 [tilespmem:s23], [sflag:$0x5], $0x40, s4, s21, $0xb8;
	[tilespmem:$0x1D8A0] =	vst v63  }
0x158: {  	_ =	swait.ge [sflag:s26], $0x2000  }
0x159: {  	[sflag:s26] =	ssyncset.done $0x0  }
0x15a: {  	[sflag:s26] =	ssyncadd.s32 $0xFFFFE000  }
0x15b: {  	[tilespmem:s23], [sflag:$0x2] =	stream.indirect.gather [spmem:s1], $0x40, s6, s21, $0xb8;
	[tilespmem:$0x1D8A0] =	vst v63  }
0x15c: {  	_ =	swait.ge [sflag:s28], $0x2000  }
0x15d: {  	[sflag:s28] =	ssyncset.done $0x0  }
0x15e: {  	[sflag:s28] =	ssyncadd.s32 $0xFFFFE000  }
0x15f: {  	[spmem:s2] =	stream.indirect.scatter.add.f32 [tilespmem:s24], [sflag:$0x5], $0x40, s7, s21, $0xb8;
	[tilespmem:$0x1D8A0] =	vst v63  }
0x160: {  	_ =	swait.ge [sflag:s26], $0x2000  }
0x161: {  	[sflag:s26] =	ssyncset.done $0x0  }
0x162: {  	[sflag:s26] =	ssyncadd.s32 $0xFFFFE000  }
0x163: {  	[tilespmem:s24], [sflag:$0x3] =	stream.indirect.gather [spmem:s1], $0x40, s8, s21, $0xb8;
	[tilespmem:$0x1D8A0] =	vst v63  }
0x164: {  	_ =	swait.ge [sflag:s29], $0x2000  }
0x165: {  	[sflag:s29] =	ssyncset.done $0x0  }
0x166: {  	[sflag:s29] =	ssyncadd.s32 $0xFFFFE000  }
0x167: {  	[spmem:s2] =	stream.indirect.scatter.add.f32 [tilespmem:s25], [sflag:$0x5], $0x40, s9, s21, $0xb8;
	[tilespmem:$0x1D8A0] =	vst v63  }
0x168: {  	_ =	swait.ge [sflag:s26], $0x2000  }
0x169: {  	[sflag:s26] =	ssyncset.done $0x0  }
0x16a: {  	[sflag:s26] =	ssyncadd.s32 $0xFFFFE000  }
0x16b: {  	[tilespmem:s25], [sflag:$0x4] =	stream.indirect.gather [spmem:s1], $0x40, s10, s21, $0xb8;
	[tilespmem:$0x1D8A0] =	vst v63  }
0x16c: {  	_ =	swait.ge [sflag:s18], $0x2000  }
0x16d: {  	[sflag:s18] =	ssyncset.done $0x0  }
0x16e: {  	[sflag:s18] =	ssyncadd.s32 $0xFFFFE000  }
0x16f: {  	[spmem:s2] =	stream.indirect.scatter.add.f32 [tilespmem:s22], [sflag:$0x5], $0x40, s11, s21, $0xb8;
	[tilespmem:$0x1D8A0] =	vst v63  }
0x170: {  	_ =	swait.ge [sflag:s26], $0x2000  }
0x171: {  	[sflag:s26] =	ssyncset.done $0x0  }
0x172: {  	[sflag:s26] =	ssyncadd.s32 $0xFFFFE000  }
0x173: {  	_ =	swait.ge [sflag:s19], $0x2000  }
0x174: {  	[sflag:s19] =	ssyncset.done $0x0  }
0x175: {  	[sflag:s19] =	ssyncadd.s32 $0xFFFFE000  }
0x176: {  	[spmem:s2] =	stream.indirect.scatter.add.f32 [tilespmem:s23], [sflag:$0x5], $0x40, s12, s21, $0xb8;
	[tilespmem:$0x1D8A0] =	vst v63  }
0x177: {  	_ =	swait.ge [sflag:s26], $0x2000  }
0x178: {  	[sflag:s26] =	ssyncset.done $0x0  }
0x179: {  	[sflag:s26] =	ssyncadd.s32 $0xFFFFE000  }
0x17a: {  	_ =	swait.ge [sflag:s28], $0x2000  }
0x17b: {  	[sflag:s28] =	ssyncset.done $0x0  }
0x17c: {  	[sflag:s28] =	ssyncadd.s32 $0xFFFFE000  }
0x17d: {  	[spmem:s2] =	stream.indirect.scatter.add.f32 [tilespmem:s24], [sflag:$0x5], $0x40, s13, s21, $0xb8;
	[tilespmem:$0x1D8A0] =	vst v63  }
0x17e: {  	_ =	swait.ge [sflag:s26], $0x2000  }
0x17f: {  	[sflag:s26] =	ssyncset.done $0x0  }
0x180: {  	[sflag:s26] =	ssyncadd.s32 $0xFFFFE000  }
0x181: {  	_ =	swait.ge [sflag:s29], $0x2000  }
0x182: {  	[sflag:s29] =	ssyncset.done $0x0  }
0x183: {  	[sflag:s29] =	ssyncadd.s32 $0xFFFFE000  }
0x184: {  	[spmem:s2] =	stream.indirect.scatter.add.f32 [tilespmem:s25], [sflag:$0x5], $0x40, s14, s21, $0xb8;
	[tilespmem:$0x1D8A0] =	vst v63  }
0x185: {  	s5 =	simm.s32 $0x200;
	_ =	swait.ge [sflag:s26], $0x2000  }
0x186: {  	s15 =	simm.s32 $0x400;
	s17 =	rddreg [dreg:$0x5];
	[sflag:s26] =	ssyncset.done $0x0  }
.LBB2_2:
0x187: {  	[sflag:s26] =	ssyncadd.s32 $0xFFFFE000;
	s30 =	rddreg [dreg:$0x4];
	s17 =	sadd.s32 s5, s17  }
0x188: {  	[tilespmem:s3], [sflag:$0x1] =	stream.linear.gather [hbm4b:s17+s3], $0x1000, $0x38;
	[tilespmem:$0x1D8A0] =	vst v63  }
0x189: {  	s30 =	sadd.s32 s5, s30  }
0x18a: {  	[tilespmem:s20], [sflag:$0x2] =	stream.linear.gather [hbm4b:s30+s3], $0x1000, $0x38;
	[tilespmem:$0x1D8A0] =	vst v63  }
0x18b: {  	_ =	swait.ge [sflag:s18], $0x1000  }
0x18c: {  	[sflag:s18] =	ssyncset.done $0x0  }
0x18d: {  	[sflag:s18] =	ssyncadd.s32 $0xFFFFF000  }
0x18e: {  	_ =	swait.ge [sflag:s19], $0x1000  }
0x18f: {  	[sflag:s19] =	ssyncset.done $0x0  }
0x190: {  	[sflag:s19] =	ssyncadd.s32 $0xFFFFF000  }
0x191: {  	[tilespmem:s22], [sflag:$0x1] =	stream.indirect.gather [spmem:s1], $0x40, s3, s21, $0xb8;
	[tilespmem:$0x1D8A0] =	vst v63  }
0x192: {  	_ = 	snop  }
0x193: {  	[tilespmem:s23], [sflag:$0x2] =	stream.indirect.gather [spmem:s1], $0x40, s21, s21, $0xb8;
	[tilespmem:$0x1D8A0] =	vst v63  }
0x194: {  	s17 =	rddreg [dreg:$0x6]  }
0x195: {  	[tilespmem:s24], [sflag:$0x3] =	stream.indirect.gather [spmem:s1], $0x40, s17, s21, $0xb8;
	[tilespmem:$0x1D8A0] =	vst v63  }
0x196: {  	s30 =	rddreg [dreg:$0x7]  }
0x197: {  	[tilespmem:s25], [sflag:$0x4] =	stream.indirect.gather [spmem:s1], $0x40, s30, s21, $0xb8;
	[tilespmem:$0x1D8A0] =	vst v63  }
0x198: {  	_ =	swait.ge [sflag:s18], $0x2000  }
0x199: {  	[sflag:s18] =	ssyncset.done $0x0  }
0x19a: {  	[sflag:s18] =	ssyncadd.s32 $0xFFFFE000  }
0x19b: {  	[spmem:s2] =	stream.indirect.scatter.add.f32 [tilespmem:s22], [sflag:$0x5], $0x40, s20, s21, $0xb8;
	[tilespmem:$0x1D8A0] =	vst v63  }
0x19c: {  	_ =	swait.ge [sflag:s26], $0x2000  }
0x19d: {  	[sflag:s26] =	ssyncset.done $0x0  }
0x19e: {  	s30 =	rddreg [dreg:$0x8];
	[sflag:s26] =	ssyncadd.s32 $0xFFFFE000  }
0x19f: {  	[tilespmem:s22], [sflag:$0x1] =	stream.indirect.gather [spmem:s1], $0x40, s30, s21, $0xb8;
	[tilespmem:$0x1D8A0] =	vst v63  }
0x1a0: {  	_ =	swait.ge [sflag:s19], $0x2000  }
0x1a1: {  	[sflag:s19] =	ssyncset.done $0x0  }
0x1a2: {  	s17 =	rddreg [dreg:$0x9];
	[sflag:s19] =	ssyncadd.s32 $0xFFFFE000  }
0x1a3: {  	[spmem:s2] =	stream.indirect.scatter.add.f32 [tilespmem:s23], [sflag:$0x5], $0x40, s17, s21, $0xb8;
	[tilespmem:$0x1D8A0] =	vst v63  }
0x1a4: {  	_ =	swait.ge [sflag:s26], $0x2000  }
0x1a5: {  	[sflag:s26] =	ssyncset.done $0x0  }
0x1a6: {  	s30 =	rddreg [dreg:$0xa];
	[sflag:s26] =	ssyncadd.s32 $0xFFFFE000  }
0x1a7: {  	[tilespmem:s23], [sflag:$0x2] =	stream.indirect.gather [spmem:s1], $0x40, s30, s21, $0xb8;
	[tilespmem:$0x1D8A0] =	vst v63  }
0x1a8: {  	_ =	swait.ge [sflag:s28], $0x2000  }
0x1a9: {  	[sflag:s28] =	ssyncset.done $0x0  }
0x1aa: {  	s17 =	rddreg [dreg:$0xb];
	[sflag:s28] =	ssyncadd.s32 $0xFFFFE000  }
0x1ab: {  	[spmem:s2] =	stream.indirect.scatter.add.f32 [tilespmem:s24], [sflag:$0x5], $0x40, s17, s21, $0xb8;
	[tilespmem:$0x1D8A0] =	vst v63  }
0x1ac: {  	_ =	swait.ge [sflag:s26], $0x2000  }
0x1ad: {  	[sflag:s26] =	ssyncset.done $0x0  }
0x1ae: {  	s30 =	rddreg [dreg:$0xc];
	[sflag:s26] =	ssyncadd.s32 $0xFFFFE000  }
0x1af: {  	[tilespmem:s24], [sflag:$0x3] =	stream.indirect.gather [spmem:s1], $0x40, s30, s21, $0xb8;
	[tilespmem:$0x1D8A0] =	vst v63  }
0x1b0: {  	_ =	swait.ge [sflag:s29], $0x2000  }
0x1b1: {  	[sflag:s29] =	ssyncset.done $0x0  }
0x1b2: {  	s17 =	rddreg [dreg:$0xd];
	[sflag:s29] =	ssyncadd.s32 $0xFFFFE000  }
0x1b3: {  	[spmem:s2] =	stream.indirect.scatter.add.f32 [tilespmem:s25], [sflag:$0x5], $0x40, s17, s21, $0xb8;
	[tilespmem:$0x1D8A0] =	vst v63  }
0x1b4: {  	_ =	swait.ge [sflag:s26], $0x2000  }
0x1b5: {  	[sflag:s26] =	ssyncset.done $0x0  }
0x1b6: {  	s30 =	rddreg [dreg:$0xe];
	[sflag:s26] =	ssyncadd.s32 $0xFFFFE000  }
0x1b7: {  	[tilespmem:s25], [sflag:$0x4] =	stream.indirect.gather [spmem:s1], $0x40, s30, s21, $0xb8;
	[tilespmem:$0x1D8A0] =	vst v63  }
0x1b8: {  	_ =	swait.ge [sflag:s18], $0x2000  }
0x1b9: {  	[sflag:s18] =	ssyncset.done $0x0  }
0x1ba: {  	s17 =	rddreg [dreg:$0xf];
	[sflag:s18] =	ssyncadd.s32 $0xFFFFE000  }
0x1bb: {  	[spmem:s2] =	stream.indirect.scatter.add.f32 [tilespmem:s22], [sflag:$0x5], $0x40, s17, s21, $0xb8;
	[tilespmem:$0x1D8A0] =	vst v63  }
0x1bc: {  	_ =	swait.ge [sflag:s26], $0x2000  }
0x1bd: {  	[sflag:s26] =	ssyncset.done $0x0  }
0x1be: {  	s30 =	rddreg [dreg:$0x10];
	[sflag:s26] =	ssyncadd.s32 $0xFFFFE000  }
0x1bf: {  	[tilespmem:s22], [sflag:$0x1] =	stream.indirect.gather [spmem:s1], $0x40, s30, s21, $0xb8;
	[tilespmem:$0x1D8A0] =	vst v63  }
0x1c0: {  	_ =	swait.ge [sflag:s19], $0x2000  }
0x1c1: {  	[sflag:s19] =	ssyncset.done $0x0  }
0x1c2: {  	s17 =	rddreg [dreg:$0x11];
	[sflag:s19] =	ssyncadd.s32 $0xFFFFE000  }
0x1c3: {  	[spmem:s2] =	stream.indirect.scatter.add.f32 [tilespmem:s23], [sflag:$0x5], $0x40, s17, s21, $0xb8;
	[tilespmem:$0x1D8A0] =	vst v63  }
0x1c4: {  	_ =	swait.ge [sflag:s26], $0x2000  }
0x1c5: {  	[sflag:s26] =	ssyncset.done $0x0  }
0x1c6: {  	s30 =	rddreg [dreg:$0x12];
	[sflag:s26] =	ssyncadd.s32 $0xFFFFE000  }
0x1c7: {  	[tilespmem:s23], [sflag:$0x2] =	stream.indirect.gather [spmem:s1], $0x40, s30, s21, $0xb8;
	[tilespmem:$0x1D8A0] =	vst v63  }
0x1c8: {  	_ =	swait.ge [sflag:s28], $0x2000  }
0x1c9: {  	[sflag:s28] =	ssyncset.done $0x0  }
0x1ca: {  	s17 =	rddreg [dreg:$0x13];
	[sflag:s28] =	ssyncadd.s32 $0xFFFFE000  }
0x1cb: {  	[spmem:s2] =	stream.indirect.scatter.add.f32 [tilespmem:s24], [sflag:$0x5], $0x40, s17, s21, $0xb8;
	[tilespmem:$0x1D8A0] =	vst v63  }
0x1cc: {  	_ =	swait.ge [sflag:s26], $0x2000  }
0x1cd: {  	[sflag:s26] =	ssyncset.done $0x0  }
0x1ce: {  	s30 =	rddreg [dreg:$0x14];
	[sflag:s26] =	ssyncadd.s32 $0xFFFFE000  }
0x1cf: {  	[tilespmem:s24], [sflag:$0x3] =	stream.indirect.gather [spmem:s1], $0x40, s30, s21, $0xb8;
	[tilespmem:$0x1D8A0] =	vst v63  }
0x1d0: {  	_ =	swait.ge [sflag:s29], $0x2000  }
0x1d1: {  	[sflag:s29] =	ssyncset.done $0x0  }
0x1d2: {  	s17 =	rddreg [dreg:$0x15];
	[sflag:s29] =	ssyncadd.s32 $0xFFFFE000  }
0x1d3: {  	[spmem:s2] =	stream.indirect.scatter.add.f32 [tilespmem:s25], [sflag:$0x5], $0x40, s17, s21, $0xb8;
	[tilespmem:$0x1D8A0] =	vst v63  }
0x1d4: {  	_ =	swait.ge [sflag:s26], $0x2000  }
0x1d5: {  	[sflag:s26] =	ssyncset.done $0x0  }
0x1d6: {  	s30 =	rddreg [dreg:$0x16];
	[sflag:s26] =	ssyncadd.s32 $0xFFFFE000  }
0x1d7: {  	[tilespmem:s25], [sflag:$0x4] =	stream.indirect.gather [spmem:s1], $0x40, s30, s21, $0xb8;
	[tilespmem:$0x1D8A0] =	vst v63  }
0x1d8: {  	_ =	swait.ge [sflag:s18], $0x2000  }
0x1d9: {  	[sflag:s18] =	ssyncset.done $0x0  }
0x1da: {  	s17 =	rddreg [dreg:$0x17];
	[sflag:s18] =	ssyncadd.s32 $0xFFFFE000  }
0x1db: {  	[spmem:s2] =	stream.indirect.scatter.add.f32 [tilespmem:s22], [sflag:$0x5], $0x40, s17, s21, $0xb8;
	[tilespmem:$0x1D8A0] =	vst v63  }
0x1dc: {  	_ =	swait.ge [sflag:s26], $0x2000  }
0x1dd: {  	[sflag:s26] =	ssyncset.done $0x0  }
0x1de: {  	s30 =	rddreg [dreg:$0x18];
	[sflag:s26] =	ssyncadd.s32 $0xFFFFE000  }
0x1df: {  	[tilespmem:s22], [sflag:$0x1] =	stream.indirect.gather [spmem:s1], $0x40, s30, s21, $0xb8;
	[tilespmem:$0x1D8A0] =	vst v63  }
0x1e0: {  	_ =	swait.ge [sflag:s19], $0x2000  }
0x1e1: {  	[sflag:s19] =	ssyncset.done $0x0  }
0x1e2: {  	s17 =	rddreg [dreg:$0x19];
	[sflag:s19] =	ssyncadd.s32 $0xFFFFE000  }
0x1e3: {  	[spmem:s2] =	stream.indirect.scatter.add.f32 [tilespmem:s23], [sflag:$0x5], $0x40, s17, s21, $0xb8;
	[tilespmem:$0x1D8A0] =	vst v63  }
0x1e4: {  	_ =	swait.ge [sflag:s26], $0x2000  }
0x1e5: {  	[sflag:s26] =	ssyncset.done $0x0  }
0x1e6: {  	s30 =	rddreg [dreg:$0x1a];
	[sflag:s26] =	ssyncadd.s32 $0xFFFFE000  }
0x1e7: {  	[tilespmem:s23], [sflag:$0x2] =	stream.indirect.gather [spmem:s1], $0x40, s30, s21, $0xb8;
	[tilespmem:$0x1D8A0] =	vst v63  }
0x1e8: {  	_ =	swait.ge [sflag:s28], $0x2000  }
0x1e9: {  	[sflag:s28] =	ssyncset.done $0x0  }
0x1ea: {  	s17 =	rddreg [dreg:$0x1b];
	[sflag:s28] =	ssyncadd.s32 $0xFFFFE000  }
0x1eb: {  	[spmem:s2] =	stream.indirect.scatter.add.f32 [tilespmem:s24], [sflag:$0x5], $0x40, s17, s21, $0xb8;
	[tilespmem:$0x1D8A0] =	vst v63  }
0x1ec: {  	_ =	swait.ge [sflag:s26], $0x2000  }
0x1ed: {  	[sflag:s26] =	ssyncset.done $0x0  }
0x1ee: {  	s30 =	rddreg [dreg:$0x1c];
	[sflag:s26] =	ssyncadd.s32 $0xFFFFE000  }
0x1ef: {  	[tilespmem:s24], [sflag:$0x3] =	stream.indirect.gather [spmem:s1], $0x40, s30, s21, $0xb8;
	[tilespmem:$0x1D8A0] =	vst v63  }
0x1f0: {  	_ =	swait.ge [sflag:s29], $0x2000  }
0x1f1: {  	[sflag:s29] =	ssyncset.done $0x0  }
0x1f2: {  	s17 =	rddreg [dreg:$0x1d];
	[sflag:s29] =	ssyncadd.s32 $0xFFFFE000  }
0x1f3: {  	[spmem:s2] =	stream.indirect.scatter.add.f32 [tilespmem:s25], [sflag:$0x5], $0x40, s17, s21, $0xb8;
	[tilespmem:$0x1D8A0] =	vst v63  }
0x1f4: {  	_ =	swait.ge [sflag:s26], $0x2000  }
0x1f5: {  	[sflag:s26] =	ssyncset.done $0x0  }
0x1f6: {  	s30 =	rddreg [dreg:$0x1e];
	[sflag:s26] =	ssyncadd.s32 $0xFFFFE000  }
0x1f7: {  	[tilespmem:s25], [sflag:$0x4] =	stream.indirect.gather [spmem:s1], $0x40, s30, s21, $0xb8;
	[tilespmem:$0x1D8A0] =	vst v63  }
0x1f8: {  	_ =	swait.ge [sflag:s18], $0x2000  }
0x1f9: {  	[sflag:s18] =	ssyncset.done $0x0  }
0x1fa: {  	s17 =	rddreg [dreg:$0x1f];
	[sflag:s18] =	ssyncadd.s32 $0xFFFFE000  }
0x1fb: {  	[spmem:s2] =	stream.indirect.scatter.add.f32 [tilespmem:s22], [sflag:$0x5], $0x40, s17, s21, $0xb8;
	[tilespmem:$0x1D8A0] =	vst v63  }
0x1fc: {  	_ =	swait.ge [sflag:s26], $0x2000  }
0x1fd: {  	s30 =	sld [smem:$0x7DE]  }
0x1fe: {  	[sflag:s26] =	ssyncset.done $0x0  }
0x1ff: {  	[sflag:s26] =	ssyncadd.s32 $0xFFFFE000  }
0x200: {  	[tilespmem:s22], [sflag:$0x1] =	stream.indirect.gather [spmem:s1], $0x40, s30, s21, $0xb8;
	[tilespmem:$0x1D8A0] =	vst v63  }
0x201: {  	_ =	swait.ge [sflag:s19], $0x2000  }
0x202: {  	s17 =	sld [smem:$0x7DF]  }
0x203: {  	[sflag:s19] =	ssyncset.done $0x0  }
0x204: {  	[sflag:s19] =	ssyncadd.s32 $0xFFFFE000  }
0x205: {  	[spmem:s2] =	stream.indirect.scatter.add.f32 [tilespmem:s23], [sflag:$0x5], $0x40, s17, s21, $0xb8;
	[tilespmem:$0x1D8A0] =	vst v63  }
0x206: {  	_ =	swait.ge [sflag:s26], $0x2000  }
0x207: {  	s30 =	sld [smem:$0x7E1]  }
0x208: {  	[sflag:s26] =	ssyncset.done $0x0  }
0x209: {  	[sflag:s26] =	ssyncadd.s32 $0xFFFFE000  }
0x20a: {  	[tilespmem:s23], [sflag:$0x2] =	stream.indirect.gather [spmem:s1], $0x40, s30, s21, $0xb8;
	[tilespmem:$0x1D8A0] =	vst v63  }
0x20b: {  	_ =	swait.ge [sflag:s28], $0x2000  }
0x20c: {  	s17 =	sld [smem:$0x7E2]  }
0x20d: {  	[sflag:s28] =	ssyncset.done $0x0  }
0x20e: {  	[sflag:s28] =	ssyncadd.s32 $0xFFFFE000  }
0x20f: {  	[spmem:s2] =	stream.indirect.scatter.add.f32 [tilespmem:s24], [sflag:$0x5], $0x40, s17, s21, $0xb8;
	[tilespmem:$0x1D8A0] =	vst v63  }
0x210: {  	_ =	swait.ge [sflag:s26], $0x2000  }
0x211: {  	s30 =	sld [smem:$0x7E3]  }
0x212: {  	[sflag:s26] =	ssyncset.done $0x0  }
0x213: {  	[sflag:s26] =	ssyncadd.s32 $0xFFFFE000  }
0x214: {  	[tilespmem:s24], [sflag:$0x3] =	stream.indirect.gather [spmem:s1], $0x40, s30, s21, $0xb8;
	[tilespmem:$0x1D8A0] =	vst v63  }
0x215: {  	_ =	swait.ge [sflag:s29], $0x2000  }
0x216: {  	s17 =	sld [smem:$0x7E5]  }
0x217: {  	[sflag:s29] =	ssyncset.done $0x0  }
0x218: {  	[sflag:s29] =	ssyncadd.s32 $0xFFFFE000  }
0x219: {  	[spmem:s2] =	stream.indirect.scatter.add.f32 [tilespmem:s25], [sflag:$0x5], $0x40, s17, s21, $0xb8;
	[tilespmem:$0x1D8A0] =	vst v63  }
0x21a: {  	_ =	swait.ge [sflag:s26], $0x2000  }
0x21b: {  	s30 =	sld [smem:$0x7E6]  }
0x21c: {  	[sflag:s26] =	ssyncset.done $0x0  }
0x21d: {  	[sflag:s26] =	ssyncadd.s32 $0xFFFFE000  }
0x21e: {  	[tilespmem:s25], [sflag:$0x4] =	stream.indirect.gather [spmem:s1], $0x40, s30, s21, $0xb8;
	[tilespmem:$0x1D8A0] =	vst v63  }
0x21f: {  	_ =	swait.ge [sflag:s18], $0x2000  }
0x220: {  	s17 =	sld [smem:$0x7E7]  }
0x221: {  	[sflag:s18] =	ssyncset.done $0x0  }
0x222: {  	[sflag:s18] =	ssyncadd.s32 $0xFFFFE000  }
0x223: {  	[spmem:s2] =	stream.indirect.scatter.add.f32 [tilespmem:s22], [sflag:$0x5], $0x40, s17, s21, $0xb8;
	[tilespmem:$0x1D8A0] =	vst v63  }
0x224: {  	_ =	swait.ge [sflag:s26], $0x2000  }
0x225: {  	s30 =	sld [smem:$0x7E9]  }
0x226: {  	[sflag:s26] =	ssyncset.done $0x0  }
0x227: {  	[sflag:s26] =	ssyncadd.s32 $0xFFFFE000  }
0x228: {  	[tilespmem:s22], [sflag:$0x1] =	stream.indirect.gather [spmem:s1], $0x40, s30, s21, $0xb8;
	[tilespmem:$0x1D8A0] =	vst v63  }
0x229: {  	_ =	swait.ge [sflag:s19], $0x2000  }
0x22a: {  	s17 =	sld [smem:$0x7EB]  }
0x22b: {  	[sflag:s19] =	ssyncset.done $0x0  }
0x22c: {  	[sflag:s19] =	ssyncadd.s32 $0xFFFFE000  }
0x22d: {  	[spmem:s2] =	stream.indirect.scatter.add.f32 [tilespmem:s23], [sflag:$0x5], $0x40, s17, s21, $0xb8;
	[tilespmem:$0x1D8A0] =	vst v63  }
0x22e: {  	_ =	swait.ge [sflag:s26], $0x2000  }
0x22f: {  	s30 =	sld [smem:$0x7EC]  }
0x230: {  	[sflag:s26] =	ssyncset.done $0x0  }
0x231: {  	[sflag:s26] =	ssyncadd.s32 $0xFFFFE000  }
0x232: {  	[tilespmem:s23], [sflag:$0x2] =	stream.indirect.gather [spmem:s1], $0x40, s30, s21, $0xb8;
	[tilespmem:$0x1D8A0] =	vst v63  }
0x233: {  	_ =	swait.ge [sflag:s28], $0x2000  }
0x234: {  	s17 =	sld [smem:$0x7EE]  }
0x235: {  	[sflag:s28] =	ssyncset.done $0x0  }
0x236: {  	[sflag:s28] =	ssyncadd.s32 $0xFFFFE000  }
0x237: {  	[spmem:s2] =	stream.indirect.scatter.add.f32 [tilespmem:s24], [sflag:$0x5], $0x40, s17, s21, $0xb8;
	[tilespmem:$0x1D8A0] =	vst v63  }
0x238: {  	_ =	swait.ge [sflag:s26], $0x2000  }
0x239: {  	s30 =	sld [smem:$0x7F1]  }
0x23a: {  	[sflag:s26] =	ssyncset.done $0x0  }
0x23b: {  	[sflag:s26] =	ssyncadd.s32 $0xFFFFE000  }
0x23c: {  	[tilespmem:s24], [sflag:$0x3] =	stream.indirect.gather [spmem:s1], $0x40, s30, s21, $0xb8;
	[tilespmem:$0x1D8A0] =	vst v63  }
0x23d: {  	_ =	swait.ge [sflag:s29], $0x2000  }
0x23e: {  	s17 =	sld [smem:$0x7F2]  }
0x23f: {  	[sflag:s29] =	ssyncset.done $0x0  }
0x240: {  	[sflag:s29] =	ssyncadd.s32 $0xFFFFE000  }
0x241: {  	[spmem:s2] =	stream.indirect.scatter.add.f32 [tilespmem:s25], [sflag:$0x5], $0x40, s17, s21, $0xb8;
	[tilespmem:$0x1D8A0] =	vst v63  }
0x242: {  	_ =	swait.ge [sflag:s26], $0x2000  }
0x243: {  	s30 =	sld [smem:$0x7F4]  }
0x244: {  	[sflag:s26] =	ssyncset.done $0x0  }
0x245: {  	[sflag:s26] =	ssyncadd.s32 $0xFFFFE000  }
0x246: {  	[tilespmem:s25], [sflag:$0x4] =	stream.indirect.gather [spmem:s1], $0x40, s30, s21, $0xb8;
	[tilespmem:$0x1D8A0] =	vst v63  }
0x247: {  	_ =	swait.ge [sflag:s18], $0x2000  }
0x248: {  	s17 =	sld [smem:$0x7F5]  }
0x249: {  	[sflag:s18] =	ssyncset.done $0x0  }
0x24a: {  	[sflag:s18] =	ssyncadd.s32 $0xFFFFE000  }
0x24b: {  	[spmem:s2] =	stream.indirect.scatter.add.f32 [tilespmem:s22], [sflag:$0x5], $0x40, s17, s21, $0xb8;
	[tilespmem:$0x1D8A0] =	vst v63  }
0x24c: {  	_ =	swait.ge [sflag:s26], $0x2000  }
0x24d: {  	s30 =	sld [smem:$0x7F6]  }
0x24e: {  	[sflag:s26] =	ssyncset.done $0x0  }
0x24f: {  	[sflag:s26] =	ssyncadd.s32 $0xFFFFE000  }
0x250: {  	[tilespmem:s22], [sflag:$0x1] =	stream.indirect.gather [spmem:s1], $0x40, s30, s21, $0xb8;
	[tilespmem:$0x1D8A0] =	vst v63  }
0x251: {  	_ =	swait.ge [sflag:s19], $0x2000  }
0x252: {  	s17 =	sld [smem:$0x7F7]  }
0x253: {  	[sflag:s19] =	ssyncset.done $0x0  }
0x254: {  	[sflag:s19] =	ssyncadd.s32 $0xFFFFE000  }
0x255: {  	[spmem:s2] =	stream.indirect.scatter.add.f32 [tilespmem:s23], [sflag:$0x5], $0x40, s17, s21, $0xb8;
	[tilespmem:$0x1D8A0] =	vst v63  }
0x256: {  	_ =	swait.ge [sflag:s26], $0x2000  }
0x257: {  	s30 =	sld [smem:$0x7F8]  }
0x258: {  	[sflag:s26] =	ssyncset.done $0x0  }
0x259: {  	[sflag:s26] =	ssyncadd.s32 $0xFFFFE000  }
0x25a: {  	[tilespmem:s23], [sflag:$0x2] =	stream.indirect.gather [spmem:s1], $0x40, s30, s21, $0xb8;
	[tilespmem:$0x1D8A0] =	vst v63  }
0x25b: {  	_ =	swait.ge [sflag:s28], $0x2000  }
0x25c: {  	s17 =	sld [smem:$0x7F9]  }
0x25d: {  	[sflag:s28] =	ssyncset.done $0x0  }
0x25e: {  	[sflag:s28] =	ssyncadd.s32 $0xFFFFE000  }
0x25f: {  	[spmem:s2] =	stream.indirect.scatter.add.f32 [tilespmem:s24], [sflag:$0x5], $0x40, s17, s21, $0xb8;
	[tilespmem:$0x1D8A0] =	vst v63  }
0x260: {  	_ =	swait.ge [sflag:s26], $0x2000  }
0x261: {  	s30 =	sld [smem:$0x7FA]  }
0x262: {  	[sflag:s26] =	ssyncset.done $0x0  }
0x263: {  	[sflag:s26] =	ssyncadd.s32 $0xFFFFE000  }
0x264: {  	[tilespmem:s24], [sflag:$0x3] =	stream.indirect.gather [spmem:s1], $0x40, s30, s21, $0xb8;
	[tilespmem:$0x1D8A0] =	vst v63  }
0x265: {  	_ =	swait.ge [sflag:s29], $0x2000  }
0x266: {  	s17 =	sld [smem:$0x7FB]  }
0x267: {  	[sflag:s29] =	ssyncset.done $0x0  }
0x268: {  	[sflag:s29] =	ssyncadd.s32 $0xFFFFE000  }
0x269: {  	[spmem:s2] =	stream.indirect.scatter.add.f32 [tilespmem:s25], [sflag:$0x5], $0x40, s17, s21, $0xb8;
	[tilespmem:$0x1D8A0] =	vst v63  }
0x26a: {  	_ =	swait.ge [sflag:s26], $0x2000  }
0x26b: {  	[sflag:s26] =	ssyncset.done $0x0  }
0x26c: {  	s30 =	simm.s32 $0xD80;
	[sflag:s26] =	ssyncadd.s32 $0xFFFFE000  }
0x26d: {  	[tilespmem:s25], [sflag:$0x4] =	stream.indirect.gather [spmem:s1], $0x40, s30, s21, $0xb8;
	[tilespmem:$0x1D8A0] =	vst v63  }
0x26e: {  	_ =	swait.ge [sflag:s18], $0x2000  }
0x26f: {  	[sflag:s18] =	ssyncset.done $0x0  }
0x270: {  	[sflag:s18] =	ssyncadd.s32 $0xFFFFE000  }
0x271: {  	[spmem:s2] =	stream.indirect.scatter.add.f32 [tilespmem:s22], [sflag:$0x5], $0x40, s31, s21, $0xb8;
	[tilespmem:$0x1D8A0] =	vst v63  }
0x272: {  	_ =	swait.ge [sflag:s26], $0x2000  }
0x273: {  	[sflag:s26] =	ssyncset.done $0x0  }
0x274: {  	[sflag:s26] =	ssyncadd.s32 $0xFFFFE000  }
0x275: {  	[tilespmem:s22], [sflag:$0x1] =	stream.indirect.gather [spmem:s1], $0x40, s0, s21, $0xb8;
	[tilespmem:$0x1D8A0] =	vst v63  }
0x276: {  	_ =	swait.ge [sflag:s19], $0x2000  }
0x277: {  	[sflag:s19] =	ssyncset.done $0x0  }
0x278: {  	[sflag:s19] =	ssyncadd.s32 $0xFFFFE000  }
0x279: {  	[spmem:s2] =	stream.indirect.scatter.add.f32 [tilespmem:s23], [sflag:$0x5], $0x40, s4, s21, $0xb8;
	[tilespmem:$0x1D8A0] =	vst v63  }
0x27a: {  	_ =	swait.ge [sflag:s26], $0x2000  }
0x27b: {  	[sflag:s26] =	ssyncset.done $0x0  }
0x27c: {  	[sflag:s26] =	ssyncadd.s32 $0xFFFFE000  }
0x27d: {  	[tilespmem:s23], [sflag:$0x2] =	stream.indirect.gather [spmem:s1], $0x40, s6, s21, $0xb8;
	[tilespmem:$0x1D8A0] =	vst v63  }
0x27e: {  	_ =	swait.ge [sflag:s28], $0x2000  }
0x27f: {  	[sflag:s28] =	ssyncset.done $0x0  }
0x280: {  	[sflag:s28] =	ssyncadd.s32 $0xFFFFE000  }
0x281: {  	[spmem:s2] =	stream.indirect.scatter.add.f32 [tilespmem:s24], [sflag:$0x5], $0x40, s7, s21, $0xb8;
	[tilespmem:$0x1D8A0] =	vst v63  }
0x282: {  	_ =	swait.ge [sflag:s26], $0x2000  }
0x283: {  	[sflag:s26] =	ssyncset.done $0x0  }
0x284: {  	[sflag:s26] =	ssyncadd.s32 $0xFFFFE000  }
0x285: {  	[tilespmem:s24], [sflag:$0x3] =	stream.indirect.gather [spmem:s1], $0x40, s8, s21, $0xb8;
	[tilespmem:$0x1D8A0] =	vst v63  }
0x286: {  	_ =	swait.ge [sflag:s29], $0x2000  }
0x287: {  	[sflag:s29] =	ssyncset.done $0x0  }
0x288: {  	[sflag:s29] =	ssyncadd.s32 $0xFFFFE000  }
0x289: {  	[spmem:s2] =	stream.indirect.scatter.add.f32 [tilespmem:s25], [sflag:$0x5], $0x40, s9, s21, $0xb8;
	[tilespmem:$0x1D8A0] =	vst v63  }
0x28a: {  	_ =	swait.ge [sflag:s26], $0x2000  }
0x28b: {  	[sflag:s26] =	ssyncset.done $0x0  }
0x28c: {  	[sflag:s26] =	ssyncadd.s32 $0xFFFFE000  }
0x28d: {  	[tilespmem:s25], [sflag:$0x4] =	stream.indirect.gather [spmem:s1], $0x40, s10, s21, $0xb8;
	[tilespmem:$0x1D8A0] =	vst v63  }
0x28e: {  	_ =	swait.ge [sflag:s18], $0x2000  }
0x28f: {  	[sflag:s18] =	ssyncset.done $0x0  }
0x290: {  	[sflag:s18] =	ssyncadd.s32 $0xFFFFE000  }
0x291: {  	[spmem:s2] =	stream.indirect.scatter.add.f32 [tilespmem:s22], [sflag:$0x5], $0x40, s11, s21, $0xb8;
	[tilespmem:$0x1D8A0] =	vst v63  }
0x292: {  	_ =	swait.ge [sflag:s26], $0x2000  }
0x293: {  	[sflag:s26] =	ssyncset.done $0x0  }
0x294: {  	[sflag:s26] =	ssyncadd.s32 $0xFFFFE000  }
0x295: {  	_ =	swait.ge [sflag:s19], $0x2000  }
0x296: {  	[sflag:s19] =	ssyncset.done $0x0  }
0x297: {  	[sflag:s19] =	ssyncadd.s32 $0xFFFFE000  }
0x298: {  	[spmem:s2] =	stream.indirect.scatter.add.f32 [tilespmem:s23], [sflag:$0x5], $0x40, s12, s21, $0xb8;
	[tilespmem:$0x1D8A0] =	vst v63  }
0x299: {  	_ =	swait.ge [sflag:s26], $0x2000  }
0x29a: {  	[sflag:s26] =	ssyncset.done $0x0  }
0x29b: {  	[sflag:s26] =	ssyncadd.s32 $0xFFFFE000  }
0x29c: {  	_ =	swait.ge [sflag:s28], $0x2000  }
0x29d: {  	[sflag:s28] =	ssyncset.done $0x0  }
0x29e: {  	[sflag:s28] =	ssyncadd.s32 $0xFFFFE000  }
0x29f: {  	[spmem:s2] =	stream.indirect.scatter.add.f32 [tilespmem:s24], [sflag:$0x5], $0x40, s13, s21, $0xb8;
	[tilespmem:$0x1D8A0] =	vst v63  }
0x2a0: {  	_ =	swait.ge [sflag:s26], $0x2000  }
0x2a1: {  	[sflag:s26] =	ssyncset.done $0x0  }
0x2a2: {  	[sflag:s26] =	ssyncadd.s32 $0xFFFFE000  }
0x2a3: {  	p1 =	sne.s32 s15, $0x800;
	_ =	swait.ge [sflag:s29], $0x2000  }
.Ltmp0:
0x2a4: {  	[sflag:s29] =	ssyncset.done $0x0;
	(pc) =	sbr.rel @p1 .LBB2_2-.Ltmp0, $4  }
0x2a5: {  	[sflag:s29] =	ssyncadd.s32 $0xFFFFE000  }
0x2a6: {  	[spmem:s2] =	stream.indirect.scatter.add.f32 [tilespmem:s25], [sflag:$0x5], $0x40, s14, s21, $0xb8;
	[tilespmem:$0x1D8A0] =	vst v63  }
0x2a7: {  	s16 =	smov.u32 s15;
	s15 =	sadd.s32 $0x200, s15;
	_ =	swait.ge [sflag:s26], $0x2000  }
0x2a8: {  	s5 =	smov.u32 s16;
	s17 =	rddreg [dreg:$0x5];
	[sflag:s26] =	ssyncset.done $0x0  }
0x2a9: {  	s15 =	rddreg [dreg:$0x4];
	[sflag:s26] =	ssyncadd.s32 $0xFFFFE000;
	s16 =	sadd.s32 s5, s17  }
0x2aa: {  	[tilespmem:s3], [sflag:$0x1] =	stream.linear.gather [hbm4b:s16+s3], $0x1000, $0x38;
	[tilespmem:$0x1D8A0] =	vst v63  }
0x2ab: {  	s15 =	sadd.s32 s5, s15  }
0x2ac: {  	[tilespmem:s20], [sflag:$0x2] =	stream.linear.gather [hbm4b:s15+s3], $0x1000, $0x38;
	[tilespmem:$0x1D8A0] =	vst v63  }
0x2ad: {  	_ =	swait.ge [sflag:s18], $0x1000  }
0x2ae: {  	[sflag:s18] =	ssyncset.done $0x0  }
0x2af: {  	[sflag:s18] =	ssyncadd.s32 $0xFFFFF000  }
0x2b0: {  	_ =	swait.ge [sflag:s19], $0x1000  }
0x2b1: {  	[sflag:s19] =	ssyncset.done $0x0  }
0x2b2: {  	[sflag:s19] =	ssyncadd.s32 $0xFFFFF000  }
0x2b3: {  	[tilespmem:s22], [sflag:$0x1] =	stream.indirect.gather [spmem:s1], $0x40, s3, s21, $0xb8;
	[tilespmem:$0x1D8A0] =	vst v63  }
0x2b4: {  	_ = 	snop  }
0x2b5: {  	[tilespmem:s23], [sflag:$0x2] =	stream.indirect.gather [spmem:s1], $0x40, s21, s21, $0xb8;
	[tilespmem:$0x1D8A0] =	vst v63  }
0x2b6: {  	s16 =	rddreg [dreg:$0x6]  }
0x2b7: {  	[tilespmem:s24], [sflag:$0x3] =	stream.indirect.gather [spmem:s1], $0x40, s16, s21, $0xb8;
	[tilespmem:$0x1D8A0] =	vst v63  }
0x2b8: {  	s17 =	rddreg [dreg:$0x7]  }
0x2b9: {  	[tilespmem:s25], [sflag:$0x4] =	stream.indirect.gather [spmem:s1], $0x40, s17, s21, $0xb8;
	[tilespmem:$0x1D8A0] =	vst v63  }
0x2ba: {  	_ =	swait.ge [sflag:s18], $0x2000  }
0x2bb: {  	[sflag:s18] =	ssyncset.done $0x0  }
0x2bc: {  	[sflag:s18] =	ssyncadd.s32 $0xFFFFE000  }
0x2bd: {  	[spmem:s2] =	stream.indirect.scatter.add.f32 [tilespmem:s22], [sflag:$0x5], $0x40, s20, s21, $0xb8;
	[tilespmem:$0x1D8A0] =	vst v63  }
0x2be: {  	_ =	swait.ge [sflag:s26], $0x2000  }
0x2bf: {  	[sflag:s26] =	ssyncset.done $0x0  }
0x2c0: {  	s16 =	rddreg [dreg:$0x8];
	[sflag:s26] =	ssyncadd.s32 $0xFFFFE000  }
0x2c1: {  	[tilespmem:s22], [sflag:$0x1] =	stream.indirect.gather [spmem:s1], $0x40, s16, s21, $0xb8;
	[tilespmem:$0x1D8A0] =	vst v63  }
0x2c2: {  	_ =	swait.ge [sflag:s19], $0x2000  }
0x2c3: {  	[sflag:s19] =	ssyncset.done $0x0  }
0x2c4: {  	s17 =	rddreg [dreg:$0x9];
	[sflag:s19] =	ssyncadd.s32 $0xFFFFE000  }
0x2c5: {  	[spmem:s2] =	stream.indirect.scatter.add.f32 [tilespmem:s23], [sflag:$0x5], $0x40, s17, s21, $0xb8;
	[tilespmem:$0x1D8A0] =	vst v63  }
0x2c6: {  	_ =	swait.ge [sflag:s26], $0x2000  }
0x2c7: {  	[sflag:s26] =	ssyncset.done $0x0  }
0x2c8: {  	s15 =	rddreg [dreg:$0xa];
	[sflag:s26] =	ssyncadd.s32 $0xFFFFE000  }
0x2c9: {  	[tilespmem:s23], [sflag:$0x2] =	stream.indirect.gather [spmem:s1], $0x40, s15, s21, $0xb8;
	[tilespmem:$0x1D8A0] =	vst v63  }
0x2ca: {  	_ =	swait.ge [sflag:s28], $0x2000  }
0x2cb: {  	[sflag:s28] =	ssyncset.done $0x0  }
0x2cc: {  	s16 =	rddreg [dreg:$0xb];
	[sflag:s28] =	ssyncadd.s32 $0xFFFFE000  }
0x2cd: {  	[spmem:s2] =	stream.indirect.scatter.add.f32 [tilespmem:s24], [sflag:$0x5], $0x40, s16, s21, $0xb8;
	[tilespmem:$0x1D8A0] =	vst v63  }
0x2ce: {  	_ =	swait.ge [sflag:s26], $0x2000  }
0x2cf: {  	[sflag:s26] =	ssyncset.done $0x0  }
0x2d0: {  	s17 =	rddreg [dreg:$0xc];
	[sflag:s26] =	ssyncadd.s32 $0xFFFFE000  }
0x2d1: {  	[tilespmem:s24], [sflag:$0x3] =	stream.indirect.gather [spmem:s1], $0x40, s17, s21, $0xb8;
	[tilespmem:$0x1D8A0] =	vst v63  }
0x2d2: {  	_ =	swait.ge [sflag:s29], $0x2000  }
0x2d3: {  	[sflag:s29] =	ssyncset.done $0x0  }
0x2d4: {  	s15 =	rddreg [dreg:$0xd];
	[sflag:s29] =	ssyncadd.s32 $0xFFFFE000  }
0x2d5: {  	[spmem:s2] =	stream.indirect.scatter.add.f32 [tilespmem:s25], [sflag:$0x5], $0x40, s15, s21, $0xb8;
	[tilespmem:$0x1D8A0] =	vst v63  }
0x2d6: {  	_ =	swait.ge [sflag:s26], $0x2000  }
0x2d7: {  	[sflag:s26] =	ssyncset.done $0x0  }
0x2d8: {  	s16 =	rddreg [dreg:$0xe];
	[sflag:s26] =	ssyncadd.s32 $0xFFFFE000  }
0x2d9: {  	[tilespmem:s25], [sflag:$0x4] =	stream.indirect.gather [spmem:s1], $0x40, s16, s21, $0xb8;
	[tilespmem:$0x1D8A0] =	vst v63  }
0x2da: {  	_ =	swait.ge [sflag:s18], $0x2000  }
0x2db: {  	[sflag:s18] =	ssyncset.done $0x0  }
0x2dc: {  	s17 =	rddreg [dreg:$0xf];
	[sflag:s18] =	ssyncadd.s32 $0xFFFFE000  }
0x2dd: {  	[spmem:s2] =	stream.indirect.scatter.add.f32 [tilespmem:s22], [sflag:$0x5], $0x40, s17, s21, $0xb8;
	[tilespmem:$0x1D8A0] =	vst v63  }
0x2de: {  	_ =	swait.ge [sflag:s26], $0x2000  }
0x2df: {  	[sflag:s26] =	ssyncset.done $0x0  }
0x2e0: {  	s15 =	rddreg [dreg:$0x10];
	[sflag:s26] =	ssyncadd.s32 $0xFFFFE000  }
0x2e1: {  	[tilespmem:s22], [sflag:$0x1] =	stream.indirect.gather [spmem:s1], $0x40, s15, s21, $0xb8;
	[tilespmem:$0x1D8A0] =	vst v63  }
0x2e2: {  	_ =	swait.ge [sflag:s19], $0x2000  }
0x2e3: {  	[sflag:s19] =	ssyncset.done $0x0  }
0x2e4: {  	s16 =	rddreg [dreg:$0x11];
	[sflag:s19] =	ssyncadd.s32 $0xFFFFE000  }
0x2e5: {  	[spmem:s2] =	stream.indirect.scatter.add.f32 [tilespmem:s23], [sflag:$0x5], $0x40, s16, s21, $0xb8;
	[tilespmem:$0x1D8A0] =	vst v63  }
0x2e6: {  	_ =	swait.ge [sflag:s26], $0x2000  }
0x2e7: {  	[sflag:s26] =	ssyncset.done $0x0  }
0x2e8: {  	s17 =	rddreg [dreg:$0x12];
	[sflag:s26] =	ssyncadd.s32 $0xFFFFE000  }
0x2e9: {  	[tilespmem:s23], [sflag:$0x2] =	stream.indirect.gather [spmem:s1], $0x40, s17, s21, $0xb8;
	[tilespmem:$0x1D8A0] =	vst v63  }
0x2ea: {  	_ =	swait.ge [sflag:s28], $0x2000  }
0x2eb: {  	[sflag:s28] =	ssyncset.done $0x0  }
0x2ec: {  	s15 =	rddreg [dreg:$0x13];
	[sflag:s28] =	ssyncadd.s32 $0xFFFFE000  }
0x2ed: {  	[spmem:s2] =	stream.indirect.scatter.add.f32 [tilespmem:s24], [sflag:$0x5], $0x40, s15, s21, $0xb8;
	[tilespmem:$0x1D8A0] =	vst v63  }
0x2ee: {  	_ =	swait.ge [sflag:s26], $0x2000  }
0x2ef: {  	[sflag:s26] =	ssyncset.done $0x0  }
0x2f0: {  	s16 =	rddreg [dreg:$0x14];
	[sflag:s26] =	ssyncadd.s32 $0xFFFFE000  }
0x2f1: {  	[tilespmem:s24], [sflag:$0x3] =	stream.indirect.gather [spmem:s1], $0x40, s16, s21, $0xb8;
	[tilespmem:$0x1D8A0] =	vst v63  }
0x2f2: {  	_ =	swait.ge [sflag:s29], $0x2000  }
0x2f3: {  	[sflag:s29] =	ssyncset.done $0x0  }
0x2f4: {  	s17 =	rddreg [dreg:$0x15];
	[sflag:s29] =	ssyncadd.s32 $0xFFFFE000  }
0x2f5: {  	[spmem:s2] =	stream.indirect.scatter.add.f32 [tilespmem:s25], [sflag:$0x5], $0x40, s17, s21, $0xb8;
	[tilespmem:$0x1D8A0] =	vst v63  }
0x2f6: {  	_ =	swait.ge [sflag:s26], $0x2000  }
0x2f7: {  	[sflag:s26] =	ssyncset.done $0x0  }
0x2f8: {  	s15 =	rddreg [dreg:$0x16];
	[sflag:s26] =	ssyncadd.s32 $0xFFFFE000  }
0x2f9: {  	[tilespmem:s25], [sflag:$0x4] =	stream.indirect.gather [spmem:s1], $0x40, s15, s21, $0xb8;
	[tilespmem:$0x1D8A0] =	vst v63  }
0x2fa: {  	_ =	swait.ge [sflag:s18], $0x2000  }
0x2fb: {  	[sflag:s18] =	ssyncset.done $0x0  }
0x2fc: {  	s16 =	rddreg [dreg:$0x17];
	[sflag:s18] =	ssyncadd.s32 $0xFFFFE000  }
0x2fd: {  	[spmem:s2] =	stream.indirect.scatter.add.f32 [tilespmem:s22], [sflag:$0x5], $0x40, s16, s21, $0xb8;
	[tilespmem:$0x1D8A0] =	vst v63  }
0x2fe: {  	_ =	swait.ge [sflag:s26], $0x2000  }
0x2ff: {  	[sflag:s26] =	ssyncset.done $0x0  }
0x300: {  	s17 =	rddreg [dreg:$0x18];
	[sflag:s26] =	ssyncadd.s32 $0xFFFFE000  }
0x301: {  	[tilespmem:s22], [sflag:$0x1] =	stream.indirect.gather [spmem:s1], $0x40, s17, s21, $0xb8;
	[tilespmem:$0x1D8A0] =	vst v63  }
0x302: {  	_ =	swait.ge [sflag:s19], $0x2000  }
0x303: {  	[sflag:s19] =	ssyncset.done $0x0  }
0x304: {  	s15 =	rddreg [dreg:$0x19];
	[sflag:s19] =	ssyncadd.s32 $0xFFFFE000  }
0x305: {  	[spmem:s2] =	stream.indirect.scatter.add.f32 [tilespmem:s23], [sflag:$0x5], $0x40, s15, s21, $0xb8;
	[tilespmem:$0x1D8A0] =	vst v63  }
0x306: {  	_ =	swait.ge [sflag:s26], $0x2000  }
0x307: {  	[sflag:s26] =	ssyncset.done $0x0  }
0x308: {  	s16 =	rddreg [dreg:$0x1a];
	[sflag:s26] =	ssyncadd.s32 $0xFFFFE000  }
0x309: {  	[tilespmem:s23], [sflag:$0x2] =	stream.indirect.gather [spmem:s1], $0x40, s16, s21, $0xb8;
	[tilespmem:$0x1D8A0] =	vst v63  }
0x30a: {  	_ =	swait.ge [sflag:s28], $0x2000  }
0x30b: {  	[sflag:s28] =	ssyncset.done $0x0  }
0x30c: {  	s17 =	rddreg [dreg:$0x1b];
	[sflag:s28] =	ssyncadd.s32 $0xFFFFE000  }
0x30d: {  	[spmem:s2] =	stream.indirect.scatter.add.f32 [tilespmem:s24], [sflag:$0x5], $0x40, s17, s21, $0xb8;
	[tilespmem:$0x1D8A0] =	vst v63  }
0x30e: {  	_ =	swait.ge [sflag:s26], $0x2000  }
0x30f: {  	[sflag:s26] =	ssyncset.done $0x0  }
0x310: {  	s15 =	rddreg [dreg:$0x1c];
	[sflag:s26] =	ssyncadd.s32 $0xFFFFE000  }
0x311: {  	[tilespmem:s24], [sflag:$0x3] =	stream.indirect.gather [spmem:s1], $0x40, s15, s21, $0xb8;
	[tilespmem:$0x1D8A0] =	vst v63  }
0x312: {  	_ =	swait.ge [sflag:s29], $0x2000  }
0x313: {  	[sflag:s29] =	ssyncset.done $0x0  }
0x314: {  	s16 =	rddreg [dreg:$0x1d];
	[sflag:s29] =	ssyncadd.s32 $0xFFFFE000  }
0x315: {  	[spmem:s2] =	stream.indirect.scatter.add.f32 [tilespmem:s25], [sflag:$0x5], $0x40, s16, s21, $0xb8;
	[tilespmem:$0x1D8A0] =	vst v63  }
0x316: {  	_ =	swait.ge [sflag:s26], $0x2000  }
0x317: {  	[sflag:s26] =	ssyncset.done $0x0  }
0x318: {  	s17 =	rddreg [dreg:$0x1e];
	[sflag:s26] =	ssyncadd.s32 $0xFFFFE000  }
0x319: {  	[tilespmem:s25], [sflag:$0x4] =	stream.indirect.gather [spmem:s1], $0x40, s17, s21, $0xb8;
	[tilespmem:$0x1D8A0] =	vst v63  }
0x31a: {  	_ =	swait.ge [sflag:s18], $0x2000  }
0x31b: {  	[sflag:s18] =	ssyncset.done $0x0  }
0x31c: {  	s15 =	rddreg [dreg:$0x1f];
	[sflag:s18] =	ssyncadd.s32 $0xFFFFE000  }
0x31d: {  	[spmem:s2] =	stream.indirect.scatter.add.f32 [tilespmem:s22], [sflag:$0x5], $0x40, s15, s21, $0xb8;
	[tilespmem:$0x1D8A0] =	vst v63  }
0x31e: {  	_ =	swait.ge [sflag:s26], $0x2000  }
0x31f: {  	s16 =	sld [smem:$0x7DE]  }
0x320: {  	[sflag:s26] =	ssyncset.done $0x0  }
0x321: {  	[sflag:s26] =	ssyncadd.s32 $0xFFFFE000  }
0x322: {  	[tilespmem:s22], [sflag:$0x1] =	stream.indirect.gather [spmem:s1], $0x40, s16, s21, $0xb8;
	[tilespmem:$0x1D8A0] =	vst v63  }
0x323: {  	_ =	swait.ge [sflag:s19], $0x2000  }
0x324: {  	s17 =	sld [smem:$0x7DF]  }
0x325: {  	[sflag:s19] =	ssyncset.done $0x0  }
0x326: {  	[sflag:s19] =	ssyncadd.s32 $0xFFFFE000  }
0x327: {  	[spmem:s2] =	stream.indirect.scatter.add.f32 [tilespmem:s23], [sflag:$0x5], $0x40, s17, s21, $0xb8;
	[tilespmem:$0x1D8A0] =	vst v63  }
0x328: {  	_ =	swait.ge [sflag:s26], $0x2000  }
0x329: {  	s15 =	sld [smem:$0x7E1]  }
0x32a: {  	[sflag:s26] =	ssyncset.done $0x0  }
0x32b: {  	[sflag:s26] =	ssyncadd.s32 $0xFFFFE000  }
0x32c: {  	[tilespmem:s23], [sflag:$0x2] =	stream.indirect.gather [spmem:s1], $0x40, s15, s21, $0xb8;
	[tilespmem:$0x1D8A0] =	vst v63  }
0x32d: {  	_ =	swait.ge [sflag:s28], $0x2000  }
0x32e: {  	s16 =	sld [smem:$0x7E2]  }
0x32f: {  	[sflag:s28] =	ssyncset.done $0x0  }
0x330: {  	[sflag:s28] =	ssyncadd.s32 $0xFFFFE000  }
0x331: {  	[spmem:s2] =	stream.indirect.scatter.add.f32 [tilespmem:s24], [sflag:$0x5], $0x40, s16, s21, $0xb8;
	[tilespmem:$0x1D8A0] =	vst v63  }
0x332: {  	_ =	swait.ge [sflag:s26], $0x2000  }
0x333: {  	s17 =	sld [smem:$0x7E3]  }
0x334: {  	[sflag:s26] =	ssyncset.done $0x0  }
0x335: {  	[sflag:s26] =	ssyncadd.s32 $0xFFFFE000  }
0x336: {  	[tilespmem:s24], [sflag:$0x3] =	stream.indirect.gather [spmem:s1], $0x40, s17, s21, $0xb8;
	[tilespmem:$0x1D8A0] =	vst v63  }
0x337: {  	_ =	swait.ge [sflag:s29], $0x2000  }
0x338: {  	s15 =	sld [smem:$0x7E5]  }
0x339: {  	[sflag:s29] =	ssyncset.done $0x0  }
0x33a: {  	[sflag:s29] =	ssyncadd.s32 $0xFFFFE000  }
0x33b: {  	[spmem:s2] =	stream.indirect.scatter.add.f32 [tilespmem:s25], [sflag:$0x5], $0x40, s15, s21, $0xb8;
	[tilespmem:$0x1D8A0] =	vst v63  }
0x33c: {  	_ =	swait.ge [sflag:s26], $0x2000  }
0x33d: {  	s16 =	sld [smem:$0x7E6]  }
0x33e: {  	[sflag:s26] =	ssyncset.done $0x0  }
0x33f: {  	[sflag:s26] =	ssyncadd.s32 $0xFFFFE000  }
0x340: {  	[tilespmem:s25], [sflag:$0x4] =	stream.indirect.gather [spmem:s1], $0x40, s16, s21, $0xb8;
	[tilespmem:$0x1D8A0] =	vst v63  }
0x341: {  	_ =	swait.ge [sflag:s18], $0x2000  }
0x342: {  	s17 =	sld [smem:$0x7E7]  }
0x343: {  	[sflag:s18] =	ssyncset.done $0x0  }
0x344: {  	[sflag:s18] =	ssyncadd.s32 $0xFFFFE000  }
0x345: {  	[spmem:s2] =	stream.indirect.scatter.add.f32 [tilespmem:s22], [sflag:$0x5], $0x40, s17, s21, $0xb8;
	[tilespmem:$0x1D8A0] =	vst v63  }
0x346: {  	_ =	swait.ge [sflag:s26], $0x2000  }
0x347: {  	s15 =	sld [smem:$0x7E9]  }
0x348: {  	[sflag:s26] =	ssyncset.done $0x0  }
0x349: {  	[sflag:s26] =	ssyncadd.s32 $0xFFFFE000  }
0x34a: {  	[tilespmem:s22], [sflag:$0x1] =	stream.indirect.gather [spmem:s1], $0x40, s15, s21, $0xb8;
	[tilespmem:$0x1D8A0] =	vst v63  }
0x34b: {  	_ =	swait.ge [sflag:s19], $0x2000  }
0x34c: {  	s16 =	sld [smem:$0x7EB]  }
0x34d: {  	[sflag:s19] =	ssyncset.done $0x0  }
0x34e: {  	[sflag:s19] =	ssyncadd.s32 $0xFFFFE000  }
0x34f: {  	[spmem:s2] =	stream.indirect.scatter.add.f32 [tilespmem:s23], [sflag:$0x5], $0x40, s16, s21, $0xb8;
	[tilespmem:$0x1D8A0] =	vst v63  }
0x350: {  	_ =	swait.ge [sflag:s26], $0x2000  }
0x351: {  	s17 =	sld [smem:$0x7EC]  }
0x352: {  	[sflag:s26] =	ssyncset.done $0x0  }
0x353: {  	[sflag:s26] =	ssyncadd.s32 $0xFFFFE000  }
0x354: {  	[tilespmem:s23], [sflag:$0x2] =	stream.indirect.gather [spmem:s1], $0x40, s17, s21, $0xb8;
	[tilespmem:$0x1D8A0] =	vst v63  }
0x355: {  	_ =	swait.ge [sflag:s28], $0x2000  }
0x356: {  	s15 =	sld [smem:$0x7EE]  }
0x357: {  	[sflag:s28] =	ssyncset.done $0x0  }
0x358: {  	[sflag:s28] =	ssyncadd.s32 $0xFFFFE000  }
0x359: {  	[spmem:s2] =	stream.indirect.scatter.add.f32 [tilespmem:s24], [sflag:$0x5], $0x40, s15, s21, $0xb8;
	[tilespmem:$0x1D8A0] =	vst v63  }
0x35a: {  	_ =	swait.ge [sflag:s26], $0x2000  }
0x35b: {  	s16 =	sld [smem:$0x7F1]  }
0x35c: {  	[sflag:s26] =	ssyncset.done $0x0  }
0x35d: {  	[sflag:s26] =	ssyncadd.s32 $0xFFFFE000  }
0x35e: {  	[tilespmem:s24], [sflag:$0x3] =	stream.indirect.gather [spmem:s1], $0x40, s16, s21, $0xb8;
	[tilespmem:$0x1D8A0] =	vst v63  }
0x35f: {  	_ =	swait.ge [sflag:s29], $0x2000  }
0x360: {  	s17 =	sld [smem:$0x7F2]  }
0x361: {  	[sflag:s29] =	ssyncset.done $0x0  }
0x362: {  	[sflag:s29] =	ssyncadd.s32 $0xFFFFE000  }
0x363: {  	[spmem:s2] =	stream.indirect.scatter.add.f32 [tilespmem:s25], [sflag:$0x5], $0x40, s17, s21, $0xb8;
	[tilespmem:$0x1D8A0] =	vst v63  }
0x364: {  	_ =	swait.ge [sflag:s26], $0x2000  }
0x365: {  	s15 =	sld [smem:$0x7F4]  }
0x366: {  	[sflag:s26] =	ssyncset.done $0x0  }
0x367: {  	[sflag:s26] =	ssyncadd.s32 $0xFFFFE000  }
0x368: {  	[tilespmem:s25], [sflag:$0x4] =	stream.indirect.gather [spmem:s1], $0x40, s15, s21, $0xb8;
	[tilespmem:$0x1D8A0] =	vst v63  }
0x369: {  	_ =	swait.ge [sflag:s18], $0x2000  }
0x36a: {  	s16 =	sld [smem:$0x7F5]  }
0x36b: {  	[sflag:s18] =	ssyncset.done $0x0  }
0x36c: {  	[sflag:s18] =	ssyncadd.s32 $0xFFFFE000  }
0x36d: {  	[spmem:s2] =	stream.indirect.scatter.add.f32 [tilespmem:s22], [sflag:$0x5], $0x40, s16, s21, $0xb8;
	[tilespmem:$0x1D8A0] =	vst v63  }
0x36e: {  	_ =	swait.ge [sflag:s26], $0x2000  }
0x36f: {  	s17 =	sld [smem:$0x7F6]  }
0x370: {  	[sflag:s26] =	ssyncset.done $0x0  }
0x371: {  	[sflag:s26] =	ssyncadd.s32 $0xFFFFE000  }
0x372: {  	[tilespmem:s22], [sflag:$0x1] =	stream.indirect.gather [spmem:s1], $0x40, s17, s21, $0xb8;
	[tilespmem:$0x1D8A0] =	vst v63  }
0x373: {  	_ =	swait.ge [sflag:s19], $0x2000  }
0x374: {  	s15 =	sld [smem:$0x7F7]  }
0x375: {  	[sflag:s19] =	ssyncset.done $0x0  }
0x376: {  	[sflag:s19] =	ssyncadd.s32 $0xFFFFE000  }
0x377: {  	[spmem:s2] =	stream.indirect.scatter.add.f32 [tilespmem:s23], [sflag:$0x5], $0x40, s15, s21, $0xb8;
	[tilespmem:$0x1D8A0] =	vst v63  }
0x378: {  	_ =	swait.ge [sflag:s26], $0x2000  }
0x379: {  	s16 =	sld [smem:$0x7F8]  }
0x37a: {  	[sflag:s26] =	ssyncset.done $0x0  }
0x37b: {  	[sflag:s26] =	ssyncadd.s32 $0xFFFFE000  }
0x37c: {  	[tilespmem:s23], [sflag:$0x2] =	stream.indirect.gather [spmem:s1], $0x40, s16, s21, $0xb8;
	[tilespmem:$0x1D8A0] =	vst v63  }
0x37d: {  	_ =	swait.ge [sflag:s28], $0x2000  }
0x37e: {  	s17 =	sld [smem:$0x7F9]  }
0x37f: {  	[sflag:s28] =	ssyncset.done $0x0  }
0x380: {  	[sflag:s28] =	ssyncadd.s32 $0xFFFFE000  }
0x381: {  	[spmem:s2] =	stream.indirect.scatter.add.f32 [tilespmem:s24], [sflag:$0x5], $0x40, s17, s21, $0xb8;
	[tilespmem:$0x1D8A0] =	vst v63  }
0x382: {  	_ =	swait.ge [sflag:s26], $0x2000  }
0x383: {  	s15 =	sld [smem:$0x7FA]  }
0x384: {  	[sflag:s26] =	ssyncset.done $0x0  }
0x385: {  	[sflag:s26] =	ssyncadd.s32 $0xFFFFE000  }
0x386: {  	[tilespmem:s24], [sflag:$0x3] =	stream.indirect.gather [spmem:s1], $0x40, s15, s21, $0xb8;
	[tilespmem:$0x1D8A0] =	vst v63  }
0x387: {  	_ =	swait.ge [sflag:s29], $0x2000  }
0x388: {  	s16 =	sld [smem:$0x7FB]  }
0x389: {  	[sflag:s29] =	ssyncset.done $0x0  }
0x38a: {  	[sflag:s29] =	ssyncadd.s32 $0xFFFFE000  }
0x38b: {  	[spmem:s2] =	stream.indirect.scatter.add.f32 [tilespmem:s25], [sflag:$0x5], $0x40, s16, s21, $0xb8;
	[tilespmem:$0x1D8A0] =	vst v63  }
0x38c: {  	_ =	swait.ge [sflag:s26], $0x2000  }
0x38d: {  	[sflag:s26] =	ssyncset.done $0x0  }
0x38e: {  	s17 =	simm.s32 $0xD80;
	[sflag:s26] =	ssyncadd.s32 $0xFFFFE000  }
0x38f: {  	[tilespmem:s25], [sflag:$0x4] =	stream.indirect.gather [spmem:s1], $0x40, s17, s21, $0xb8;
	[tilespmem:$0x1D8A0] =	vst v63  }
0x390: {  	_ =	swait.ge [sflag:s18], $0x2000  }
0x391: {  	[sflag:s18] =	ssyncset.done $0x0  }
0x392: {  	[sflag:s18] =	ssyncadd.s32 $0xFFFFE000  }
0x393: {  	[spmem:s2] =	stream.indirect.scatter.add.f32 [tilespmem:s22], [sflag:$0x5], $0x40, s31, s21, $0xb8;
	[tilespmem:$0x1D8A0] =	vst v63  }
0x394: {  	_ =	swait.ge [sflag:s26], $0x2000  }
0x395: {  	[sflag:s26] =	ssyncset.done $0x0  }
0x396: {  	[sflag:s26] =	ssyncadd.s32 $0xFFFFE000  }
0x397: {  	[tilespmem:s22], [sflag:$0x1] =	stream.indirect.gather [spmem:s1], $0x40, s0, s21, $0xb8;
	[tilespmem:$0x1D8A0] =	vst v63  }
0x398: {  	_ =	swait.ge [sflag:s19], $0x2000  }
0x399: {  	[sflag:s19] =	ssyncset.done $0x0  }
0x39a: {  	[sflag:s19] =	ssyncadd.s32 $0xFFFFE000  }
0x39b: {  	[spmem:s2] =	stream.indirect.scatter.add.f32 [tilespmem:s23], [sflag:$0x5], $0x40, s4, s21, $0xb8;
	[tilespmem:$0x1D8A0] =	vst v63  }
0x39c: {  	_ =	swait.ge [sflag:s26], $0x2000  }
0x39d: {  	[sflag:s26] =	ssyncset.done $0x0  }
0x39e: {  	[sflag:s26] =	ssyncadd.s32 $0xFFFFE000  }
0x39f: {  	[tilespmem:s23], [sflag:$0x2] =	stream.indirect.gather [spmem:s1], $0x40, s6, s21, $0xb8;
	[tilespmem:$0x1D8A0] =	vst v63  }
0x3a0: {  	_ =	swait.ge [sflag:s28], $0x2000  }
0x3a1: {  	[sflag:s28] =	ssyncset.done $0x0  }
0x3a2: {  	[sflag:s28] =	ssyncadd.s32 $0xFFFFE000  }
0x3a3: {  	[spmem:s2] =	stream.indirect.scatter.add.f32 [tilespmem:s24], [sflag:$0x5], $0x40, s7, s21, $0xb8;
	[tilespmem:$0x1D8A0] =	vst v63  }
0x3a4: {  	_ =	swait.ge [sflag:s26], $0x2000  }
0x3a5: {  	[sflag:s26] =	ssyncset.done $0x0  }
0x3a6: {  	[sflag:s26] =	ssyncadd.s32 $0xFFFFE000  }
0x3a7: {  	[tilespmem:s24], [sflag:$0x3] =	stream.indirect.gather [spmem:s1], $0x40, s8, s21, $0xb8;
	[tilespmem:$0x1D8A0] =	vst v63  }
0x3a8: {  	_ =	swait.ge [sflag:s29], $0x2000  }
0x3a9: {  	[sflag:s29] =	ssyncset.done $0x0  }
0x3aa: {  	[sflag:s29] =	ssyncadd.s32 $0xFFFFE000  }
0x3ab: {  	[spmem:s2] =	stream.indirect.scatter.add.f32 [tilespmem:s25], [sflag:$0x5], $0x40, s9, s21, $0xb8;
	[tilespmem:$0x1D8A0] =	vst v63  }
0x3ac: {  	_ =	swait.ge [sflag:s26], $0x2000  }
0x3ad: {  	[sflag:s26] =	ssyncset.done $0x0  }
0x3ae: {  	[sflag:s26] =	ssyncadd.s32 $0xFFFFE000  }
0x3af: {  	[tilespmem:s25], [sflag:$0x4] =	stream.indirect.gather [spmem:s1], $0x40, s10, s21, $0xb8;
	[tilespmem:$0x1D8A0] =	vst v63  }
0x3b0: {  	_ =	swait.ge [sflag:s18], $0x2000  }
0x3b1: {  	[sflag:s18] =	ssyncset.done $0x0  }
0x3b2: {  	[sflag:s18] =	ssyncadd.s32 $0xFFFFE000  }
0x3b3: {  	[spmem:s2] =	stream.indirect.scatter.add.f32 [tilespmem:s22], [sflag:$0x5], $0x40, s11, s21, $0xb8;
	[tilespmem:$0x1D8A0] =	vst v63  }
0x3b4: {  	_ =	swait.ge [sflag:s26], $0x2000  }
0x3b5: {  	[sflag:s26] =	ssyncset.done $0x0  }
0x3b6: {  	[sflag:s26] =	ssyncadd.s32 $0xFFFFE000  }
0x3b7: {  	_ =	swait.ge [sflag:s19], $0x2000  }
0x3b8: {  	[sflag:s19] =	ssyncset.done $0x0  }
0x3b9: {  	[sflag:s19] =	ssyncadd.s32 $0xFFFFE000  }
0x3ba: {  	[spmem:s2] =	stream.indirect.scatter.add.f32 [tilespmem:s23], [sflag:$0x5], $0x40, s12, s21, $0xb8;
	[tilespmem:$0x1D8A0] =	vst v63  }
0x3bb: {  	_ =	swait.ge [sflag:s26], $0x2000  }
0x3bc: {  	[sflag:s26] =	ssyncset.done $0x0  }
0x3bd: {  	[sflag:s26] =	ssyncadd.s32 $0xFFFFE000  }
0x3be: {  	_ =	swait.ge [sflag:s28], $0x2000  }
0x3bf: {  	[sflag:s28] =	ssyncset.done $0x0  }
0x3c0: {  	[sflag:s28] =	ssyncadd.s32 $0xFFFFE000  }
0x3c1: {  	[spmem:s2] =	stream.indirect.scatter.add.f32 [tilespmem:s24], [sflag:$0x5], $0x40, s13, s21, $0xb8;
	[tilespmem:$0x1D8A0] =	vst v63  }
0x3c2: {  	_ =	swait.ge [sflag:s26], $0x2000  }
0x3c3: {  	[sflag:s26] =	ssyncset.done $0x0  }
0x3c4: {  	[sflag:s26] =	ssyncadd.s32 $0xFFFFE000  }
0x3c5: {  	_ =	swait.ge [sflag:s29], $0x2000  }
0x3c6: {  	[sflag:s29] =	ssyncset.done $0x0  }
0x3c7: {  	[sflag:s29] =	ssyncadd.s32 $0xFFFFE000  }
0x3c8: {  	[spmem:s2] =	stream.indirect.scatter.add.f32 [tilespmem:s25], [sflag:$0x5], $0x40, s14, s21, $0xb8;
	[tilespmem:$0x1D8A0] =	vst v63  }
0x3c9: {  	_ =	swait.ge [sflag:s26], $0x2000  }
0x3ca: {  	[sflag:s26] =	ssyncset.done $0x0  }
0x3cb: {  	[sflag:s26] =	ssyncadd.s32 $0xFFFFE000  }
0x3cc: {  	[bflag:$0x0] =	sbarrier.arrive $0xFFFF  }
0x3cd: {  	s15 =	sld [smem:$0x7EF]  }
0x3ce: {  	s16 =	sld [smem:$0x7E4]  }
0x3cf: {  	s17 =	sld [smem:$0x7FC];
	_ =	sdelay $0x1  }
0x3d0: {  	s5 =	sor.u32 $0x1C05, s15  }
0x3d1: {  	[hbm:s16], [sflag:s5] =	dma.local [spmem:s17], $0x1380  }
0x3d2: {  	_ =	swait.ge [sflag:s26], $0x1380  }
0x3d3: {  	s15 =	sld [smem:$0x7E8]  }
0x3d4: {  	s30 =	sld [smem:$0x7FD]  }
0x3d5: {  	[sflag:s26] =	ssyncset.done $0x0  }
0x3d6: {  	[sflag:s26] =	ssyncadd.s32 $0xFFFFEC80  }
0x3d7: {  	[hbm:s15], [sflag:s5] =	dma.local @!p0 [spmem:s30], $0x80  }
0x3d8: {  	s5 =	simm.s32 @!p0 $0x5  }
0x3d9: {  	_ =	swait.ge @!p0 [sflag:s5], $0x80  }
0x3da: {  	s15 =	sld [smem:$0x7D9];
	_ =	sdelay $0x2  }
0x3db: {  	s16 =	sadd.s32 $0x1, s15;
	s15 =	sld [smem:$0x7EA];
	_ =	sdelay $0x2  }
0x3dc: {  	p1 =	sne.s32 s16, s15  }
.Ltmp1:
0x3dd: {  	_ = 	snop;
	(pc) =	sbr.rel @p1 .LBB2_1-.Ltmp1, $3  }
0x3de: {  	_ =	sdelay $0x1  }
0x3df: {  	[sflag:s5] =	ssyncset.done @!p0 $0x0  }
0x3e0: {  	[sflag:s5] =	ssyncadd.s32 @!p0 $0xFFFFFF80  }
0x3e1: {  	_ =	sfence.sel $0x180000  }
0x3e2: {  	[bflag:$0x0] =	sbarrier.arrive $0xFFFF  }
0x3e3: {  	_ =	strace $0x9000004A  }
0x3e4: {  	[bflag:$0x2] =	sbarrier.arrive $0xFFFF  }
0x3e5: {  	s0 =	rddreg [dreg:$0x3]  }
0x3e6: {  	s0 =	sadd.s32 @!p0 $0x100000, s0  }
0x3e7: {  	[sflag:s0] =	ssyncadd.tile.s32 @!p0 $0x1;
	_ =	shalt  }
.Lfunc_end2:
_tile_overlayer_lowered:
.L_overlay_start_2:
0x3e8: {  	(tag) =	ssettag $0x2  }
0x3e9: {  	s0 =	rddreg [dreg:$0x0];
	s2 =	stileid.u32  }
0x3ea: {  	s1 =	rddreg [dreg:$0x1];
	p0 =	sne.s32 s2, $0x0  }
0x3eb: {  	s3 =	rddreg [dreg:$0x2];
	[bflag:$0x3] =	sbarrier.arrive $0xFFFF;
	s2 =	simm.s32 @!p0 $0x1C05  }
0x3ec: {  	[timem:s3], [sflag:s2] =	dma.local @!p0 [hbm:s0], s1  }
0x3ed: {  	s0 =	simm.s32 @!p0 $0x5  }
0x3ee: {  	_ =	swait.ge @!p0 [sflag:s0], s1  }
0x3ef: {  	s1 =	ssub.s32 @!p0 $0x0, s1;
	[sflag:s0] =	ssyncset.done @!p0 $0x0  }
0x3f0: {  	[sflag:s0] =	ssyncadd.s32 @!p0 s1  }
0x3f1: {  	[bflag:$0x3] =	sbarrier.arrive $0xFFFF  }
0x3f2: {  	_ =	shalt  }

</sc_bundles>
